<compile_context>
chip_gen: v7x
topology: tpu7x:2x2x1
jax: 0.10.2.dev20260603
libtpu: 0.0.44.dev20260713+nightly
codegen_flags: <defaults>
</compile_context>

<pallas_src>
import functools
import math

import jax
import jax.numpy as jnp
from jax import lax
from jax.experimental import pallas as pl
from jax.experimental.pallas import tpu as pltpu
from jax.experimental.pallas import tpu_sc as plsc

_N = 10000
_D = 128
_S = 3

_TCH = 79
_CH = 128
_NP = _TCH * _CH

_T = 0.01
_LT = [[math.log(1.0 - 2 * _T) if i == j else math.log(_T) for j in range(3)]
       for i in range(3)]
_LS = [math.log(0.1), math.log(0.8), math.log(0.1)]
_BIG = -1e30


_RANKS = (1999.0, 2000.0, 4999.0, 5000.0, 7999.0, 8000.0)
_FRACS = (0.2 * 9999.0 - 1999.0, 0.5 * 9999.0 - 4999.0, 0.8 * 9999.0 - 7999.0)
_SGN = -2147483648


def _vit_kernel(sm_ref, out_ref, p0, p1, p2, w0, w1, w2, obs_s):
    lane = lax.broadcasted_iota(jnp.int32, (1, _CH), 1)
    fbig = jnp.full((1, _CH), _BIG, jnp.float32)
    fzero = jnp.zeros((1, _CH), jnp.float32)

    t_iota = lax.broadcasted_iota(jnp.int32, (_TCH, _CH), 0)
    c_iota = lax.broadcasted_iota(jnp.int32, (_TCH, _CH), 1)
    valid2d = (c_iota * _TCH + t_iota) < _N
    sm = sm_ref[...]
    mean = jnp.sum(jnp.where(valid2d, sm, 0.0)) / _N
    d = sm - mean
    varsm = jnp.sum(jnp.where(valid2d, d * d, 0.0)) / _N
    stde = jnp.sqrt(varsm) + 1e-8
    obs = jnp.where(valid2d, d / stde, 0.0)
    obs_s[...] = obs
    cv = varsm / (stde * stde) + 1e-4
    inv_cv = 1.0 / cv
    lcv = jnp.log(2.0 * jnp.pi * cv)

    b = lax.bitcast_convert_type(obs, jnp.int32)
    key = lax.bitwise_xor(
        b, lax.bitwise_and(lax.shift_right_arithmetic(b, 31),
                           jnp.int32(0x7FFFFFFF)))
    key = jnp.where(valid2d, key, jnp.int32(0x7FFFFFFF))

    def bs_step(i, Ps):
        bitv = lax.shift_left(jnp.int32(1), 31 - i)
        out = []
        for idx in range(6):
            C = lax.bitwise_or(Ps[idx], bitv)
            th = lax.bitwise_xor(C, jnp.int32(_SGN))
            cnt = jnp.sum(jnp.where(key < th, 1.0, 0.0))
            out.append(jnp.where(cnt <= _RANKS[idx], C, Ps[idx]))
        return tuple(out)

    Ps = lax.fori_loop(0, 32, bs_step, tuple(jnp.int32(0) for _ in range(6)))
    vs = []
    for idx in range(6):
        ks = lax.bitwise_xor(Ps[idx], jnp.int32(_SGN))
        bb = jnp.where(ks >= 0, ks, lax.bitwise_xor(ks, jnp.int32(0x7FFFFFFF)))
        vs.append(lax.bitcast_convert_type(bb, jnp.float32))
    m = [vs[0] * (1.0 - _FRACS[0]) + vs[1] * _FRACS[0],
         vs[2] * (1.0 - _FRACS[1]) + vs[3] * _FRACS[1],
         vs[4] * (1.0 - _FRACS[2]) + vs[5] * _FRACS[2]]

    def le_row(tl):
        o = obs_s[pl.ds(tl, 1), :]
        return [-0.5 * ((o - m[j]) * (o - m[j]) * inv_cv + lcv) for j in range(3)]

    def valid_row(tl):
        return (lane * _TCH + tl) < _N

    def stepA(tl, M):
        le = le_row(tl)
        valid = valid_row(tl)
        is_first = jnp.logical_and(lane == 0, tl == 0)
        S = []
        for i in range(3):
            for j in range(3):
                if i == j:
                    v = jnp.where(is_first, le[j], _LT[i][j] + le[j])
                    v = jnp.where(valid, v, fzero)
                else:
                    v = jnp.where(is_first, fbig, _LT[i][j] + le[j])
                    v = jnp.where(valid, v, fbig)
                S.append(v)
        out = []
        for i in range(3):
            for j in range(3):
                out.append(jnp.maximum(
                    jnp.maximum(M[3 * i + 0] + S[0 * 3 + j],
                                M[3 * i + 1] + S[1 * 3 + j]),
                    M[3 * i + 2] + S[2 * 3 + j]))
        return tuple(out)

    Minit = tuple(fzero if i == j else fbig for i in range(3) for j in range(3))
    M = lax.fori_loop(0, _TCH, stepA, Minit)

    X = list(M)
    for k in (1, 2, 4, 8, 16, 32, 64):
        sh = []
        for i in range(3):
            for j in range(3):
                r = pltpu.roll(X[3 * i + j], k, axis=1)
                idv = fzero if i == j else fbig
                sh.append(jnp.where(lane < k, idv, r))
        newX = []
        for i in range(3):
            for j in range(3):
                newX.append(jnp.maximum(
                    jnp.maximum(sh[3 * i + 0] + X[0 * 3 + j],
                                sh[3 * i + 1] + X[1 * 3 + j]),
                    sh[3 * i + 2] + X[2 * 3 + j]))
        X = newX
    Pfx = []
    for i in range(3):
        for j in range(3):
            r = pltpu.roll(X[3 * i + j], 1, axis=1)
            idv = fzero if i == j else fbig
            Pfx.append(jnp.where(lane < 1, idv, r))
    vstart = []
    for j in range(3):
        vstart.append(jnp.maximum(
            jnp.maximum(_LS[0] + Pfx[0 * 3 + j], _LS[1] + Pfx[1 * 3 + j]),
            _LS[2] + Pfx[2 * 3 + j]))

    izero = jnp.zeros((1, _CH), jnp.int32)
    ione = jnp.full((1, _CH), 1, jnp.int32)
    itwo = jnp.full((1, _CH), 2, jnp.int32)
    iconst = [izero, ione, itwo]

    def stepC(tl, v):
        le = le_row(tl)
        valid = valid_row(tl)
        is_first = jnp.logical_and(lane == 0, tl == 0)
        newv = []
        for j in range(3):
            c0 = v[0] + _LT[0][j]
            c1 = v[1] + _LT[1][j]
            c2 = v[2] + _LT[2][j]
            b = c0
            p = izero
            u1 = c1 > b
            b = jnp.where(u1, c1, b)
            p = jnp.where(u1, ione, p)
            u2 = c2 > b
            b = jnp.where(u2, c2, b)
            p = jnp.where(u2, itwo, p)
            nv = jnp.where(is_first, v[j] + le[j], b + le[j])
            nv = jnp.where(valid, nv, v[j])
            newv.append(nv)
            pstore = jnp.where(jnp.logical_and(valid, jnp.logical_not(is_first)),
                               p, iconst[j])
            pref = (p0, p1, p2)[j]
            pref[pl.ds(tl, 1), :] = pstore
        return tuple(newv)

    vend = lax.fori_loop(0, _TCH, stepC, tuple(vstart))

    lb = vend[0]
    lp = izero
    u1 = vend[1] > lb
    lb = jnp.where(u1, vend[1], lb)
    lp = jnp.where(u1, ione, lp)
    u2 = vend[2] > lb
    lp = jnp.where(u2, itwo, lp)
    last = jnp.sum(jnp.where(lane == _CH - 1, lp, izero))

    def sel_map(r0, r1, r2, s):
        return jnp.where(s == 0, r0, jnp.where(s == 1, r1, r2))

    pr0 = []
    for j in range(3):
        pref = (p0, p1, p2)[j]
        r = pltpu.roll(pref[pl.ds(0, 1), :], _CH - 1, axis=1)
        pr0.append(jnp.where(lane == _CH - 1, iconst[j], r))

    cur = [izero, ione, itwo]
    nxt = [sel_map(pr0[0], pr0[1], pr0[2], cur[s]) for s in range(3)]
    for s in range(3):
        (w0, w1, w2)[s][pl.ds(_TCH - 1, 1), :] = nxt[s]
    cur = nxt

    def stepD(i, cur):
        tl = _TCH - 2 - i
        r0 = p0[pl.ds(tl + 1, 1), :]
        r1 = p1[pl.ds(tl + 1, 1), :]
        r2 = p2[pl.ds(tl + 1, 1), :]
        n0 = sel_map(r0, r1, r2, cur[0])
        n1 = sel_map(r0, r1, r2, cur[1])
        n2 = sel_map(r0, r1, r2, cur[2])
        w0[pl.ds(tl, 1), :] = n0
        w1[pl.ds(tl, 1), :] = n1
        w2[pl.ds(tl, 1), :] = n2
        return (n0, n1, n2)

    G = lax.fori_loop(0, _TCH - 1, stepD, tuple(cur))

    H = list(G)
    for k in (1, 2, 4, 8, 16, 32, 64):
        Y = []
        for s in range(3):
            r = pltpu.roll(H[s], _CH - k, axis=1)
            Y.append(jnp.where(lane >= _CH - k, iconst[s], r))
        H = [sel_map(H[0], H[1], H[2], Y[s]) for s in range(3)]
    E = []
    for s in range(3):
        r = pltpu.roll(H[s], _CH - 1, axis=1)
        E.append(jnp.where(lane == _CH - 1, iconst[s], r))
    inc = sel_map(E[0], E[1], E[2], jnp.full((1, _CH), 1, jnp.int32) * last)

    sts = jnp.where(inc == 0, w0[...], jnp.where(inc == 1, w1[...], w2[...]))
    out_ref[...] = (sts + 1).astype(jnp.float32)


def _viterbi_states(sm):
    sm_pad = jnp.concatenate([sm, jnp.zeros((_NP - _N,), jnp.float32)])
    sm2d = sm_pad.reshape(_CH, _TCH).T
    out = pl.pallas_call(
        _vit_kernel,
        out_shape=jax.ShapeDtypeStruct((_TCH, _CH), jnp.float32),
        in_specs=[pl.BlockSpec(memory_space=pltpu.VMEM)],
        scratch_shapes=[pltpu.VMEM((_TCH, _CH), jnp.int32)] * 6
        + [pltpu.VMEM((_TCH, _CH), jnp.float32)],
    )(sm2d)
    return out


_E = 320000
_NW = 32
_EW = _E // _NW
_NPAD = 10240
_NROWS = _NPAD // 128


def _sc_scatter_body(st_hbm, edge_hbm, out_s, out_c,
                     row_v, col_v, st_v, acc_s, acc_c, idx_v, sh_s, sh_c):
    ci = lax.axis_index("c")
    si = lax.axis_index("s")
    wid = si * 2 + ci

    iota16 = lax.iota(jnp.int32, 16)
    for kk in range(_NROWS // 16):
        idx_v[pl.ds(kk * 16, 16)] = iota16 + kk * 16

    zf = jnp.zeros((16,), jnp.float32)

    def zbody(i, carry):
        for kk in range(8):
            acc_s[i, pl.ds(kk * 16, 16)] = zf
            acc_c[i, pl.ds(kk * 16, 16)] = zf
        return carry

    lax.fori_loop(0, _NROWS, zbody, 0)

    eoff = pl.multiple_of(wid * _EW, 8)
    coff = pl.multiple_of(_E + wid * _EW, 8)
    pltpu.sync_copy(edge_hbm.at[pl.ds(eoff, _EW)], row_v)
    pltpu.sync_copy(edge_hbm.at[pl.ds(coff, _EW)], col_v)
    pltpu.sync_copy(st_hbm, st_v)

    @pl.when(si == 0)
    def _zero_shared():
        pltpu.sync_copy(acc_s, sh_s)
        pltpu.sync_copy(acc_c, sh_c)

    plsc.subcore_barrier()

    ones = jnp.full((16,), 1.0, jnp.float32)

    def ebody(i, carry):
        rs, cs = [], []
        for u in range(4):
            off = pl.multiple_of(i * 64 + u * 16, 16)
            rs.append(row_v[pl.ds(off, 16)])
            cs.append(col_v[pl.ds(off, 16)])
        def remap(r):
            q = lax.shift_right_logical(r * 53093, 22)
            return lax.shift_left(r, 7) - 10111 * q

        vs = [plsc.load_gather(st_v, [remap(r)]) for r in rs]
        for u in range(4):
            rr = lax.shift_right_logical(cs[u], 7)
            ll = lax.bitwise_and(cs[u], 127)
            plsc.addupdate_scatter(acc_s, [rr, ll], vs[u])
            plsc.addupdate_scatter(acc_c, [rr, ll], ones)
        return carry

    lax.fori_loop(0, _EW // 64, ebody, 0)

    pltpu.sync_copy(acc_s, sh_s.at[idx_v], add=True)
    pltpu.sync_copy(acc_c, sh_c.at[idx_v], add=True)

    plsc.subcore_barrier()

    @pl.when(si < _NROWS // 8)
    def _copy_out():
        roff = pl.multiple_of(si * 8, 8)
        ooff = pl.multiple_of(ci * _NROWS + si * 8, 8)
        pltpu.sync_copy(sh_s.at[pl.ds(roff, 8)], out_s.at[pl.ds(ooff, 8)])
        pltpu.sync_copy(sh_c.at[pl.ds(roff, 8)], out_c.at[pl.ds(ooff, 8)])


_sc_scatter = functools.partial(
    pl.kernel,
    out_type=(jax.ShapeDtypeStruct((2 * _NROWS, 128), jnp.float32),
              jax.ShapeDtypeStruct((2 * _NROWS, 128), jnp.float32)),
    mesh=plsc.VectorSubcoreMesh(core_axis_name="c", subcore_axis_name="s"),
    compiler_params=pltpu.CompilerParams(needs_layout_passes=False),
    scratch_types=[
        pltpu.VMEM((_EW,), jnp.int32),
        pltpu.VMEM((_EW,), jnp.int32),
        pltpu.VMEM((_NP,), jnp.float32),
        pltpu.VMEM((_NROWS, 128), jnp.float32),
        pltpu.VMEM((_NROWS, 128), jnp.float32),
        pltpu.VMEM((_NROWS,), jnp.int32),
        pltpu.VMEM_SHARED((_NROWS, 128), jnp.float32),
        pltpu.VMEM_SHARED((_NROWS, 128), jnp.float32),
    ],
)(_sc_scatter_body)


def _scatter_mean_sc(st2d, edge_index):
    part_s, part_c = _sc_scatter(st2d.reshape(-1), edge_index.reshape(-1))
    sums = (part_s[:_NROWS] + part_s[_NROWS:]).reshape(-1)[:_N]
    cnt = (part_c[:_NROWS] + part_c[_NROWS:]).reshape(-1)[:_N]
    return jnp.where(cnt > 0, sums / jnp.maximum(cnt, 1.0), 0.0)


def _tail_kernel(recon_ref, nx_ref, s_ref, out_ref, reg_ref):
    recon = recon_ref[...]
    s = s_ref[...]

    R = jnp.sum(recon, axis=1, keepdims=True)
    P = jnp.sum(nx_ref[...], axis=1, keepdims=True)
    a = s * P / (s * R + 1e-8)

    row_min = jnp.min(recon, axis=1, keepdims=True)
    row_max = jnp.max(recon, axis=1, keepdims=True)
    mn = jnp.min(jnp.minimum(a * row_min, a * row_max))
    mx = jnp.max(jnp.maximum(a * row_min, a * row_max))
    mean_nc = jnp.sum(a * R) / (_N * _D)

    rmin = mn * 0.8
    rmax = mx * 1.2
    c1 = (rmax - rmin) / (mx - mn + 1e-8)
    off = rmin - mn * c1
    m2 = mean_nc * c1 + off

    out_ref[...] = recon * (a * (c1 / m2)) + off / m2
    reg_ref[...] = (jnp.sum(recon * recon) * 1e-4).reshape(1, 1)


def kernel(norm_x, reconstructed_features, edge_index):
    recon = reconstructed_features
    spot_mean = jnp.mean(recon, axis=1)

    st2d = _viterbi_states(spot_mean)
    states_tensor = st2d.T.reshape(-1)[:_N]

    neighbor_avg = _scatter_mean_sc(st2d, edge_index)

    smoothed = 0.5 * states_tensor + 0.5 * neighbor_avg

    out, reg = pl.pallas_call(
        _tail_kernel,
        out_shape=(jax.ShapeDtypeStruct((_N, _D), jnp.float32),
                   jax.ShapeDtypeStruct((1, 1), jnp.float32)),
    )(recon, norm_x, smoothed[:, None])

    return out, reg[0, 0]

# --- scband reference (transcript-rebuilt; emitter-appended) ---
"""Pipeline reference for scband-cnencoder-22582938042520 (READ-ONLY COPY).

The authoritative reference and input builder live on the scoring server;
editing this copy changes nothing except your own understanding.
"""

import jax, jax.numpy as jnp
import numpy as np
from jax import lax

N = 10000
E = 320000
D = 128
NUM_STATES = 3


def setup_inputs(seed: int = 0) -> dict:
    key = jax.random.key(seed)
    k1, k2, k3 = jax.random.split(key, 3)
    norm_x = jax.random.normal(k1, (N, D), dtype=jnp.float32)
    reconstructed_features = jax.random.normal(k2, (N, D), dtype=jnp.float32)
    edge_index = jax.random.randint(k3, (2, E), 0, N, dtype=jnp.int32)
    return {"norm_x": norm_x, "reconstructed_features": reconstructed_features, "edge_index": edge_index}


def _viterbi(obs, log_start, log_trans, means, covars):
    # Gaussian log-emission probabilities [T, S]
    log_emis = -0.5 * (((obs[:, None] - means[None, :]) ** 2) / covars[None, :]
                       + jnp.log(2.0 * jnp.pi * covars)[None, :])
    init = log_start + log_emis[0]

    def step(carry, le):
        scores = carry[:, None] + log_trans
        best = jnp.max(scores, axis=0) + le
        ptr = jnp.argmax(scores, axis=0)
        return best, ptr

    final, ptrs = lax.scan(step, init, log_emis[1:])
    last = jnp.argmax(final)

    def back(carry, ptr):
        prev = ptr[carry]
        return prev, prev

    _, ys = lax.scan(back, last, ptrs, reverse=True)
    return jnp.concatenate([ys, last[None]])


def _forward(norm_x, reconstructed_features, edge_index):
    n_nodes = norm_x.shape[0]
    spot_mean = jnp.mean(reconstructed_features, axis=1, keepdims=True)
    # torch code detaches spot_mean before HMM -> stop_gradient
    s = lax.stop_gradient(spot_mean)
    s = (s - jnp.mean(s)) / (jnp.std(s) + 1e-8)
    obs = s[:, 0]

    t = 0.01
    startprob = jnp.array([0.1, 0.8, 0.1], dtype=jnp.float32)
    transmat = jnp.array([[1.0 - 2 * t, t, t],
                          [t, 1.0 - 2 * t, t],
                          [t, t, 1.0 - 2 * t]], dtype=jnp.float32)
    means = jnp.quantile(obs, jnp.array([0.2, 0.5, 0.8], dtype=jnp.float32))
    covars = jnp.full((NUM_STATES,), jnp.var(obs) + 1e-4, dtype=jnp.float32)

    states = _viterbi(obs, jnp.log(startprob), jnp.log(transmat), means, covars)
    states_tensor = (states + 1).astype(jnp.float32)

    row, col = edge_index[0], edge_index[1]
    sums = jax.ops.segment_sum(states_tensor[row], col, num_segments=n_nodes)
    cnt = jax.ops.segment_sum(jnp.ones_like(row, dtype=jnp.float32), col, num_segments=n_nodes)
    neighbor_avg = jnp.where(cnt > 0, sums / jnp.maximum(cnt, 1.0), 0.0)

    smoothed = 0.5 * states_tensor + 0.5 * neighbor_avg
    state_adjusted = reconstructed_features * smoothed[:, None]
    copy_sum = jnp.sum(state_adjusted, axis=1, keepdims=True)
    pseudo_sum = jnp.sum(norm_x, axis=1, keepdims=True)
    norm_copy = state_adjusted / (copy_sum + 1e-8) * pseudo_sum

    # .item() in torch detaches these scalars
    rmin = lax.stop_gradient(jnp.min(norm_copy)) * 0.8
    rmax = lax.stop_gradient(jnp.max(norm_copy)) * 1.2
    norm_copy = (norm_copy - jnp.min(norm_copy)) / (jnp.max(norm_copy) - jnp.min(norm_copy) + 1e-8)
    norm_copy = norm_copy * (rmax - rmin) + rmin
    norm_copy = norm_copy / jnp.mean(norm_copy)

    reg_loss = jnp.sum(reconstructed_features ** 2) * 1e-4
    return norm_copy, reg_loss


def reference(norm_x, reconstructed_features, edge_index):
    return _forward(norm_x, reconstructed_features, edge_index)

if __name__ == "__main__":
    import jax
    _d = setup_inputs()
    print(jax.jit(kernel)(*tuple(_d.values())))

</pallas_src>

<mosaic_0001>
#map = affine_map<(d0, d1) -> (0)>
#map1 = affine_map<(d0, d1) -> (0, 0)>
module attributes {stable_mosaic.version = 14 : i64} {
  func.func @_sc_scatter_body(%arg0: i32, %arg1: i32, %arg2: memref<10112xf32, #tpu.memory_space<hbm>>, %arg3: memref<640000xi32, #tpu.memory_space<hbm>>, %arg4: memref<160x128xf32, #tpu.memory_space<hbm>>, %arg5: memref<160x128xf32, #tpu.memory_space<hbm>>, %arg6: memref<10000xi32, #tpu.memory_space<vmem>>, %arg7: memref<10000xi32, #tpu.memory_space<vmem>>, %arg8: memref<10112xf32, #tpu.memory_space<vmem>>, %arg9: memref<80x128xf32, #tpu.memory_space<vmem>>, %arg10: memref<80x128xf32, #tpu.memory_space<vmem>>, %arg11: memref<80xi32, #tpu.memory_space<vmem>>, %arg12: memref<80x128xf32, #tpu.memory_space<vmem_shared>>, %arg13: memref<80x128xf32, #tpu.memory_space<vmem_shared>>) attributes {dimension_semantics = [#tpu.dimension_semantics<core_parallel>, #tpu.dimension_semantics<subcore_parallel>], iteration_bounds = array<i64: 2, 16>, scalar_prefetch = 0 : i64, scratch_operands = 8 : i64, tpu.core_type = #tpu.core_type<sc_vector_subcore>, window_params = [{transform_indices = #map}, {transform_indices = #map}, {transform_indices = #map1}, {transform_indices = #map1}]} {
    %mul3A = arith.constant 2 : i32
    %mul3A_0 = arith.muli %arg1, %mul3A : i32
    %add3A = arith.addi %mul3A_0, %arg0 : i32
    %iota3A = tpu.iota {dimensions = array<i32: 0>} : vector<16xi32>
    %add3A_1 = arith.constant 0 : i32
    %add3A_2 = vector.broadcast %add3A_1 : i32 to vector<16xi32>
    %add3A_3 = arith.addi %iota3A, %add3A_2 : vector<16xi32>
    %swap3A = arith.constant 0 : index
    %swap3A_4 = tpu.vector_load %arg11[%swap3A] {strides = array<i32>} : memref<80xi32, #tpu.memory_space<vmem>>, vector<16xi32>,
    tpu.vector_store %arg11[%swap3A], %add3A_3 {strides = array<i32>} : memref<80xi32, #tpu.memory_space<vmem>>, vector<16xi32>,
    %add3A_5 = arith.constant 16 : i32
    %add3A_6 = vector.broadcast %add3A_5 : i32 to vector<16xi32>
    %add3A_7 = arith.addi %iota3A, %add3A_6 : vector<16xi32>
    %swap3A_8 = arith.constant 16 : index
    %swap3A_9 = tpu.vector_load %arg11[%swap3A_8] {strides = array<i32>} : memref<80xi32, #tpu.memory_space<vmem>>, vector<16xi32>,
    tpu.vector_store %arg11[%swap3A_8], %add3A_7 {strides = array<i32>} : memref<80xi32, #tpu.memory_space<vmem>>, vector<16xi32>,
    %add3A_10 = arith.constant 32 : i32
    %add3A_11 = vector.broadcast %add3A_10 : i32 to vector<16xi32>
    %add3A_12 = arith.addi %iota3A, %add3A_11 : vector<16xi32>
    %swap3A_13 = arith.constant 32 : index
    %swap3A_14 = tpu.vector_load %arg11[%swap3A_13] {strides = array<i32>} : memref<80xi32, #tpu.memory_space<vmem>>, vector<16xi32>,
    tpu.vector_store %arg11[%swap3A_13], %add3A_12 {strides = array<i32>} : memref<80xi32, #tpu.memory_space<vmem>>, vector<16xi32>,
    %add3A_15 = arith.constant 48 : i32
    %add3A_16 = vector.broadcast %add3A_15 : i32 to vector<16xi32>
    %add3A_17 = arith.addi %iota3A, %add3A_16 : vector<16xi32>
    %swap3A_18 = arith.constant 48 : index
    %swap3A_19 = tpu.vector_load %arg11[%swap3A_18] {strides = array<i32>} : memref<80xi32, #tpu.memory_space<vmem>>, vector<16xi32>,
    tpu.vector_store %arg11[%swap3A_18], %add3A_17 {strides = array<i32>} : memref<80xi32, #tpu.memory_space<vmem>>, vector<16xi32>,
    %add3A_20 = arith.constant 64 : i32
    %add3A_21 = vector.broadcast %add3A_20 : i32 to vector<16xi32>
    %add3A_22 = arith.addi %iota3A, %add3A_21 : vector<16xi32>
    %swap3A_23 = arith.constant 64 : index
    %swap3A_24 = tpu.vector_load %arg11[%swap3A_23] {strides = array<i32>} : memref<80xi32, #tpu.memory_space<vmem>>, vector<16xi32>,
    tpu.vector_store %arg11[%swap3A_23], %add3A_22 {strides = array<i32>} : memref<80xi32, #tpu.memory_space<vmem>>, vector<16xi32>,
    %broadcast_in_dim3A = arith.constant 0.000000e+00 : f32
    %broadcast_in_dim3A_25 = vector.broadcast %broadcast_in_dim3A : f32 to vector<16xf32>
    %scan3A = arith.constant 0 : i32
    %scan3A_26 = arith.constant 0 : i32
    %scan3A_27 = arith.constant 80 : i32
    %scan3A_28 = arith.addi %scan3A_26, %scan3A_27 : i32
    %scan3A_29 = arith.constant 1 : i32
    scf.for %scan3A_53 = %scan3A_26 to %scan3A_28 step %scan3A_29  : i32 {
      %swap3A_54 = arith.index_cast %scan3A_53 : i32 to index
      %swap3A_55 = arith.constant 0 : index
      %swap3A_56 = tpu.vector_load %arg9[%swap3A_54, %swap3A_55] {strides = array<i32>} : memref<80x128xf32, #tpu.memory_space<vmem>>, vector<16xf32>,
      tpu.vector_store %arg9[%swap3A_54, %swap3A_55], %broadcast_in_dim3A_25 {strides = array<i32>} : memref<80x128xf32, #tpu.memory_space<vmem>>, vector<16xf32>,
      %swap3A_57 = arith.index_cast %scan3A_53 : i32 to index
      %swap3A_58 = arith.constant 0 : index
      %swap3A_59 = tpu.vector_load %arg10[%swap3A_57, %swap3A_58] {strides = array<i32>} : memref<80x128xf32, #tpu.memory_space<vmem>>, vector<16xf32>,
      tpu.vector_store %arg10[%swap3A_57, %swap3A_58], %broadcast_in_dim3A_25 {strides = array<i32>} : memref<80x128xf32, #tpu.memory_space<vmem>>, vector<16xf32>,
      %swap3A_60 = arith.index_cast %scan3A_53 : i32 to index
      %swap3A_61 = arith.constant 16 : index
      %swap3A_62 = tpu.vector_load %arg9[%swap3A_60, %swap3A_61] {strides = array<i32>} : memref<80x128xf32, #tpu.memory_space<vmem>>, vector<16xf32>,
      tpu.vector_store %arg9[%swap3A_60, %swap3A_61], %broadcast_in_dim3A_25 {strides = array<i32>} : memref<80x128xf32, #tpu.memory_space<vmem>>, vector<16xf32>,
      %swap3A_63 = arith.index_cast %scan3A_53 : i32 to index
      %swap3A_64 = arith.constant 16 : index
      %swap3A_65 = tpu.vector_load %arg10[%swap3A_63, %swap3A_64] {strides = array<i32>} : memref<80x128xf32, #tpu.memory_space<vmem>>, vector<16xf32>,
      tpu.vector_store %arg10[%swap3A_63, %swap3A_64], %broadcast_in_dim3A_25 {strides = array<i32>} : memref<80x128xf32, #tpu.memory_space<vmem>>, vector<16xf32>,
      %swap3A_66 = arith.index_cast %scan3A_53 : i32 to index
      %swap3A_67 = arith.constant 32 : index
      %swap3A_68 = tpu.vector_load %arg9[%swap3A_66, %swap3A_67] {strides = array<i32>} : memref<80x128xf32, #tpu.memory_space<vmem>>, vector<16xf32>,
      tpu.vector_store %arg9[%swap3A_66, %swap3A_67], %broadcast_in_dim3A_25 {strides = array<i32>} : memref<80x128xf32, #tpu.memory_space<vmem>>, vector<16xf32>,
      %swap3A_69 = arith.index_cast %scan3A_53 : i32 to index
      %swap3A_70 = arith.constant 32 : index
      %swap3A_71 = tpu.vector_load %arg10[%swap3A_69, %swap3A_70] {strides = array<i32>} : memref<80x128xf32, #tpu.memory_space<vmem>>, vector<16xf32>,
      tpu.vector_store %arg10[%swap3A_69, %swap3A_70], %broadcast_in_dim3A_25 {strides = array<i32>} : memref<80x128xf32, #tpu.memory_space<vmem>>, vector<16xf32>,
      %swap3A_72 = arith.index_cast %scan3A_53 : i32 to index
      %swap3A_73 = arith.constant 48 : index
      %swap3A_74 = tpu.vector_load %arg9[%swap3A_72, %swap3A_73] {strides = array<i32>} : memref<80x128xf32, #tpu.memory_space<vmem>>, vector<16xf32>,
      tpu.vector_store %arg9[%swap3A_72, %swap3A_73], %broadcast_in_dim3A_25 {strides = array<i32>} : memref<80x128xf32, #tpu.memory_space<vmem>>, vector<16xf32>,
      %swap3A_75 = arith.index_cast %scan3A_53 : i32 to index
      %swap3A_76 = arith.constant 48 : index
      %swap3A_77 = tpu.vector_load %arg10[%swap3A_75, %swap3A_76] {strides = array<i32>} : memref<80x128xf32, #tpu.memory_space<vmem>>, vector<16xf32>,
      tpu.vector_store %arg10[%swap3A_75, %swap3A_76], %broadcast_in_dim3A_25 {strides = array<i32>} : memref<80x128xf32, #tpu.memory_space<vmem>>, vector<16xf32>,
      %swap3A_78 = arith.index_cast %scan3A_53 : i32 to index
      %swap3A_79 = arith.constant 64 : index
      %swap3A_80 = tpu.vector_load %arg9[%swap3A_78, %swap3A_79] {strides = array<i32>} : memref<80x128xf32, #tpu.memory_space<vmem>>, vector<16xf32>,
      tpu.vector_store %arg9[%swap3A_78, %swap3A_79], %broadcast_in_dim3A_25 {strides = array<i32>} : memref<80x128xf32, #tpu.memory_space<vmem>>, vector<16xf32>,
      %swap3A_81 = arith.index_cast %scan3A_53 : i32 to index
      %swap3A_82 = arith.constant 64 : index
      %swap3A_83 = tpu.vector_load %arg10[%swap3A_81, %swap3A_82] {strides = array<i32>} : memref<80x128xf32, #tpu.memory_space<vmem>>, vector<16xf32>,
      tpu.vector_store %arg10[%swap3A_81, %swap3A_82], %broadcast_in_dim3A_25 {strides = array<i32>} : memref<80x128xf32, #tpu.memory_space<vmem>>, vector<16xf32>,
      %swap3A_84 = arith.index_cast %scan3A_53 : i32 to index
      %swap3A_85 = arith.constant 80 : index
      %swap3A_86 = tpu.vector_load %arg9[%swap3A_84, %swap3A_85] {strides = array<i32>} : memref<80x128xf32, #tpu.memory_space<vmem>>, vector<16xf32>,
      tpu.vector_store %arg9[%swap3A_84, %swap3A_85], %broadcast_in_dim3A_25 {strides = array<i32>} : memref<80x128xf32, #tpu.memory_space<vmem>>, vector<16xf32>,
      %swap3A_87 = arith.index_cast %scan3A_53 : i32 to index
      %swap3A_88 = arith.constant 80 : index
      %swap3A_89 = tpu.vector_load %arg10[%swap3A_87, %swap3A_88] {strides = array<i32>} : memref<80x128xf32, #tpu.memory_space<vmem>>, vector<16xf32>,
      tpu.vector_store %arg10[%swap3A_87, %swap3A_88], %broadcast_in_dim3A_25 {strides = array<i32>} : memref<80x128xf32, #tpu.memory_space<vmem>>, vector<16xf32>,
      %swap3A_90 = arith.index_cast %scan3A_53 : i32 to index
      %swap3A_91 = arith.constant 96 : index
      %swap3A_92 = tpu.vector_load %arg9[%swap3A_90, %swap3A_91] {strides = array<i32>} : memref<80x128xf32, #tpu.memory_space<vmem>>, vector<16xf32>,
      tpu.vector_store %arg9[%swap3A_90, %swap3A_91], %broadcast_in_dim3A_25 {strides = array<i32>} : memref<80x128xf32, #tpu.memory_space<vmem>>, vector<16xf32>,
      %swap3A_93 = arith.index_cast %scan3A_53 : i32 to index
      %swap3A_94 = arith.constant 96 : index
      %swap3A_95 = tpu.vector_load %arg10[%swap3A_93, %swap3A_94] {strides = array<i32>} : memref<80x128xf32, #tpu.memory_space<vmem>>, vector<16xf32>,
      tpu.vector_store %arg10[%swap3A_93, %swap3A_94], %broadcast_in_dim3A_25 {strides = array<i32>} : memref<80x128xf32, #tpu.memory_space<vmem>>, vector<16xf32>,
      %swap3A_96 = arith.index_cast %scan3A_53 : i32 to index
      %swap3A_97 = arith.constant 112 : index
      %swap3A_98 = tpu.vector_load %arg9[%swap3A_96, %swap3A_97] {strides = array<i32>} : memref<80x128xf32, #tpu.memory_space<vmem>>, vector<16xf32>,
      tpu.vector_store %arg9[%swap3A_96, %swap3A_97], %broadcast_in_dim3A_25 {strides = array<i32>} : memref<80x128xf32, #tpu.memory_space<vmem>>, vector<16xf32>,
      %swap3A_99 = arith.index_cast %scan3A_53 : i32 to index
      %swap3A_100 = arith.constant 112 : index
      %swap3A_101 = tpu.vector_load %arg10[%swap3A_99, %swap3A_100] {strides = array<i32>} : memref<80x128xf32, #tpu.memory_space<vmem>>, vector<16xf32>,
      tpu.vector_store %arg10[%swap3A_99, %swap3A_100], %broadcast_in_dim3A_25 {strides = array<i32>} : memref<80x128xf32, #tpu.memory_space<vmem>>, vector<16xf32>,
    }
    %scan3A_30 = arith.constant 80 : i32
    %mul3A_31 = arith.constant 10000 : i32
    %mul3A_32 = arith.muli %add3A, %mul3A_31 : i32
    %multiple_of3A = tpu.assume_multiple %mul3A_32, 8 : i32
    %mul3A_33 = arith.constant 10000 : i32
    %mul3A_34 = arith.muli %add3A, %mul3A_33 : i32
    %add3A_35 = arith.constant 320000 : i32
    %add3A_36 = arith.addi %add3A_35, %mul3A_34 : i32
    %multiple_of3A_37 = tpu.assume_multiple %add3A_36, 8 : i32
    "tpu.region"() ({
      %run_scoped3A = tpu.sem_alloc : memref<!tpu.dma_semaphore, #tpu.memory_space<semaphore_mem>>
      %dma_start3A = tpu.memref_slice %arg3[%multiple_of3A] : memref<640000xi32, #tpu.memory_space<hbm>> -> memref<10000xi32, #tpu.memory_space<hbm>>
      %dma_start3A_53 = tpu.memref_slice %arg3[%multiple_of3A] : memref<640000xi32, #tpu.memory_space<hbm>> -> memref<10000xi32, #tpu.memory_space<hbm>>
      tpu.enqueue_dma source(%dma_start3A_53 : memref<10000xi32, #tpu.memory_space<hbm>>) target(%arg6 : memref<10000xi32, #tpu.memory_space<vmem>>) target_semaphore(%run_scoped3A : memref<!tpu.dma_semaphore, #tpu.memory_space<semaphore_mem>>)
      %dma_wait3A = tpu.memref_slice %arg3[%multiple_of3A] : memref<640000xi32, #tpu.memory_space<hbm>> -> memref<10000xi32, #tpu.memory_space<hbm>>
      %dma_wait3A_54 = tpu.memref_slice %arg3[%multiple_of3A] : memref<640000xi32, #tpu.memory_space<hbm>> -> memref<10000xi32, #tpu.memory_space<hbm>>
      tpu.wait_dma2 semaphore(%run_scoped3A : memref<!tpu.dma_semaphore, #tpu.memory_space<semaphore_mem>>) src(%dma_wait3A_54 : memref<10000xi32, #tpu.memory_space<hbm>>) dst(%arg6 : memref<10000xi32, #tpu.memory_space<vmem>>)
      tpu.yield
    }) : () -> ()
    "tpu.region"() ({
      %run_scoped3A = tpu.sem_alloc : memref<!tpu.dma_semaphore, #tpu.memory_space<semaphore_mem>>
      %dma_start3A = tpu.memref_slice %arg3[%multiple_of3A_37] : memref<640000xi32, #tpu.memory_space<hbm>> -> memref<10000xi32, #tpu.memory_space<hbm>>
      %dma_start3A_53 = tpu.memref_slice %arg3[%multiple_of3A_37] : memref<640000xi32, #tpu.memory_space<hbm>> -> memref<10000xi32, #tpu.memory_space<hbm>>
      tpu.enqueue_dma source(%dma_start3A_53 : memref<10000xi32, #tpu.memory_space<hbm>>) target(%arg7 : memref<10000xi32, #tpu.memory_space<vmem>>) target_semaphore(%run_scoped3A : memref<!tpu.dma_semaphore, #tpu.memory_space<semaphore_mem>>)
      %dma_wait3A = tpu.memref_slice %arg3[%multiple_of3A_37] : memref<640000xi32, #tpu.memory_space<hbm>> -> memref<10000xi32, #tpu.memory_space<hbm>>
      %dma_wait3A_54 = tpu.memref_slice %arg3[%multiple_of3A_37] : memref<640000xi32, #tpu.memory_space<hbm>> -> memref<10000xi32, #tpu.memory_space<hbm>>
      tpu.wait_dma2 semaphore(%run_scoped3A : memref<!tpu.dma_semaphore, #tpu.memory_space<semaphore_mem>>) src(%dma_wait3A_54 : memref<10000xi32, #tpu.memory_space<hbm>>) dst(%arg7 : memref<10000xi32, #tpu.memory_space<vmem>>)
      tpu.yield
    }) : () -> ()
    "tpu.region"() ({
      %run_scoped3A = tpu.sem_alloc : memref<!tpu.dma_semaphore, #tpu.memory_space<semaphore_mem>>
      tpu.enqueue_dma source(%arg2 : memref<10112xf32, #tpu.memory_space<hbm>>) target(%arg8 : memref<10112xf32, #tpu.memory_space<vmem>>) target_semaphore(%run_scoped3A : memref<!tpu.dma_semaphore, #tpu.memory_space<semaphore_mem>>)
      tpu.wait_dma2 semaphore(%run_scoped3A : memref<!tpu.dma_semaphore, #tpu.memory_space<semaphore_mem>>) src(%arg2 : memref<10112xf32, #tpu.memory_space<hbm>>) dst(%arg8 : memref<10112xf32, #tpu.memory_space<vmem>>)
      tpu.yield
    }) : () -> ()
    %eq3A = arith.constant 0 : i32
    %eq3A_38 = arith.cmpi eq, %arg1, %eq3A : i32
    %convert_element_type3A = arith.extui %eq3A_38 : i1 to i32
    %cond3A = arith.constant 0 : i32
    %cond3A_39 = arith.cmpi ne, %convert_element_type3A, %cond3A : i32
    scf.if %cond3A_39 {
      "tpu.region"() ({
        %run_scoped3A = tpu.sem_alloc : memref<!tpu.dma_semaphore, #tpu.memory_space<semaphore_mem>>
        tpu.enqueue_dma source(%arg9 : memref<80x128xf32, #tpu.memory_space<vmem>>) target(%arg12 : memref<80x128xf32, #tpu.memory_space<vmem_shared>>) target_semaphore(%run_scoped3A : memref<!tpu.dma_semaphore, #tpu.memory_space<semaphore_mem>>)
        tpu.wait_dma2 semaphore(%run_scoped3A : memref<!tpu.dma_semaphore, #tpu.memory_space<semaphore_mem>>) src(%arg9 : memref<80x128xf32, #tpu.memory_space<vmem>>) dst(%arg12 : memref<80x128xf32, #tpu.memory_space<vmem_shared>>)
        tpu.yield
      }) : () -> ()
      "tpu.region"() ({
        %run_scoped3A = tpu.sem_alloc : memref<!tpu.dma_semaphore, #tpu.memory_space<semaphore_mem>>
        tpu.enqueue_dma source(%arg10 : memref<80x128xf32, #tpu.memory_space<vmem>>) target(%arg13 : memref<80x128xf32, #tpu.memory_space<vmem_shared>>) target_semaphore(%run_scoped3A : memref<!tpu.dma_semaphore, #tpu.memory_space<semaphore_mem>>)
        tpu.wait_dma2 semaphore(%run_scoped3A : memref<!tpu.dma_semaphore, #tpu.memory_space<semaphore_mem>>) src(%arg10 : memref<80x128xf32, #tpu.memory_space<vmem>>) dst(%arg13 : memref<80x128xf32, #tpu.memory_space<vmem_shared>>)
        tpu.yield
      }) : () -> ()
    } else {
    }
    %barrier3A = arith.constant 0 : index
    tpu.barrier barrier_id(%barrier3A)
    %broadcast_in_dim3A_40 = arith.constant 1.000000e+00 : f32
    %broadcast_in_dim3A_41 = vector.broadcast %broadcast_in_dim3A_40 : f32 to vector<16xf32>
    %scan3A_42 = arith.constant 0 : i32
    %scan3A_43 = arith.constant 0 : i32
    %scan3A_44 = arith.constant 156 : i32
    %scan3A_45 = arith.addi %scan3A_43, %scan3A_44 : i32
    %scan3A_46 = arith.constant 1 : i32
    scf.for %scan3A_53 = %scan3A_43 to %scan3A_45 step %scan3A_46  : i32 {
      %mul3A_54 = arith.constant 64 : i32
      %mul3A_55 = arith.muli %scan3A_53, %mul3A_54 : i32
      %add3A_56 = arith.constant 0 : i32
      %add3A_57 = arith.addi %mul3A_55, %add3A_56 : i32
      %multiple_of3A_58 = tpu.assume_multiple %add3A_57, 16 : i32
      %get3A = arith.index_cast %multiple_of3A_58 : i32 to index
      %get3A_59 = tpu.vector_load %arg6[%get3A] {strides = array<i32>} : memref<10000xi32, #tpu.memory_space<vmem>>, vector<16xi32>,
      %get3A_60 = arith.index_cast %multiple_of3A_58 : i32 to index
      %get3A_61 = tpu.vector_load %arg7[%get3A_60] {strides = array<i32>} : memref<10000xi32, #tpu.memory_space<vmem>>, vector<16xi32>,
      %mul3A_62 = arith.constant 64 : i32
      %mul3A_63 = arith.muli %scan3A_53, %mul3A_62 : i32
      %add3A_64 = arith.constant 16 : i32
      %add3A_65 = arith.addi %mul3A_63, %add3A_64 : i32
      %multiple_of3A_66 = tpu.assume_multiple %add3A_65, 16 : i32
      %get3A_67 = arith.index_cast %multiple_of3A_66 : i32 to index
      %get3A_68 = tpu.vector_load %arg6[%get3A_67] {strides = array<i32>} : memref<10000xi32, #tpu.memory_space<vmem>>, vector<16xi32>,
      %get3A_69 = arith.index_cast %multiple_of3A_66 : i32 to index
      %get3A_70 = tpu.vector_load %arg7[%get3A_69] {strides = array<i32>} : memref<10000xi32, #tpu.memory_space<vmem>>, vector<16xi32>,
      %mul3A_71 = arith.constant 64 : i32
      %mul3A_72 = arith.muli %scan3A_53, %mul3A_71 : i32
      %add3A_73 = arith.constant 32 : i32
      %add3A_74 = arith.addi %mul3A_72, %add3A_73 : i32
      %multiple_of3A_75 = tpu.assume_multiple %add3A_74, 16 : i32
      %get3A_76 = arith.index_cast %multiple_of3A_75 : i32 to index
      %get3A_77 = tpu.vector_load %arg6[%get3A_76] {strides = array<i32>} : memref<10000xi32, #tpu.memory_space<vmem>>, vector<16xi32>,
      %get3A_78 = arith.index_cast %multiple_of3A_75 : i32 to index
      %get3A_79 = tpu.vector_load %arg7[%get3A_78] {strides = array<i32>} : memref<10000xi32, #tpu.memory_space<vmem>>, vector<16xi32>,
      %mul3A_80 = arith.constant 64 : i32
      %mul3A_81 = arith.muli %scan3A_53, %mul3A_80 : i32
      %add3A_82 = arith.constant 48 : i32
      %add3A_83 = arith.addi %mul3A_81, %add3A_82 : i32
      %multiple_of3A_84 = tpu.assume_multiple %add3A_83, 16 : i32
      %get3A_85 = arith.index_cast %multiple_of3A_84 : i32 to index
      %get3A_86 = tpu.vector_load %arg6[%get3A_85] {strides = array<i32>} : memref<10000xi32, #tpu.memory_space<vmem>>, vector<16xi32>,
      %get3A_87 = arith.index_cast %multiple_of3A_84 : i32 to index
      %get3A_88 = tpu.vector_load %arg7[%get3A_87] {strides = array<i32>} : memref<10000xi32, #tpu.memory_space<vmem>>, vector<16xi32>,
      %mul3A_89 = arith.constant 53093 : i32
      %mul3A_90 = vector.broadcast %mul3A_89 : i32 to vector<16xi32>
      %mul3A_91 = arith.muli %get3A_59, %mul3A_90 : vector<16xi32>
      %shift_right_logical3A = arith.constant 22 : i32
      %shift_right_logical3A_92 = vector.broadcast %shift_right_logical3A : i32 to vector<16xi32>
      %shift_right_logical3A_93 = arith.shrui %mul3A_91, %shift_right_logical3A_92 : vector<16xi32>
      %shift_left3A = arith.constant 7 : i32
      %shift_left3A_94 = vector.broadcast %shift_left3A : i32 to vector<16xi32>
      %shift_left3A_95 = arith.shli %get3A_59, %shift_left3A_94 : vector<16xi32>
      %mul3A_96 = arith.constant 10111 : i32
      %mul3A_97 = vector.broadcast %mul3A_96 : i32 to vector<16xi32>
      %mul3A_98 = arith.muli %mul3A_97, %shift_right_logical3A_93 : vector<16xi32>
      %sub3A = arith.subi %shift_left3A_95, %mul3A_98 : vector<16xi32>
      %gather3A = tpu.vector_load_idx %arg8[%sub3A] : memref<10112xf32, #tpu.memory_space<vmem>>[vector<16xi32>], vector<16xf32>,
      %mul3A_99 = arith.constant 53093 : i32
      %mul3A_100 = vector.broadcast %mul3A_99 : i32 to vector<16xi32>
      %mul3A_101 = arith.muli %get3A_68, %mul3A_100 : vector<16xi32>
      %shift_right_logical3A_102 = arith.constant 22 : i32
      %shift_right_logical3A_103 = vector.broadcast %shift_right_logical3A_102 : i32 to vector<16xi32>
      %shift_right_logical3A_104 = arith.shrui %mul3A_101, %shift_right_logical3A_103 : vector<16xi32>
      %shift_left3A_105 = arith.constant 7 : i32
      %shift_left3A_106 = vector.broadcast %shift_left3A_105 : i32 to vector<16xi32>
      %shift_left3A_107 = arith.shli %get3A_68, %shift_left3A_106 : vector<16xi32>
      %mul3A_108 = arith.constant 10111 : i32
      %mul3A_109 = vector.broadcast %mul3A_108 : i32 to vector<16xi32>
      %mul3A_110 = arith.muli %mul3A_109, %shift_right_logical3A_104 : vector<16xi32>
      %sub3A_111 = arith.subi %shift_left3A_107, %mul3A_110 : vector<16xi32>
      %gather3A_112 = tpu.vector_load_idx %arg8[%sub3A_111] : memref<10112xf32, #tpu.memory_space<vmem>>[vector<16xi32>], vector<16xf32>,
      %mul3A_113 = arith.constant 53093 : i32
      %mul3A_114 = vector.broadcast %mul3A_113 : i32 to vector<16xi32>
      %mul3A_115 = arith.muli %get3A_77, %mul3A_114 : vector<16xi32>
      %shift_right_logical3A_116 = arith.constant 22 : i32
      %shift_right_logical3A_117 = vector.broadcast %shift_right_logical3A_116 : i32 to vector<16xi32>
      %shift_right_logical3A_118 = arith.shrui %mul3A_115, %shift_right_logical3A_117 : vector<16xi32>
      %shift_left3A_119 = arith.constant 7 : i32
      %shift_left3A_120 = vector.broadcast %shift_left3A_119 : i32 to vector<16xi32>
      %shift_left3A_121 = arith.shli %get3A_77, %shift_left3A_120 : vector<16xi32>
      %mul3A_122 = arith.constant 10111 : i32
      %mul3A_123 = vector.broadcast %mul3A_122 : i32 to vector<16xi32>
      %mul3A_124 = arith.muli %mul3A_123, %shift_right_logical3A_118 : vector<16xi32>
      %sub3A_125 = arith.subi %shift_left3A_121, %mul3A_124 : vector<16xi32>
      %gather3A_126 = tpu.vector_load_idx %arg8[%sub3A_125] : memref<10112xf32, #tpu.memory_space<vmem>>[vector<16xi32>], vector<16xf32>,
      %mul3A_127 = arith.constant 53093 : i32
      %mul3A_128 = vector.broadcast %mul3A_127 : i32 to vector<16xi32>
      %mul3A_129 = arith.muli %get3A_86, %mul3A_128 : vector<16xi32>
      %shift_right_logical3A_130 = arith.constant 22 : i32
      %shift_right_logical3A_131 = vector.broadcast %shift_right_logical3A_130 : i32 to vector<16xi32>
      %shift_right_logical3A_132 = arith.shrui %mul3A_129, %shift_right_logical3A_131 : vector<16xi32>
      %shift_left3A_133 = arith.constant 7 : i32
      %shift_left3A_134 = vector.broadcast %shift_left3A_133 : i32 to vector<16xi32>
      %shift_left3A_135 = arith.shli %get3A_86, %shift_left3A_134 : vector<16xi32>
      %mul3A_136 = arith.constant 10111 : i32
      %mul3A_137 = vector.broadcast %mul3A_136 : i32 to vector<16xi32>
      %mul3A_138 = arith.muli %mul3A_137, %shift_right_logical3A_132 : vector<16xi32>
      %sub3A_139 = arith.subi %shift_left3A_135, %mul3A_138 : vector<16xi32>
      %gather3A_140 = tpu.vector_load_idx %arg8[%sub3A_139] : memref<10112xf32, #tpu.memory_space<vmem>>[vector<16xi32>], vector<16xf32>,
      %shift_right_logical3A_141 = arith.constant 7 : i32
      %shift_right_logical3A_142 = vector.broadcast %shift_right_logical3A_141 : i32 to vector<16xi32>
      %shift_right_logical3A_143 = arith.shrui %get3A_61, %shift_right_logical3A_142 : vector<16xi32>
      %and3A = arith.constant 127 : i32
      %and3A_144 = vector.broadcast %and3A : i32 to vector<16xi32>
      %and3A_145 = arith.andi %get3A_61, %and3A_144 : vector<16xi32>
      tpu.vector_store_idx %arg9[%shift_right_logical3A_143, %and3A_145], %gather3A {add = true} : memref<80x128xf32, #tpu.memory_space<vmem>>[vector<16xi32>, vector<16xi32>], vector<16xf32>,
      tpu.vector_store_idx %arg10[%shift_right_logical3A_143, %and3A_145], %broadcast_in_dim3A_41 {add = true} : memref<80x128xf32, #tpu.memory_space<vmem>>[vector<16xi32>, vector<16xi32>], vector<16xf32>,
      %shift_right_logical3A_146 = arith.constant 7 : i32
      %shift_right_logical3A_147 = vector.broadcast %shift_right_logical3A_146 : i32 to vector<16xi32>
      %shift_right_logical3A_148 = arith.shrui %get3A_70, %shift_right_logical3A_147 : vector<16xi32>
      %and3A_149 = arith.constant 127 : i32
      %and3A_150 = vector.broadcast %and3A_149 : i32 to vector<16xi32>
      %and3A_151 = arith.andi %get3A_70, %and3A_150 : vector<16xi32>
      tpu.vector_store_idx %arg9[%shift_right_logical3A_148, %and3A_151], %gather3A_112 {add = true} : memref<80x128xf32, #tpu.memory_space<vmem>>[vector<16xi32>, vector<16xi32>], vector<16xf32>,
      tpu.vector_store_idx %arg10[%shift_right_logical3A_148, %and3A_151], %broadcast_in_dim3A_41 {add = true} : memref<80x128xf32, #tpu.memory_space<vmem>>[vector<16xi32>, vector<16xi32>], vector<16xf32>,
      %shift_right_logical3A_152 = arith.constant 7 : i32
      %shift_right_logical3A_153 = vector.broadcast %shift_right_logical3A_152 : i32 to vector<16xi32>
      %shift_right_logical3A_154 = arith.shrui %get3A_79, %shift_right_logical3A_153 : vector<16xi32>
      %and3A_155 = arith.constant 127 : i32
      %and3A_156 = vector.broadcast %and3A_155 : i32 to vector<16xi32>
      %and3A_157 = arith.andi %get3A_79, %and3A_156 : vector<16xi32>
      tpu.vector_store_idx %arg9[%shift_right_logical3A_154, %and3A_157], %gather3A_126 {add = true} : memref<80x128xf32, #tpu.memory_space<vmem>>[vector<16xi32>, vector<16xi32>], vector<16xf32>,
      tpu.vector_store_idx %arg10[%shift_right_logical3A_154, %and3A_157], %broadcast_in_dim3A_41 {add = true} : memref<80x128xf32, #tpu.memory_space<vmem>>[vector<16xi32>, vector<16xi32>], vector<16xf32>,
      %shift_right_logical3A_158 = arith.constant 7 : i32
      %shift_right_logical3A_159 = vector.broadcast %shift_right_logical3A_158 : i32 to vector<16xi32>
      %shift_right_logical3A_160 = arith.shrui %get3A_88, %shift_right_logical3A_159 : vector<16xi32>
      %and3A_161 = arith.constant 127 : i32
      %and3A_162 = vector.broadcast %and3A_161 : i32 to vector<16xi32>
      %and3A_163 = arith.andi %get3A_88, %and3A_162 : vector<16xi32>
      tpu.vector_store_idx %arg9[%shift_right_logical3A_160, %and3A_163], %gather3A_140 {add = true} : memref<80x128xf32, #tpu.memory_space<vmem>>[vector<16xi32>, vector<16xi32>], vector<16xf32>,
      tpu.vector_store_idx %arg10[%shift_right_logical3A_160, %and3A_163], %broadcast_in_dim3A_41 {add = true} : memref<80x128xf32, #tpu.memory_space<vmem>>[vector<16xi32>, vector<16xi32>], vector<16xf32>,
    }
    %scan3A_47 = arith.constant 156 : i32
    "tpu.region"() ({
      %run_scoped3A = tpu.sem_alloc : memref<!tpu.dma_semaphore, #tpu.memory_space<semaphore_mem>>
      %dma_start3A = arith.constant 0 : i32
      %dma_start3A_53 = arith.constant 0 : i32
      %dma_start3A_54 = tpu.memref_slice %arg12[%dma_start3A, %dma_start3A_53] : memref<80x128xf32, #tpu.memory_space<vmem_shared>> -> memref<80x128xf32, #tpu.memory_space<vmem_shared>>
      tpu.enqueue_indirect_dma source(%arg9 : memref<80x128xf32, #tpu.memory_space<vmem>>) target(%dma_start3A_54 : memref<80x128xf32, #tpu.memory_space<vmem_shared>>) offsets(%arg11 : memref<80xi32, #tpu.memory_space<vmem>>) semaphore(%run_scoped3A : memref<!tpu.dma_semaphore, #tpu.memory_space<semaphore_mem>>) {add = true}
      %dma_wait3A = arith.constant 0 : i32
      %dma_wait3A_55 = arith.constant 0 : i32
      %dma_wait3A_56 = tpu.memref_slice %arg12[%dma_wait3A, %dma_wait3A_55] : memref<80x128xf32, #tpu.memory_space<vmem_shared>> -> memref<80x128xf32, #tpu.memory_space<vmem_shared>>
      tpu.wait_indirect_dma semaphore(%run_scoped3A : memref<!tpu.dma_semaphore, #tpu.memory_space<semaphore_mem>>) src(%arg9 : memref<80x128xf32, #tpu.memory_space<vmem>>) dst(%dma_wait3A_56 : memref<80x128xf32, #tpu.memory_space<vmem_shared>>)
      tpu.yield
    }) : () -> ()
    "tpu.region"() ({
      %run_scoped3A = tpu.sem_alloc : memref<!tpu.dma_semaphore, #tpu.memory_space<semaphore_mem>>
      %dma_start3A = arith.constant 0 : i32
      %dma_start3A_53 = arith.constant 0 : i32
      %dma_start3A_54 = tpu.memref_slice %arg13[%dma_start3A, %dma_start3A_53] : memref<80x128xf32, #tpu.memory_space<vmem_shared>> -> memref<80x128xf32, #tpu.memory_space<vmem_shared>>
      tpu.enqueue_indirect_dma source(%arg10 : memref<80x128xf32, #tpu.memory_space<vmem>>) target(%dma_start3A_54 : memref<80x128xf32, #tpu.memory_space<vmem_shared>>) offsets(%arg11 : memref<80xi32, #tpu.memory_space<vmem>>) semaphore(%run_scoped3A : memref<!tpu.dma_semaphore, #tpu.memory_space<semaphore_mem>>) {add = true}
      %dma_wait3A = arith.constant 0 : i32
      %dma_wait3A_55 = arith.constant 0 : i32
      %dma_wait3A_56 = tpu.memref_slice %arg13[%dma_wait3A, %dma_wait3A_55] : memref<80x128xf32, #tpu.memory_space<vmem_shared>> -> memref<80x128xf32, #tpu.memory_space<vmem_shared>>
      tpu.wait_indirect_dma semaphore(%run_scoped3A : memref<!tpu.dma_semaphore, #tpu.memory_space<semaphore_mem>>) src(%arg10 : memref<80x128xf32, #tpu.memory_space<vmem>>) dst(%dma_wait3A_56 : memref<80x128xf32, #tpu.memory_space<vmem_shared>>)
      tpu.yield
    }) : () -> ()
    %barrier3A_48 = arith.constant 0 : index
    tpu.barrier barrier_id(%barrier3A_48)
    %lt3A = arith.constant 10 : i32
    %lt3A_49 = arith.cmpi slt, %arg1, %lt3A : i32
    %convert_element_type3A_50 = arith.extui %lt3A_49 : i1 to i32
    %cond3A_51 = arith.constant 0 : i32
    %cond3A_52 = arith.cmpi ne, %convert_element_type3A_50, %cond3A_51 : i32
    scf.if %cond3A_52 {
      %mul3A_53 = arith.constant 8 : i32
      %mul3A_54 = arith.muli %arg1, %mul3A_53 : i32
      %multiple_of3A_55 = tpu.assume_multiple %mul3A_54, 8 : i32
      %mul3A_56 = arith.constant 80 : i32
      %mul3A_57 = arith.muli %arg0, %mul3A_56 : i32
      %mul3A_58 = arith.constant 8 : i32
      %mul3A_59 = arith.muli %arg1, %mul3A_58 : i32
      %add3A_60 = arith.addi %mul3A_57, %mul3A_59 : i32
      %multiple_of3A_61 = tpu.assume_multiple %add3A_60, 8 : i32
      "tpu.region"() ({
        %run_scoped3A = tpu.sem_alloc : memref<!tpu.dma_semaphore, #tpu.memory_space<semaphore_mem>>
        %dma_start3A = arith.constant 0 : i32
        %dma_start3A_62 = tpu.memref_slice %arg4[%multiple_of3A_61, %dma_start3A] : memref<160x128xf32, #tpu.memory_space<hbm>> -> memref<8x128xf32, #tpu.memory_space<hbm>>
        %dma_start3A_63 = arith.constant 0 : i32
        %dma_start3A_64 = tpu.memref_slice %arg12[%multiple_of3A_55, %dma_start3A_63] : memref<80x128xf32, #tpu.memory_space<vmem_shared>> -> memref<8x128xf32, #tpu.memory_space<vmem_shared>>
        tpu.enqueue_dma source(%dma_start3A_64 : memref<8x128xf32, #tpu.memory_space<vmem_shared>>) target(%dma_start3A_62 : memref<8x128xf32, #tpu.memory_space<hbm>>) target_semaphore(%run_scoped3A : memref<!tpu.dma_semaphore, #tpu.memory_space<semaphore_mem>>)
        %dma_wait3A = arith.constant 0 : i32
        %dma_wait3A_65 = tpu.memref_slice %arg4[%multiple_of3A_61, %dma_wait3A] : memref<160x128xf32, #tpu.memory_space<hbm>> -> memref<8x128xf32, #tpu.memory_space<hbm>>
        %dma_wait3A_66 = arith.constant 0 : i32
        %dma_wait3A_67 = tpu.memref_slice %arg12[%multiple_of3A_55, %dma_wait3A_66] : memref<80x128xf32, #tpu.memory_space<vmem_shared>> -> memref<8x128xf32, #tpu.memory_space<vmem_shared>>
        tpu.wait_dma2 semaphore(%run_scoped3A : memref<!tpu.dma_semaphore, #tpu.memory_space<semaphore_mem>>) src(%dma_wait3A_67 : memref<8x128xf32, #tpu.memory_space<vmem_shared>>) dst(%dma_wait3A_65 : memref<8x128xf32, #tpu.memory_space<hbm>>)
        tpu.yield
      }) : () -> ()
      "tpu.region"() ({
        %run_scoped3A = tpu.sem_alloc : memref<!tpu.dma_semaphore, #tpu.memory_space<semaphore_mem>>
        %dma_start3A = arith.constant 0 : i32
        %dma_start3A_62 = tpu.memref_slice %arg5[%multiple_of3A_61, %dma_start3A] : memref<160x128xf32, #tpu.memory_space<hbm>> -> memref<8x128xf32, #tpu.memory_space<hbm>>
        %dma_start3A_63 = arith.constant 0 : i32
        %dma_start3A_64 = tpu.memref_slice %arg13[%multiple_of3A_55, %dma_start3A_63] : memref<80x128xf32, #tpu.memory_space<vmem_shared>> -> memref<8x128xf32, #tpu.memory_space<vmem_shared>>
        tpu.enqueue_dma source(%dma_start3A_64 : memref<8x128xf32, #tpu.memory_space<vmem_shared>>) target(%dma_start3A_62 : memref<8x128xf32, #tpu.memory_space<hbm>>) target_semaphore(%run_scoped3A : memref<!tpu.dma_semaphore, #tpu.memory_space<semaphore_mem>>)
        %dma_wait3A = arith.constant 0 : i32
        %dma_wait3A_65 = tpu.memref_slice %arg5[%multiple_of3A_61, %dma_wait3A] : memref<160x128xf32, #tpu.memory_space<hbm>> -> memref<8x128xf32, #tpu.memory_space<hbm>>
        %dma_wait3A_66 = arith.constant 0 : i32
        %dma_wait3A_67 = tpu.memref_slice %arg13[%multiple_of3A_55, %dma_wait3A_66] : memref<80x128xf32, #tpu.memory_space<vmem_shared>> -> memref<8x128xf32, #tpu.memory_space<vmem_shared>>
        tpu.wait_dma2 semaphore(%run_scoped3A : memref<!tpu.dma_semaphore, #tpu.memory_space<semaphore_mem>>) src(%dma_wait3A_67 : memref<8x128xf32, #tpu.memory_space<vmem_shared>>) dst(%dma_wait3A_65 : memref<8x128xf32, #tpu.memory_space<hbm>>)
        tpu.yield
      }) : () -> ()
    } else {
    }
    return
  }
}

module attributes {stable_mosaic.version = 14 : i64} {
  func.func @_vit_kernel(%arg0: memref<79x128xf32, #tpu.memory_space<vmem>>, %arg1: memref<79x128xf32, #tpu.memory_space<vmem>>, %arg2: memref<79x128xi32, #tpu.memory_space<vmem>>, %arg3: memref<79x128xi32, #tpu.memory_space<vmem>>, %arg4: memref<79x128xi32, #tpu.memory_space<vmem>>, %arg5: memref<79x128xi32, #tpu.memory_space<vmem>>, %arg6: memref<79x128xi32, #tpu.memory_space<vmem>>, %arg7: memref<79x128xi32, #tpu.memory_space<vmem>>, %arg8: memref<79x128xf32, #tpu.memory_space<vmem>>) attributes {dimension_semantics = [], scalar_prefetch = 0 : i64, scratch_operands = 7 : i64, tpu.core_type = #tpu.core_type<tc>} {
    %iota3A = tpu.iota {dimensions = array<i32: 1>} : vector<1x128xi32>
    %broadcast_in_dim3A = arith.constant -1.000000e+30 : f32
    %broadcast_in_dim3A_0 = vector.broadcast %broadcast_in_dim3A : f32 to vector<1x128xf32>
    %broadcast_in_dim3A_1 = arith.constant 0.000000e+00 : f32
    %broadcast_in_dim3A_2 = vector.broadcast %broadcast_in_dim3A_1 : f32 to vector<1x128xf32>
    %iota3A_3 = tpu.iota {dimensions = array<i32: 0>} : vector<79x128xi32>
    %iota3A_4 = tpu.iota {dimensions = array<i32: 1>} : vector<79x128xi32>
    %mul3A = arith.constant 79 : i32
    %mul3A_5 = vector.broadcast %mul3A : i32 to vector<79x128xi32>
    %mul3A_6 = arith.muli %iota3A_4, %mul3A_5 : vector<79x128xi32>
    %add3A = arith.addi %mul3A_6, %iota3A_3 : vector<79x128xi32>
    %lt3A = arith.constant 10000 : i32
    %lt3A_7 = vector.broadcast %lt3A : i32 to vector<79x128xi32>
    %lt3A_8 = arith.cmpi slt, %add3A, %lt3A_7 : vector<79x128xi32>
    %get3A = arith.constant 0 : index
    %get3A_9 = arith.constant 0 : index
    %get3A_10 = vector.load %arg0[%get3A, %get3A_9] : memref<79x128xf32, #tpu.memory_space<vmem>>, vector<79x128xf32>
    %jit3A = arith.constant 0.000000e+00 : f32
    %broadcast_in_dim3A_11 = vector.broadcast %jit3A : f32 to vector<79x128xf32>
    %select_n3A = arith.select %lt3A_8, %get3A_10, %broadcast_in_dim3A_11 : vector<79x128xi1>, vector<79x128xf32>
    %reduce_sum3A = vector.shape_cast %select_n3A : vector<79x128xf32> to vector<1x79x128xf32>
    %reduce_sum3A_12 = arith.constant dense<0.000000e+00> : vector<1xf32>
    %reduce_sum3A_13 = vector.multi_reduction <add>, %reduce_sum3A, %reduce_sum3A_12 [1, 2] : vector<1x79x128xf32> to vector<1xf32>
    %reduce_sum3A_14 = vector.shape_cast %reduce_sum3A_13 : vector<1xf32> to vector<1x1x1xf32>
    %reduce_sum3A_15 = vector.extract %reduce_sum3A_14[0, 0, 0] : f32 from vector<1x1x1xf32>
    %div3A = arith.constant 1.000000e+04 : f32
    %div3A_16 = arith.divf %reduce_sum3A_15, %div3A : f32
    %sub3A = vector.broadcast %div3A_16 : f32 to vector<79x128xf32>
    %sub3A_17 = arith.subf %get3A_10, %sub3A : vector<79x128xf32>
    %mul3A_18 = arith.mulf %sub3A_17, %sub3A_17 : vector<79x128xf32>
    %jit3A_19 = arith.constant 0.000000e+00 : f32
    %broadcast_in_dim3A_20 = vector.broadcast %jit3A_19 : f32 to vector<79x128xf32>
    %select_n3A_21 = arith.select %lt3A_8, %mul3A_18, %broadcast_in_dim3A_20 : vector<79x128xi1>, vector<79x128xf32>
    %reduce_sum3A_22 = vector.shape_cast %select_n3A_21 : vector<79x128xf32> to vector<1x79x128xf32>
    %reduce_sum3A_23 = arith.constant dense<0.000000e+00> : vector<1xf32>
    %reduce_sum3A_24 = vector.multi_reduction <add>, %reduce_sum3A_22, %reduce_sum3A_23 [1, 2] : vector<1x79x128xf32> to vector<1xf32>
    %reduce_sum3A_25 = vector.shape_cast %reduce_sum3A_24 : vector<1xf32> to vector<1x1x1xf32>
    %reduce_sum3A_26 = vector.extract %reduce_sum3A_25[0, 0, 0] : f32 from vector<1x1x1xf32>
    %div3A_27 = arith.constant 1.000000e+04 : f32
    %div3A_28 = arith.divf %reduce_sum3A_26, %div3A_27 : f32
    %sqrt3A = math.sqrt %div3A_28 : f32
    %add3A_29 = arith.constant 9.99999993E-9 : f32
    %add3A_30 = arith.addf %sqrt3A, %add3A_29 : f32
    %div3A_31 = vector.broadcast %add3A_30 : f32 to vector<79x128xf32>
    %div3A_32 = arith.divf %sub3A_17, %div3A_31 : vector<79x128xf32>
    %jit3A_33 = arith.constant 0.000000e+00 : f32
    %broadcast_in_dim3A_34 = vector.broadcast %jit3A_33 : f32 to vector<79x128xf32>
    %select_n3A_35 = arith.select %lt3A_8, %div3A_32, %broadcast_in_dim3A_34 : vector<79x128xi1>, vector<79x128xf32>
    %swap3A = arith.constant 0 : index
    %swap3A_36 = arith.constant 0 : index
    %swap3A_37 = vector.load %arg8[%swap3A, %swap3A_36] : memref<79x128xf32, #tpu.memory_space<vmem>>, vector<79x128xf32>
    tpu.vector_store %arg8[%swap3A, %swap3A_36], %select_n3A_35 {strides = array<i32>} : memref<79x128xf32, #tpu.memory_space<vmem>>, vector<79x128xf32>,
    %mul3A_38 = arith.mulf %add3A_30, %add3A_30 : f32
    %div3A_39 = arith.divf %div3A_28, %mul3A_38 : f32
    %add3A_40 = arith.constant 9.99999974E-5 : f32
    %add3A_41 = arith.addf %div3A_39, %add3A_40 : f32
    %div3A_42 = arith.constant 1.000000e+00 : f32
    %div3A_43 = arith.divf %div3A_42, %add3A_41 : f32
    %mul3A_44 = arith.constant 6.28318548 : f32
    %mul3A_45 = arith.mulf %mul3A_44, %add3A_41 : f32
    %log3A = math.log %mul3A_45 : f32
    %bitcast_convert_type3A = tpu.bitcast %select_n3A_35 : vector<79x128xf32> -> vector<79x128xi32>
    %shift_right_arithmetic3A = arith.constant 31 : i32
    %shift_right_arithmetic3A_46 = vector.broadcast %shift_right_arithmetic3A : i32 to vector<79x128xi32>
    %shift_right_arithmetic3A_47 = arith.shrsi %bitcast_convert_type3A, %shift_right_arithmetic3A_46 : vector<79x128xi32>
    %and3A = arith.constant 2147483647 : i32
    %and3A_48 = vector.broadcast %and3A : i32 to vector<79x128xi32>
    %and3A_49 = arith.andi %shift_right_arithmetic3A_47, %and3A_48 : vector<79x128xi32>
    %xor3A = arith.xori %bitcast_convert_type3A, %and3A_49 : vector<79x128xi32>
    %jit3A_50 = arith.constant 2147483647 : i32
    %broadcast_in_dim3A_51 = vector.broadcast %jit3A_50 : i32 to vector<79x128xi32>
    %select_n3A_52 = arith.select %lt3A_8, %xor3A, %broadcast_in_dim3A_51 : vector<79x128xi1>, vector<79x128xi32>
    %scan3A = arith.constant 0 : i32
    %scan3A_53 = arith.constant 0 : i32
    %scan3A_54 = arith.constant 0 : i32
    %scan3A_55 = arith.constant 0 : i32
    %scan3A_56 = arith.constant 0 : i32
    %scan3A_57 = arith.constant 0 : i32
    %scan3A_58 = arith.constant 0 : i32
    %scan3A_59 = arith.constant 32 : i32
    %scan3A_60 = arith.addi %scan3A_58, %scan3A_59 : i32
    %scan3A_61 = arith.constant 1 : i32
    %scan3A_62:6 = scf.for %scan3A_1351 = %scan3A_58 to %scan3A_60 step %scan3A_61 iter_args(%scan3A_1352 = %scan3A, %scan3A_1353 = %scan3A_53, %scan3A_1354 = %scan3A_54, %scan3A_1355 = %scan3A_55, %scan3A_1356 = %scan3A_56, %scan3A_1357 = %scan3A_57) -> (i32, i32, i32, i32, i32, i32)  : i32 {
      %sub3A_1358 = arith.constant 31 : i32
      %sub3A_1359 = arith.subi %sub3A_1358, %scan3A_1351 : i32
      %shift_left3A = arith.constant 1 : i32
      %shift_left3A_1360 = arith.shli %shift_left3A, %sub3A_1359 : i32
      %or3A = arith.ori %scan3A_1352, %shift_left3A_1360 : i32
      %xor3A_1361 = arith.constant -2147483648 : i32
      %xor3A_1362 = arith.xori %or3A, %xor3A_1361 : i32
      %lt3A_1363 = vector.broadcast %xor3A_1362 : i32 to vector<79x128xi32>
      %lt3A_1364 = arith.cmpi slt, %select_n3A_52, %lt3A_1363 : vector<79x128xi32>
      %jit3A_1365 = arith.constant 1.000000e+00 : f32
      %jit3A_1366 = arith.constant 0.000000e+00 : f32
      %broadcast_in_dim3A_1367 = vector.broadcast %jit3A_1365 : f32 to vector<79x128xf32>
      %broadcast_in_dim3A_1368 = vector.broadcast %jit3A_1366 : f32 to vector<79x128xf32>
      %select_n3A_1369 = arith.select %lt3A_1364, %broadcast_in_dim3A_1367, %broadcast_in_dim3A_1368 : vector<79x128xi1>, vector<79x128xf32>
      %reduce_sum3A_1370 = vector.shape_cast %select_n3A_1369 : vector<79x128xf32> to vector<1x79x128xf32>
      %reduce_sum3A_1371 = arith.constant dense<0.000000e+00> : vector<1xf32>
      %reduce_sum3A_1372 = vector.multi_reduction <add>, %reduce_sum3A_1370, %reduce_sum3A_1371 [1, 2] : vector<1x79x128xf32> to vector<1xf32>
      %reduce_sum3A_1373 = vector.shape_cast %reduce_sum3A_1372 : vector<1xf32> to vector<1x1x1xf32>
      %reduce_sum3A_1374 = vector.extract %reduce_sum3A_1373[0, 0, 0] : f32 from vector<1x1x1xf32>
      %le3A = arith.constant 1.999000e+03 : f32
      %le3A_1375 = arith.cmpf ole, %reduce_sum3A_1374, %le3A : f32
      %select_n3A_1376 = arith.select %le3A_1375, %or3A, %scan3A_1352 : i32
      %or3A_1377 = arith.ori %scan3A_1353, %shift_left3A_1360 : i32
      %xor3A_1378 = arith.constant -2147483648 : i32
      %xor3A_1379 = arith.xori %or3A_1377, %xor3A_1378 : i32
      %lt3A_1380 = vector.broadcast %xor3A_1379 : i32 to vector<79x128xi32>
      %lt3A_1381 = arith.cmpi slt, %select_n3A_52, %lt3A_1380 : vector<79x128xi32>
      %jit3A_1382 = arith.constant 1.000000e+00 : f32
      %jit3A_1383 = arith.constant 0.000000e+00 : f32
      %broadcast_in_dim3A_1384 = vector.broadcast %jit3A_1382 : f32 to vector<79x128xf32>
      %broadcast_in_dim3A_1385 = vector.broadcast %jit3A_1383 : f32 to vector<79x128xf32>
      %select_n3A_1386 = arith.select %lt3A_1381, %broadcast_in_dim3A_1384, %broadcast_in_dim3A_1385 : vector<79x128xi1>, vector<79x128xf32>
      %reduce_sum3A_1387 = vector.shape_cast %select_n3A_1386 : vector<79x128xf32> to vector<1x79x128xf32>
      %reduce_sum3A_1388 = arith.constant dense<0.000000e+00> : vector<1xf32>
      %reduce_sum3A_1389 = vector.multi_reduction <add>, %reduce_sum3A_1387, %reduce_sum3A_1388 [1, 2] : vector<1x79x128xf32> to vector<1xf32>
      %reduce_sum3A_1390 = vector.shape_cast %reduce_sum3A_1389 : vector<1xf32> to vector<1x1x1xf32>
      %reduce_sum3A_1391 = vector.extract %reduce_sum3A_1390[0, 0, 0] : f32 from vector<1x1x1xf32>
      %le3A_1392 = arith.constant 2.000000e+03 : f32
      %le3A_1393 = arith.cmpf ole, %reduce_sum3A_1391, %le3A_1392 : f32
      %select_n3A_1394 = arith.select %le3A_1393, %or3A_1377, %scan3A_1353 : i32
      %or3A_1395 = arith.ori %scan3A_1354, %shift_left3A_1360 : i32
      %xor3A_1396 = arith.constant -2147483648 : i32
      %xor3A_1397 = arith.xori %or3A_1395, %xor3A_1396 : i32
      %lt3A_1398 = vector.broadcast %xor3A_1397 : i32 to vector<79x128xi32>
      %lt3A_1399 = arith.cmpi slt, %select_n3A_52, %lt3A_1398 : vector<79x128xi32>
      %jit3A_1400 = arith.constant 1.000000e+00 : f32
      %jit3A_1401 = arith.constant 0.000000e+00 : f32
      %broadcast_in_dim3A_1402 = vector.broadcast %jit3A_1400 : f32 to vector<79x128xf32>
      %broadcast_in_dim3A_1403 = vector.broadcast %jit3A_1401 : f32 to vector<79x128xf32>
      %select_n3A_1404 = arith.select %lt3A_1399, %broadcast_in_dim3A_1402, %broadcast_in_dim3A_1403 : vector<79x128xi1>, vector<79x128xf32>
      %reduce_sum3A_1405 = vector.shape_cast %select_n3A_1404 : vector<79x128xf32> to vector<1x79x128xf32>
      %reduce_sum3A_1406 = arith.constant dense<0.000000e+00> : vector<1xf32>
      %reduce_sum3A_1407 = vector.multi_reduction <add>, %reduce_sum3A_1405, %reduce_sum3A_1406 [1, 2] : vector<1x79x128xf32> to vector<1xf32>
      %reduce_sum3A_1408 = vector.shape_cast %reduce_sum3A_1407 : vector<1xf32> to vector<1x1x1xf32>
      %reduce_sum3A_1409 = vector.extract %reduce_sum3A_1408[0, 0, 0] : f32 from vector<1x1x1xf32>
      %le3A_1410 = arith.constant 4.999000e+03 : f32
      %le3A_1411 = arith.cmpf ole, %reduce_sum3A_1409, %le3A_1410 : f32
      %select_n3A_1412 = arith.select %le3A_1411, %or3A_1395, %scan3A_1354 : i32
      %or3A_1413 = arith.ori %scan3A_1355, %shift_left3A_1360 : i32
      %xor3A_1414 = arith.constant -2147483648 : i32
      %xor3A_1415 = arith.xori %or3A_1413, %xor3A_1414 : i32
      %lt3A_1416 = vector.broadcast %xor3A_1415 : i32 to vector<79x128xi32>
      %lt3A_1417 = arith.cmpi slt, %select_n3A_52, %lt3A_1416 : vector<79x128xi32>
      %jit3A_1418 = arith.constant 1.000000e+00 : f32
      %jit3A_1419 = arith.constant 0.000000e+00 : f32
      %broadcast_in_dim3A_1420 = vector.broadcast %jit3A_1418 : f32 to vector<79x128xf32>
      %broadcast_in_dim3A_1421 = vector.broadcast %jit3A_1419 : f32 to vector<79x128xf32>
      %select_n3A_1422 = arith.select %lt3A_1417, %broadcast_in_dim3A_1420, %broadcast_in_dim3A_1421 : vector<79x128xi1>, vector<79x128xf32>
      %reduce_sum3A_1423 = vector.shape_cast %select_n3A_1422 : vector<79x128xf32> to vector<1x79x128xf32>
      %reduce_sum3A_1424 = arith.constant dense<0.000000e+00> : vector<1xf32>
      %reduce_sum3A_1425 = vector.multi_reduction <add>, %reduce_sum3A_1423, %reduce_sum3A_1424 [1, 2] : vector<1x79x128xf32> to vector<1xf32>
      %reduce_sum3A_1426 = vector.shape_cast %reduce_sum3A_1425 : vector<1xf32> to vector<1x1x1xf32>
      %reduce_sum3A_1427 = vector.extract %reduce_sum3A_1426[0, 0, 0] : f32 from vector<1x1x1xf32>
      %le3A_1428 = arith.constant 5.000000e+03 : f32
      %le3A_1429 = arith.cmpf ole, %reduce_sum3A_1427, %le3A_1428 : f32
      %select_n3A_1430 = arith.select %le3A_1429, %or3A_1413, %scan3A_1355 : i32
      %or3A_1431 = arith.ori %scan3A_1356, %shift_left3A_1360 : i32
      %xor3A_1432 = arith.constant -2147483648 : i32
      %xor3A_1433 = arith.xori %or3A_1431, %xor3A_1432 : i32
      %lt3A_1434 = vector.broadcast %xor3A_1433 : i32 to vector<79x128xi32>
      %lt3A_1435 = arith.cmpi slt, %select_n3A_52, %lt3A_1434 : vector<79x128xi32>
      %jit3A_1436 = arith.constant 1.000000e+00 : f32
      %jit3A_1437 = arith.constant 0.000000e+00 : f32
      %broadcast_in_dim3A_1438 = vector.broadcast %jit3A_1436 : f32 to vector<79x128xf32>
      %broadcast_in_dim3A_1439 = vector.broadcast %jit3A_1437 : f32 to vector<79x128xf32>
      %select_n3A_1440 = arith.select %lt3A_1435, %broadcast_in_dim3A_1438, %broadcast_in_dim3A_1439 : vector<79x128xi1>, vector<79x128xf32>
      %reduce_sum3A_1441 = vector.shape_cast %select_n3A_1440 : vector<79x128xf32> to vector<1x79x128xf32>
      %reduce_sum3A_1442 = arith.constant dense<0.000000e+00> : vector<1xf32>
      %reduce_sum3A_1443 = vector.multi_reduction <add>, %reduce_sum3A_1441, %reduce_sum3A_1442 [1, 2] : vector<1x79x128xf32> to vector<1xf32>
      %reduce_sum3A_1444 = vector.shape_cast %reduce_sum3A_1443 : vector<1xf32> to vector<1x1x1xf32>
      %reduce_sum3A_1445 = vector.extract %reduce_sum3A_1444[0, 0, 0] : f32 from vector<1x1x1xf32>
      %le3A_1446 = arith.constant 7.999000e+03 : f32
      %le3A_1447 = arith.cmpf ole, %reduce_sum3A_1445, %le3A_1446 : f32
      %select_n3A_1448 = arith.select %le3A_1447, %or3A_1431, %scan3A_1356 : i32
      %or3A_1449 = arith.ori %scan3A_1357, %shift_left3A_1360 : i32
      %xor3A_1450 = arith.constant -2147483648 : i32
      %xor3A_1451 = arith.xori %or3A_1449, %xor3A_1450 : i32
      %lt3A_1452 = vector.broadcast %xor3A_1451 : i32 to vector<79x128xi32>
      %lt3A_1453 = arith.cmpi slt, %select_n3A_52, %lt3A_1452 : vector<79x128xi32>
      %jit3A_1454 = arith.constant 1.000000e+00 : f32
      %jit3A_1455 = arith.constant 0.000000e+00 : f32
      %broadcast_in_dim3A_1456 = vector.broadcast %jit3A_1454 : f32 to vector<79x128xf32>
      %broadcast_in_dim3A_1457 = vector.broadcast %jit3A_1455 : f32 to vector<79x128xf32>
      %select_n3A_1458 = arith.select %lt3A_1453, %broadcast_in_dim3A_1456, %broadcast_in_dim3A_1457 : vector<79x128xi1>, vector<79x128xf32>
      %reduce_sum3A_1459 = vector.shape_cast %select_n3A_1458 : vector<79x128xf32> to vector<1x79x128xf32>
      %reduce_sum3A_1460 = arith.constant dense<0.000000e+00> : vector<1xf32>
      %reduce_sum3A_1461 = vector.multi_reduction <add>, %reduce_sum3A_1459, %reduce_sum3A_1460 [1, 2] : vector<1x79x128xf32> to vector<1xf32>
      %reduce_sum3A_1462 = vector.shape_cast %reduce_sum3A_1461 : vector<1xf32> to vector<1x1x1xf32>
      %reduce_sum3A_1463 = vector.extract %reduce_sum3A_1462[0, 0, 0] : f32 from vector<1x1x1xf32>
      %le3A_1464 = arith.constant 8.000000e+03 : f32
      %le3A_1465 = arith.cmpf ole, %reduce_sum3A_1463, %le3A_1464 : f32
      %select_n3A_1466 = arith.select %le3A_1465, %or3A_1449, %scan3A_1357 : i32
      scf.yield %select_n3A_1376, %select_n3A_1394, %select_n3A_1412, %select_n3A_1430, %select_n3A_1448, %select_n3A_1466 : i32, i32, i32, i32, i32, i32
    }
    %scan3A_63 = arith.constant 32 : i32
    %xor3A_64 = arith.constant -2147483648 : i32
    %xor3A_65 = arith.xori %scan3A_62#0, %xor3A_64 : i32
    %ge3A = arith.constant 0 : i32
    %ge3A_66 = arith.cmpi sge, %xor3A_65, %ge3A : i32
    %xor3A_67 = arith.constant 2147483647 : i32
    %xor3A_68 = arith.xori %xor3A_65, %xor3A_67 : i32
    %select_n3A_69 = arith.select %ge3A_66, %xor3A_65, %xor3A_68 : i32
    %bitcast_convert_type3A_70 = arith.bitcast %select_n3A_69 : i32 to f32
    %xor3A_71 = arith.constant -2147483648 : i32
    %xor3A_72 = arith.xori %scan3A_62#1, %xor3A_71 : i32
    %ge3A_73 = arith.constant 0 : i32
    %ge3A_74 = arith.cmpi sge, %xor3A_72, %ge3A_73 : i32
    %xor3A_75 = arith.constant 2147483647 : i32
    %xor3A_76 = arith.xori %xor3A_72, %xor3A_75 : i32
    %select_n3A_77 = arith.select %ge3A_74, %xor3A_72, %xor3A_76 : i32
    %bitcast_convert_type3A_78 = arith.bitcast %select_n3A_77 : i32 to f32
    %xor3A_79 = arith.constant -2147483648 : i32
    %xor3A_80 = arith.xori %scan3A_62#2, %xor3A_79 : i32
    %ge3A_81 = arith.constant 0 : i32
    %ge3A_82 = arith.cmpi sge, %xor3A_80, %ge3A_81 : i32
    %xor3A_83 = arith.constant 2147483647 : i32
    %xor3A_84 = arith.xori %xor3A_80, %xor3A_83 : i32
    %select_n3A_85 = arith.select %ge3A_82, %xor3A_80, %xor3A_84 : i32
    %bitcast_convert_type3A_86 = arith.bitcast %select_n3A_85 : i32 to f32
    %xor3A_87 = arith.constant -2147483648 : i32
    %xor3A_88 = arith.xori %scan3A_62#3, %xor3A_87 : i32
    %ge3A_89 = arith.constant 0 : i32
    %ge3A_90 = arith.cmpi sge, %xor3A_88, %ge3A_89 : i32
    %xor3A_91 = arith.constant 2147483647 : i32
    %xor3A_92 = arith.xori %xor3A_88, %xor3A_91 : i32
    %select_n3A_93 = arith.select %ge3A_90, %xor3A_88, %xor3A_92 : i32
    %bitcast_convert_type3A_94 = arith.bitcast %select_n3A_93 : i32 to f32
    %xor3A_95 = arith.constant -2147483648 : i32
    %xor3A_96 = arith.xori %scan3A_62#4, %xor3A_95 : i32
    %ge3A_97 = arith.constant 0 : i32
    %ge3A_98 = arith.cmpi sge, %xor3A_96, %ge3A_97 : i32
    %xor3A_99 = arith.constant 2147483647 : i32
    %xor3A_100 = arith.xori %xor3A_96, %xor3A_99 : i32
    %select_n3A_101 = arith.select %ge3A_98, %xor3A_96, %xor3A_100 : i32
    %bitcast_convert_type3A_102 = arith.bitcast %select_n3A_101 : i32 to f32
    %xor3A_103 = arith.constant -2147483648 : i32
    %xor3A_104 = arith.xori %scan3A_62#5, %xor3A_103 : i32
    %ge3A_105 = arith.constant 0 : i32
    %ge3A_106 = arith.cmpi sge, %xor3A_104, %ge3A_105 : i32
    %xor3A_107 = arith.constant 2147483647 : i32
    %xor3A_108 = arith.xori %xor3A_104, %xor3A_107 : i32
    %select_n3A_109 = arith.select %ge3A_106, %xor3A_104, %xor3A_108 : i32
    %bitcast_convert_type3A_110 = arith.bitcast %select_n3A_109 : i32 to f32
    %mul3A_111 = arith.constant 2.000000e-01 : f32
    %mul3A_112 = arith.mulf %bitcast_convert_type3A_70, %mul3A_111 : f32
    %mul3A_113 = arith.constant 8.000000e-01 : f32
    %mul3A_114 = arith.mulf %bitcast_convert_type3A_78, %mul3A_113 : f32
    %add3A_115 = arith.addf %mul3A_112, %mul3A_114 : f32
    %mul3A_116 = arith.constant 5.000000e-01 : f32
    %mul3A_117 = arith.mulf %bitcast_convert_type3A_86, %mul3A_116 : f32
    %mul3A_118 = arith.constant 5.000000e-01 : f32
    %mul3A_119 = arith.mulf %bitcast_convert_type3A_94, %mul3A_118 : f32
    %add3A_120 = arith.addf %mul3A_117, %mul3A_119 : f32
    %mul3A_121 = arith.constant 8.000000e-01 : f32
    %mul3A_122 = arith.mulf %bitcast_convert_type3A_102, %mul3A_121 : f32
    %mul3A_123 = arith.constant 2.000000e-01 : f32
    %mul3A_124 = arith.mulf %bitcast_convert_type3A_110, %mul3A_123 : f32
    %add3A_125 = arith.addf %mul3A_122, %mul3A_124 : f32
    %scan3A_126 = arith.constant 0 : i32
    %scan3A_127 = arith.constant 79 : i32
    %scan3A_128 = arith.addi %scan3A_126, %scan3A_127 : i32
    %scan3A_129 = arith.constant 1 : i32
    %scan3A_130:9 = scf.for %scan3A_1351 = %scan3A_126 to %scan3A_128 step %scan3A_129 iter_args(%scan3A_1352 = %broadcast_in_dim3A_2, %scan3A_1353 = %broadcast_in_dim3A_0, %scan3A_1354 = %broadcast_in_dim3A_0, %scan3A_1355 = %broadcast_in_dim3A_0, %scan3A_1356 = %broadcast_in_dim3A_2, %scan3A_1357 = %broadcast_in_dim3A_0, %scan3A_1358 = %broadcast_in_dim3A_0, %scan3A_1359 = %broadcast_in_dim3A_0, %scan3A_1360 = %broadcast_in_dim3A_2) -> (vector<1x128xf32>, vector<1x128xf32>, vector<1x128xf32>, vector<1x128xf32>, vector<1x128xf32>, vector<1x128xf32>, vector<1x128xf32>, vector<1x128xf32>, vector<1x128xf32>)  : i32 {
      %get3A_1361 = arith.index_cast %scan3A_1351 : i32 to index
      %get3A_1362 = arith.constant 0 : index
      %get3A_1363 = vector.load %arg8[%get3A_1361, %get3A_1362] : memref<79x128xf32, #tpu.memory_space<vmem>>, vector<1x128xf32>
      %sub3A_1364 = vector.broadcast %add3A_115 : f32 to vector<1x128xf32>
      %sub3A_1365 = arith.subf %get3A_1363, %sub3A_1364 : vector<1x128xf32>
      %sub3A_1366 = vector.broadcast %add3A_115 : f32 to vector<1x128xf32>
      %sub3A_1367 = arith.subf %get3A_1363, %sub3A_1366 : vector<1x128xf32>
      %mul3A_1368 = arith.mulf %sub3A_1365, %sub3A_1367 : vector<1x128xf32>
      %mul3A_1369 = vector.broadcast %div3A_43 : f32 to vector<1x128xf32>
      %mul3A_1370 = arith.mulf %mul3A_1368, %mul3A_1369 : vector<1x128xf32>
      %add3A_1371 = vector.broadcast %log3A : f32 to vector<1x128xf32>
      %add3A_1372 = arith.addf %mul3A_1370, %add3A_1371 : vector<1x128xf32>
      %mul3A_1373 = arith.constant -5.000000e-01 : f32
      %mul3A_1374 = vector.broadcast %mul3A_1373 : f32 to vector<1x128xf32>
      %mul3A_1375 = arith.mulf %mul3A_1374, %add3A_1372 : vector<1x128xf32>
      %sub3A_1376 = vector.broadcast %add3A_120 : f32 to vector<1x128xf32>
      %sub3A_1377 = arith.subf %get3A_1363, %sub3A_1376 : vector<1x128xf32>
      %sub3A_1378 = vector.broadcast %add3A_120 : f32 to vector<1x128xf32>
      %sub3A_1379 = arith.subf %get3A_1363, %sub3A_1378 : vector<1x128xf32>
      %mul3A_1380 = arith.mulf %sub3A_1377, %sub3A_1379 : vector<1x128xf32>
      %mul3A_1381 = vector.broadcast %div3A_43 : f32 to vector<1x128xf32>
      %mul3A_1382 = arith.mulf %mul3A_1380, %mul3A_1381 : vector<1x128xf32>
      %add3A_1383 = vector.broadcast %log3A : f32 to vector<1x128xf32>
      %add3A_1384 = arith.addf %mul3A_1382, %add3A_1383 : vector<1x128xf32>
      %mul3A_1385 = arith.constant -5.000000e-01 : f32
      %mul3A_1386 = vector.broadcast %mul3A_1385 : f32 to vector<1x128xf32>
      %mul3A_1387 = arith.mulf %mul3A_1386, %add3A_1384 : vector<1x128xf32>
      %sub3A_1388 = vector.broadcast %add3A_125 : f32 to vector<1x128xf32>
      %sub3A_1389 = arith.subf %get3A_1363, %sub3A_1388 : vector<1x128xf32>
      %sub3A_1390 = vector.broadcast %add3A_125 : f32 to vector<1x128xf32>
      %sub3A_1391 = arith.subf %get3A_1363, %sub3A_1390 : vector<1x128xf32>
      %mul3A_1392 = arith.mulf %sub3A_1389, %sub3A_1391 : vector<1x128xf32>
      %mul3A_1393 = vector.broadcast %div3A_43 : f32 to vector<1x128xf32>
      %mul3A_1394 = arith.mulf %mul3A_1392, %mul3A_1393 : vector<1x128xf32>
      %add3A_1395 = vector.broadcast %log3A : f32 to vector<1x128xf32>
      %add3A_1396 = arith.addf %mul3A_1394, %add3A_1395 : vector<1x128xf32>
      %mul3A_1397 = arith.constant -5.000000e-01 : f32
      %mul3A_1398 = vector.broadcast %mul3A_1397 : f32 to vector<1x128xf32>
      %mul3A_1399 = arith.mulf %mul3A_1398, %add3A_1396 : vector<1x128xf32>
      %mul3A_1400 = arith.constant 79 : i32
      %mul3A_1401 = vector.broadcast %mul3A_1400 : i32 to vector<1x128xi32>
      %mul3A_1402 = arith.muli %iota3A, %mul3A_1401 : vector<1x128xi32>
      %add3A_1403 = vector.broadcast %scan3A_1351 : i32 to vector<1x128xi32>
      %add3A_1404 = arith.addi %mul3A_1402, %add3A_1403 : vector<1x128xi32>
      %lt3A_1405 = arith.constant 10000 : i32
      %lt3A_1406 = vector.broadcast %lt3A_1405 : i32 to vector<1x128xi32>
      %lt3A_1407 = arith.cmpi slt, %add3A_1404, %lt3A_1406 : vector<1x128xi32>
      %eq3A_1408 = arith.constant 0 : i32
      %eq3A_1409 = vector.broadcast %eq3A_1408 : i32 to vector<1x128xi32>
      %eq3A_1410 = arith.cmpi eq, %iota3A, %eq3A_1409 : vector<1x128xi32>
      %eq3A_1411 = arith.constant 0 : i32
      %eq3A_1412 = arith.cmpi eq, %scan3A_1351, %eq3A_1411 : i32
      %and3A_1413 = vector.broadcast %eq3A_1412 : i1 to vector<1x128xi1>
      %and3A_1414 = arith.andi %eq3A_1410, %and3A_1413 : vector<1x128xi1>
      %add3A_1415 = arith.constant -0.0202027075 : f32
      %add3A_1416 = vector.broadcast %add3A_1415 : f32 to vector<1x128xf32>
      %add3A_1417 = arith.addf %add3A_1416, %mul3A_1375 : vector<1x128xf32>
      %select_n3A_1418 = arith.select %and3A_1414, %mul3A_1375, %add3A_1417 : vector<1x128xi1>, vector<1x128xf32>
      %select_n3A_1419 = arith.select %lt3A_1407, %select_n3A_1418, %broadcast_in_dim3A_2 : vector<1x128xi1>, vector<1x128xf32>
      %add3A_1420 = arith.constant -4.60517025 : f32
      %add3A_1421 = vector.broadcast %add3A_1420 : f32 to vector<1x128xf32>
      %add3A_1422 = arith.addf %add3A_1421, %mul3A_1387 : vector<1x128xf32>
      %select_n3A_1423 = arith.select %and3A_1414, %broadcast_in_dim3A_0, %add3A_1422 : vector<1x128xi1>, vector<1x128xf32>
      %select_n3A_1424 = arith.select %lt3A_1407, %select_n3A_1423, %broadcast_in_dim3A_0 : vector<1x128xi1>, vector<1x128xf32>
      %add3A_1425 = arith.constant -4.60517025 : f32
      %add3A_1426 = vector.broadcast %add3A_1425 : f32 to vector<1x128xf32>
      %add3A_1427 = arith.addf %add3A_1426, %mul3A_1399 : vector<1x128xf32>
      %select_n3A_1428 = arith.select %and3A_1414, %broadcast_in_dim3A_0, %add3A_1427 : vector<1x128xi1>, vector<1x128xf32>
      %select_n3A_1429 = arith.select %lt3A_1407, %select_n3A_1428, %broadcast_in_dim3A_0 : vector<1x128xi1>, vector<1x128xf32>
      %add3A_1430 = arith.constant -4.60517025 : f32
      %add3A_1431 = vector.broadcast %add3A_1430 : f32 to vector<1x128xf32>
      %add3A_1432 = arith.addf %add3A_1431, %mul3A_1375 : vector<1x128xf32>
      %select_n3A_1433 = arith.select %and3A_1414, %broadcast_in_dim3A_0, %add3A_1432 : vector<1x128xi1>, vector<1x128xf32>
      %select_n3A_1434 = arith.select %lt3A_1407, %select_n3A_1433, %broadcast_in_dim3A_0 : vector<1x128xi1>, vector<1x128xf32>
      %add3A_1435 = arith.constant -0.0202027075 : f32
      %add3A_1436 = vector.broadcast %add3A_1435 : f32 to vector<1x128xf32>
      %add3A_1437 = arith.addf %add3A_1436, %mul3A_1387 : vector<1x128xf32>
      %select_n3A_1438 = arith.select %and3A_1414, %mul3A_1387, %add3A_1437 : vector<1x128xi1>, vector<1x128xf32>
      %select_n3A_1439 = arith.select %lt3A_1407, %select_n3A_1438, %broadcast_in_dim3A_2 : vector<1x128xi1>, vector<1x128xf32>
      %add3A_1440 = arith.constant -4.60517025 : f32
      %add3A_1441 = vector.broadcast %add3A_1440 : f32 to vector<1x128xf32>
      %add3A_1442 = arith.addf %add3A_1441, %mul3A_1399 : vector<1x128xf32>
      %select_n3A_1443 = arith.select %and3A_1414, %broadcast_in_dim3A_0, %add3A_1442 : vector<1x128xi1>, vector<1x128xf32>
      %select_n3A_1444 = arith.select %lt3A_1407, %select_n3A_1443, %broadcast_in_dim3A_0 : vector<1x128xi1>, vector<1x128xf32>
      %add3A_1445 = arith.constant -4.60517025 : f32
      %add3A_1446 = vector.broadcast %add3A_1445 : f32 to vector<1x128xf32>
      %add3A_1447 = arith.addf %add3A_1446, %mul3A_1375 : vector<1x128xf32>
      %select_n3A_1448 = arith.select %and3A_1414, %broadcast_in_dim3A_0, %add3A_1447 : vector<1x128xi1>, vector<1x128xf32>
      %select_n3A_1449 = arith.select %lt3A_1407, %select_n3A_1448, %broadcast_in_dim3A_0 : vector<1x128xi1>, vector<1x128xf32>
      %add3A_1450 = arith.constant -4.60517025 : f32
      %add3A_1451 = vector.broadcast %add3A_1450 : f32 to vector<1x128xf32>
      %add3A_1452 = arith.addf %add3A_1451, %mul3A_1387 : vector<1x128xf32>
      %select_n3A_1453 = arith.select %and3A_1414, %broadcast_in_dim3A_0, %add3A_1452 : vector<1x128xi1>, vector<1x128xf32>
      %select_n3A_1454 = arith.select %lt3A_1407, %select_n3A_1453, %broadcast_in_dim3A_0 : vector<1x128xi1>, vector<1x128xf32>
      %add3A_1455 = arith.constant -0.0202027075 : f32
      %add3A_1456 = vector.broadcast %add3A_1455 : f32 to vector<1x128xf32>
      %add3A_1457 = arith.addf %add3A_1456, %mul3A_1399 : vector<1x128xf32>
      %select_n3A_1458 = arith.select %and3A_1414, %mul3A_1399, %add3A_1457 : vector<1x128xi1>, vector<1x128xf32>
      %select_n3A_1459 = arith.select %lt3A_1407, %select_n3A_1458, %broadcast_in_dim3A_2 : vector<1x128xi1>, vector<1x128xf32>
      %add3A_1460 = arith.addf %scan3A_1352, %select_n3A_1419 : vector<1x128xf32>
      %add3A_1461 = arith.addf %scan3A_1353, %select_n3A_1434 : vector<1x128xf32>
      %max3A_1462 = arith.maximumf %add3A_1460, %add3A_1461 : vector<1x128xf32>
      %add3A_1463 = arith.addf %scan3A_1354, %select_n3A_1449 : vector<1x128xf32>
      %max3A_1464 = arith.maximumf %max3A_1462, %add3A_1463 : vector<1x128xf32>
      %add3A_1465 = arith.addf %scan3A_1352, %select_n3A_1424 : vector<1x128xf32>
      %add3A_1466 = arith.addf %scan3A_1353, %select_n3A_1439 : vector<1x128xf32>
      %max3A_1467 = arith.maximumf %add3A_1465, %add3A_1466 : vector<1x128xf32>
      %add3A_1468 = arith.addf %scan3A_1354, %select_n3A_1454 : vector<1x128xf32>
      %max3A_1469 = arith.maximumf %max3A_1467, %add3A_1468 : vector<1x128xf32>
      %add3A_1470 = arith.addf %scan3A_1352, %select_n3A_1429 : vector<1x128xf32>
      %add3A_1471 = arith.addf %scan3A_1353, %select_n3A_1444 : vector<1x128xf32>
      %max3A_1472 = arith.maximumf %add3A_1470, %add3A_1471 : vector<1x128xf32>
      %add3A_1473 = arith.addf %scan3A_1354, %select_n3A_1459 : vector<1x128xf32>
      %max3A_1474 = arith.maximumf %max3A_1472, %add3A_1473 : vector<1x128xf32>
      %add3A_1475 = arith.addf %scan3A_1355, %select_n3A_1419 : vector<1x128xf32>
      %add3A_1476 = arith.addf %scan3A_1356, %select_n3A_1434 : vector<1x128xf32>
      %max3A_1477 = arith.maximumf %add3A_1475, %add3A_1476 : vector<1x128xf32>
      %add3A_1478 = arith.addf %scan3A_1357, %select_n3A_1449 : vector<1x128xf32>
      %max3A_1479 = arith.maximumf %max3A_1477, %add3A_1478 : vector<1x128xf32>
      %add3A_1480 = arith.addf %scan3A_1355, %select_n3A_1424 : vector<1x128xf32>
      %add3A_1481 = arith.addf %scan3A_1356, %select_n3A_1439 : vector<1x128xf32>
      %max3A_1482 = arith.maximumf %add3A_1480, %add3A_1481 : vector<1x128xf32>
      %add3A_1483 = arith.addf %scan3A_1357, %select_n3A_1454 : vector<1x128xf32>
      %max3A_1484 = arith.maximumf %max3A_1482, %add3A_1483 : vector<1x128xf32>
      %add3A_1485 = arith.addf %scan3A_1355, %select_n3A_1429 : vector<1x128xf32>
      %add3A_1486 = arith.addf %scan3A_1356, %select_n3A_1444 : vector<1x128xf32>
      %max3A_1487 = arith.maximumf %add3A_1485, %add3A_1486 : vector<1x128xf32>
      %add3A_1488 = arith.addf %scan3A_1357, %select_n3A_1459 : vector<1x128xf32>
      %max3A_1489 = arith.maximumf %max3A_1487, %add3A_1488 : vector<1x128xf32>
      %add3A_1490 = arith.addf %scan3A_1358, %select_n3A_1419 : vector<1x128xf32>
      %add3A_1491 = arith.addf %scan3A_1359, %select_n3A_1434 : vector<1x128xf32>
      %max3A_1492 = arith.maximumf %add3A_1490, %add3A_1491 : vector<1x128xf32>
      %add3A_1493 = arith.addf %scan3A_1360, %select_n3A_1449 : vector<1x128xf32>
      %max3A_1494 = arith.maximumf %max3A_1492, %add3A_1493 : vector<1x128xf32>
      %add3A_1495 = arith.addf %scan3A_1358, %select_n3A_1424 : vector<1x128xf32>
      %add3A_1496 = arith.addf %scan3A_1359, %select_n3A_1439 : vector<1x128xf32>
      %max3A_1497 = arith.maximumf %add3A_1495, %add3A_1496 : vector<1x128xf32>
      %add3A_1498 = arith.addf %scan3A_1360, %select_n3A_1454 : vector<1x128xf32>
      %max3A_1499 = arith.maximumf %max3A_1497, %add3A_1498 : vector<1x128xf32>
      %add3A_1500 = arith.addf %scan3A_1358, %select_n3A_1429 : vector<1x128xf32>
      %add3A_1501 = arith.addf %scan3A_1359, %select_n3A_1444 : vector<1x128xf32>
      %max3A_1502 = arith.maximumf %add3A_1500, %add3A_1501 : vector<1x128xf32>
      %add3A_1503 = arith.addf %scan3A_1360, %select_n3A_1459 : vector<1x128xf32>
      %max3A_1504 = arith.maximumf %max3A_1502, %add3A_1503 : vector<1x128xf32>
      scf.yield %max3A_1464, %max3A_1469, %max3A_1474, %max3A_1479, %max3A_1484, %max3A_1489, %max3A_1494, %max3A_1499, %max3A_1504 : vector<1x128xf32>, vector<1x128xf32>, vector<1x128xf32>, vector<1x128xf32>, vector<1x128xf32>, vector<1x128xf32>, vector<1x128xf32>, vector<1x128xf32>, vector<1x128xf32>
    }
    %scan3A_131 = arith.constant 79 : i32
    %roll3A = arith.constant 1 : i32
    %roll3A_132 = tpu.dynamic_rotate %scan3A_130#0 by %roll3A dim 1 : vector<1x128xf32>, i32 -> vector<1x128xf32>
    %lt3A_133 = arith.constant 1 : i32
    %lt3A_134 = vector.broadcast %lt3A_133 : i32 to vector<1x128xi32>
    %lt3A_135 = arith.cmpi slt, %iota3A, %lt3A_134 : vector<1x128xi32>
    %select_n3A_136 = arith.select %lt3A_135, %broadcast_in_dim3A_2, %roll3A_132 : vector<1x128xi1>, vector<1x128xf32>
    %roll3A_137 = arith.constant 1 : i32
    %roll3A_138 = tpu.dynamic_rotate %scan3A_130#1 by %roll3A_137 dim 1 : vector<1x128xf32>, i32 -> vector<1x128xf32>
    %lt3A_139 = arith.constant 1 : i32
    %lt3A_140 = vector.broadcast %lt3A_139 : i32 to vector<1x128xi32>
    %lt3A_141 = arith.cmpi slt, %iota3A, %lt3A_140 : vector<1x128xi32>
    %select_n3A_142 = arith.select %lt3A_141, %broadcast_in_dim3A_0, %roll3A_138 : vector<1x128xi1>, vector<1x128xf32>
    %roll3A_143 = arith.constant 1 : i32
    %roll3A_144 = tpu.dynamic_rotate %scan3A_130#2 by %roll3A_143 dim 1 : vector<1x128xf32>, i32 -> vector<1x128xf32>
    %lt3A_145 = arith.constant 1 : i32
    %lt3A_146 = vector.broadcast %lt3A_145 : i32 to vector<1x128xi32>
    %lt3A_147 = arith.cmpi slt, %iota3A, %lt3A_146 : vector<1x128xi32>
    %select_n3A_148 = arith.select %lt3A_147, %broadcast_in_dim3A_0, %roll3A_144 : vector<1x128xi1>, vector<1x128xf32>
    %roll3A_149 = arith.constant 1 : i32
    %roll3A_150 = tpu.dynamic_rotate %scan3A_130#3 by %roll3A_149 dim 1 : vector<1x128xf32>, i32 -> vector<1x128xf32>
    %lt3A_151 = arith.constant 1 : i32
    %lt3A_152 = vector.broadcast %lt3A_151 : i32 to vector<1x128xi32>
    %lt3A_153 = arith.cmpi slt, %iota3A, %lt3A_152 : vector<1x128xi32>
    %select_n3A_154 = arith.select %lt3A_153, %broadcast_in_dim3A_0, %roll3A_150 : vector<1x128xi1>, vector<1x128xf32>
    %roll3A_155 = arith.constant 1 : i32
    %roll3A_156 = tpu.dynamic_rotate %scan3A_130#4 by %roll3A_155 dim 1 : vector<1x128xf32>, i32 -> vector<1x128xf32>
    %lt3A_157 = arith.constant 1 : i32
    %lt3A_158 = vector.broadcast %lt3A_157 : i32 to vector<1x128xi32>
    %lt3A_159 = arith.cmpi slt, %iota3A, %lt3A_158 : vector<1x128xi32>
    %select_n3A_160 = arith.select %lt3A_159, %broadcast_in_dim3A_2, %roll3A_156 : vector<1x128xi1>, vector<1x128xf32>
    %roll3A_161 = arith.constant 1 : i32
    %roll3A_162 = tpu.dynamic_rotate %scan3A_130#5 by %roll3A_161 dim 1 : vector<1x128xf32>, i32 -> vector<1x128xf32>
    %lt3A_163 = arith.constant 1 : i32
    %lt3A_164 = vector.broadcast %lt3A_163 : i32 to vector<1x128xi32>
    %lt3A_165 = arith.cmpi slt, %iota3A, %lt3A_164 : vector<1x128xi32>
    %select_n3A_166 = arith.select %lt3A_165, %broadcast_in_dim3A_0, %roll3A_162 : vector<1x128xi1>, vector<1x128xf32>
    %roll3A_167 = arith.constant 1 : i32
    %roll3A_168 = tpu.dynamic_rotate %scan3A_130#6 by %roll3A_167 dim 1 : vector<1x128xf32>, i32 -> vector<1x128xf32>
    %lt3A_169 = arith.constant 1 : i32
    %lt3A_170 = vector.broadcast %lt3A_169 : i32 to vector<1x128xi32>
    %lt3A_171 = arith.cmpi slt, %iota3A, %lt3A_170 : vector<1x128xi32>
    %select_n3A_172 = arith.select %lt3A_171, %broadcast_in_dim3A_0, %roll3A_168 : vector<1x128xi1>, vector<1x128xf32>
    %roll3A_173 = arith.constant 1 : i32
    %roll3A_174 = tpu.dynamic_rotate %scan3A_130#7 by %roll3A_173 dim 1 : vector<1x128xf32>, i32 -> vector<1x128xf32>
    %lt3A_175 = arith.constant 1 : i32
    %lt3A_176 = vector.broadcast %lt3A_175 : i32 to vector<1x128xi32>
    %lt3A_177 = arith.cmpi slt, %iota3A, %lt3A_176 : vector<1x128xi32>
    %select_n3A_178 = arith.select %lt3A_177, %broadcast_in_dim3A_0, %roll3A_174 : vector<1x128xi1>, vector<1x128xf32>
    %roll3A_179 = arith.constant 1 : i32
    %roll3A_180 = tpu.dynamic_rotate %scan3A_130#8 by %roll3A_179 dim 1 : vector<1x128xf32>, i32 -> vector<1x128xf32>
    %lt3A_181 = arith.constant 1 : i32
    %lt3A_182 = vector.broadcast %lt3A_181 : i32 to vector<1x128xi32>
    %lt3A_183 = arith.cmpi slt, %iota3A, %lt3A_182 : vector<1x128xi32>
    %select_n3A_184 = arith.select %lt3A_183, %broadcast_in_dim3A_2, %roll3A_180 : vector<1x128xi1>, vector<1x128xf32>
    %add3A_185 = arith.addf %select_n3A_136, %scan3A_130#0 : vector<1x128xf32>
    %add3A_186 = arith.addf %select_n3A_142, %scan3A_130#3 : vector<1x128xf32>
    %max3A = arith.maximumf %add3A_185, %add3A_186 : vector<1x128xf32>
    %add3A_187 = arith.addf %select_n3A_148, %scan3A_130#6 : vector<1x128xf32>
    %max3A_188 = arith.maximumf %max3A, %add3A_187 : vector<1x128xf32>
    %add3A_189 = arith.addf %select_n3A_136, %scan3A_130#1 : vector<1x128xf32>
    %add3A_190 = arith.addf %select_n3A_142, %scan3A_130#4 : vector<1x128xf32>
    %max3A_191 = arith.maximumf %add3A_189, %add3A_190 : vector<1x128xf32>
    %add3A_192 = arith.addf %select_n3A_148, %scan3A_130#7 : vector<1x128xf32>
    %max3A_193 = arith.maximumf %max3A_191, %add3A_192 : vector<1x128xf32>
    %add3A_194 = arith.addf %select_n3A_136, %scan3A_130#2 : vector<1x128xf32>
    %add3A_195 = arith.addf %select_n3A_142, %scan3A_130#5 : vector<1x128xf32>
    %max3A_196 = arith.maximumf %add3A_194, %add3A_195 : vector<1x128xf32>
    %add3A_197 = arith.addf %select_n3A_148, %scan3A_130#8 : vector<1x128xf32>
    %max3A_198 = arith.maximumf %max3A_196, %add3A_197 : vector<1x128xf32>
    %add3A_199 = arith.addf %select_n3A_154, %scan3A_130#0 : vector<1x128xf32>
    %add3A_200 = arith.addf %select_n3A_160, %scan3A_130#3 : vector<1x128xf32>
    %max3A_201 = arith.maximumf %add3A_199, %add3A_200 : vector<1x128xf32>
    %add3A_202 = arith.addf %select_n3A_166, %scan3A_130#6 : vector<1x128xf32>
    %max3A_203 = arith.maximumf %max3A_201, %add3A_202 : vector<1x128xf32>
    %add3A_204 = arith.addf %select_n3A_154, %scan3A_130#1 : vector<1x128xf32>
    %add3A_205 = arith.addf %select_n3A_160, %scan3A_130#4 : vector<1x128xf32>
    %max3A_206 = arith.maximumf %add3A_204, %add3A_205 : vector<1x128xf32>
    %add3A_207 = arith.addf %select_n3A_166, %scan3A_130#7 : vector<1x128xf32>
    %max3A_208 = arith.maximumf %max3A_206, %add3A_207 : vector<1x128xf32>
    %add3A_209 = arith.addf %select_n3A_154, %scan3A_130#2 : vector<1x128xf32>
    %add3A_210 = arith.addf %select_n3A_160, %scan3A_130#5 : vector<1x128xf32>
    %max3A_211 = arith.maximumf %add3A_209, %add3A_210 : vector<1x128xf32>
    %add3A_212 = arith.addf %select_n3A_166, %scan3A_130#8 : vector<1x128xf32>
    %max3A_213 = arith.maximumf %max3A_211, %add3A_212 : vector<1x128xf32>
    %add3A_214 = arith.addf %select_n3A_172, %scan3A_130#0 : vector<1x128xf32>
    %add3A_215 = arith.addf %select_n3A_178, %scan3A_130#3 : vector<1x128xf32>
    %max3A_216 = arith.maximumf %add3A_214, %add3A_215 : vector<1x128xf32>
    %add3A_217 = arith.addf %select_n3A_184, %scan3A_130#6 : vector<1x128xf32>
    %max3A_218 = arith.maximumf %max3A_216, %add3A_217 : vector<1x128xf32>
    %add3A_219 = arith.addf %select_n3A_172, %scan3A_130#1 : vector<1x128xf32>
    %add3A_220 = arith.addf %select_n3A_178, %scan3A_130#4 : vector<1x128xf32>
    %max3A_221 = arith.maximumf %add3A_219, %add3A_220 : vector<1x128xf32>
    %add3A_222 = arith.addf %select_n3A_184, %scan3A_130#7 : vector<1x128xf32>
    %max3A_223 = arith.maximumf %max3A_221, %add3A_222 : vector<1x128xf32>
    %add3A_224 = arith.addf %select_n3A_172, %scan3A_130#2 : vector<1x128xf32>
    %add3A_225 = arith.addf %select_n3A_178, %scan3A_130#5 : vector<1x128xf32>
    %max3A_226 = arith.maximumf %add3A_224, %add3A_225 : vector<1x128xf32>
    %add3A_227 = arith.addf %select_n3A_184, %scan3A_130#8 : vector<1x128xf32>
    %max3A_228 = arith.maximumf %max3A_226, %add3A_227 : vector<1x128xf32>
    %roll3A_229 = arith.constant 2 : i32
    %roll3A_230 = tpu.dynamic_rotate %max3A_188 by %roll3A_229 dim 1 : vector<1x128xf32>, i32 -> vector<1x128xf32>
    %lt3A_231 = arith.constant 2 : i32
    %lt3A_232 = vector.broadcast %lt3A_231 : i32 to vector<1x128xi32>
    %lt3A_233 = arith.cmpi slt, %iota3A, %lt3A_232 : vector<1x128xi32>
    %select_n3A_234 = arith.select %lt3A_233, %broadcast_in_dim3A_2, %roll3A_230 : vector<1x128xi1>, vector<1x128xf32>
    %roll3A_235 = arith.constant 2 : i32
    %roll3A_236 = tpu.dynamic_rotate %max3A_193 by %roll3A_235 dim 1 : vector<1x128xf32>, i32 -> vector<1x128xf32>
    %lt3A_237 = arith.constant 2 : i32
    %lt3A_238 = vector.broadcast %lt3A_237 : i32 to vector<1x128xi32>
    %lt3A_239 = arith.cmpi slt, %iota3A, %lt3A_238 : vector<1x128xi32>
    %select_n3A_240 = arith.select %lt3A_239, %broadcast_in_dim3A_0, %roll3A_236 : vector<1x128xi1>, vector<1x128xf32>
    %roll3A_241 = arith.constant 2 : i32
    %roll3A_242 = tpu.dynamic_rotate %max3A_198 by %roll3A_241 dim 1 : vector<1x128xf32>, i32 -> vector<1x128xf32>
    %lt3A_243 = arith.constant 2 : i32
    %lt3A_244 = vector.broadcast %lt3A_243 : i32 to vector<1x128xi32>
    %lt3A_245 = arith.cmpi slt, %iota3A, %lt3A_244 : vector<1x128xi32>
    %select_n3A_246 = arith.select %lt3A_245, %broadcast_in_dim3A_0, %roll3A_242 : vector<1x128xi1>, vector<1x128xf32>
    %roll3A_247 = arith.constant 2 : i32
    %roll3A_248 = tpu.dynamic_rotate %max3A_203 by %roll3A_247 dim 1 : vector<1x128xf32>, i32 -> vector<1x128xf32>
    %lt3A_249 = arith.constant 2 : i32
    %lt3A_250 = vector.broadcast %lt3A_249 : i32 to vector<1x128xi32>
    %lt3A_251 = arith.cmpi slt, %iota3A, %lt3A_250 : vector<1x128xi32>
    %select_n3A_252 = arith.select %lt3A_251, %broadcast_in_dim3A_0, %roll3A_248 : vector<1x128xi1>, vector<1x128xf32>
    %roll3A_253 = arith.constant 2 : i32
    %roll3A_254 = tpu.dynamic_rotate %max3A_208 by %roll3A_253 dim 1 : vector<1x128xf32>, i32 -> vector<1x128xf32>
    %lt3A_255 = arith.constant 2 : i32
    %lt3A_256 = vector.broadcast %lt3A_255 : i32 to vector<1x128xi32>
    %lt3A_257 = arith.cmpi slt, %iota3A, %lt3A_256 : vector<1x128xi32>
    %select_n3A_258 = arith.select %lt3A_257, %broadcast_in_dim3A_2, %roll3A_254 : vector<1x128xi1>, vector<1x128xf32>
    %roll3A_259 = arith.constant 2 : i32
    %roll3A_260 = tpu.dynamic_rotate %max3A_213 by %roll3A_259 dim 1 : vector<1x128xf32>, i32 -> vector<1x128xf32>
    %lt3A_261 = arith.constant 2 : i32
    %lt3A_262 = vector.broadcast %lt3A_261 : i32 to vector<1x128xi32>
    %lt3A_263 = arith.cmpi slt, %iota3A, %lt3A_262 : vector<1x128xi32>
    %select_n3A_264 = arith.select %lt3A_263, %broadcast_in_dim3A_0, %roll3A_260 : vector<1x128xi1>, vector<1x128xf32>
    %roll3A_265 = arith.constant 2 : i32
    %roll3A_266 = tpu.dynamic_rotate %max3A_218 by %roll3A_265 dim 1 : vector<1x128xf32>, i32 -> vector<1x128xf32>
    %lt3A_267 = arith.constant 2 : i32
    %lt3A_268 = vector.broadcast %lt3A_267 : i32 to vector<1x128xi32>
    %lt3A_269 = arith.cmpi slt, %iota3A, %lt3A_268 : vector<1x128xi32>
    %select_n3A_270 = arith.select %lt3A_269, %broadcast_in_dim3A_0, %roll3A_266 : vector<1x128xi1>, vector<1x128xf32>
    %roll3A_271 = arith.constant 2 : i32
    %roll3A_272 = tpu.dynamic_rotate %max3A_223 by %roll3A_271 dim 1 : vector<1x128xf32>, i32 -> vector<1x128xf32>
    %lt3A_273 = arith.constant 2 : i32
    %lt3A_274 = vector.broadcast %lt3A_273 : i32 to vector<1x128xi32>
    %lt3A_275 = arith.cmpi slt, %iota3A, %lt3A_274 : vector<1x128xi32>
    %select_n3A_276 = arith.select %lt3A_275, %broadcast_in_dim3A_0, %roll3A_272 : vector<1x128xi1>, vector<1x128xf32>
    %roll3A_277 = arith.constant 2 : i32
    %roll3A_278 = tpu.dynamic_rotate %max3A_228 by %roll3A_277 dim 1 : vector<1x128xf32>, i32 -> vector<1x128xf32>
    %lt3A_279 = arith.constant 2 : i32
    %lt3A_280 = vector.broadcast %lt3A_279 : i32 to vector<1x128xi32>
    %lt3A_281 = arith.cmpi slt, %iota3A, %lt3A_280 : vector<1x128xi32>
    %select_n3A_282 = arith.select %lt3A_281, %broadcast_in_dim3A_2, %roll3A_278 : vector<1x128xi1>, vector<1x128xf32>
    %add3A_283 = arith.addf %select_n3A_234, %max3A_188 : vector<1x128xf32>
    %add3A_284 = arith.addf %select_n3A_240, %max3A_203 : vector<1x128xf32>
    %max3A_285 = arith.maximumf %add3A_283, %add3A_284 : vector<1x128xf32>
    %add3A_286 = arith.addf %select_n3A_246, %max3A_218 : vector<1x128xf32>
    %max3A_287 = arith.maximumf %max3A_285, %add3A_286 : vector<1x128xf32>
    %add3A_288 = arith.addf %select_n3A_234, %max3A_193 : vector<1x128xf32>
    %add3A_289 = arith.addf %select_n3A_240, %max3A_208 : vector<1x128xf32>
    %max3A_290 = arith.maximumf %add3A_288, %add3A_289 : vector<1x128xf32>
    %add3A_291 = arith.addf %select_n3A_246, %max3A_223 : vector<1x128xf32>
    %max3A_292 = arith.maximumf %max3A_290, %add3A_291 : vector<1x128xf32>
    %add3A_293 = arith.addf %select_n3A_234, %max3A_198 : vector<1x128xf32>
    %add3A_294 = arith.addf %select_n3A_240, %max3A_213 : vector<1x128xf32>
    %max3A_295 = arith.maximumf %add3A_293, %add3A_294 : vector<1x128xf32>
    %add3A_296 = arith.addf %select_n3A_246, %max3A_228 : vector<1x128xf32>
    %max3A_297 = arith.maximumf %max3A_295, %add3A_296 : vector<1x128xf32>
    %add3A_298 = arith.addf %select_n3A_252, %max3A_188 : vector<1x128xf32>
    %add3A_299 = arith.addf %select_n3A_258, %max3A_203 : vector<1x128xf32>
    %max3A_300 = arith.maximumf %add3A_298, %add3A_299 : vector<1x128xf32>
    %add3A_301 = arith.addf %select_n3A_264, %max3A_218 : vector<1x128xf32>
    %max3A_302 = arith.maximumf %max3A_300, %add3A_301 : vector<1x128xf32>
    %add3A_303 = arith.addf %select_n3A_252, %max3A_193 : vector<1x128xf32>
    %add3A_304 = arith.addf %select_n3A_258, %max3A_208 : vector<1x128xf32>
    %max3A_305 = arith.maximumf %add3A_303, %add3A_304 : vector<1x128xf32>
    %add3A_306 = arith.addf %select_n3A_264, %max3A_223 : vector<1x128xf32>
    %max3A_307 = arith.maximumf %max3A_305, %add3A_306 : vector<1x128xf32>
    %add3A_308 = arith.addf %select_n3A_252, %max3A_198 : vector<1x128xf32>
    %add3A_309 = arith.addf %select_n3A_258, %max3A_213 : vector<1x128xf32>
    %max3A_310 = arith.maximumf %add3A_308, %add3A_309 : vector<1x128xf32>
    %add3A_311 = arith.addf %select_n3A_264, %max3A_228 : vector<1x128xf32>
    %max3A_312 = arith.maximumf %max3A_310, %add3A_311 : vector<1x128xf32>
    %add3A_313 = arith.addf %select_n3A_270, %max3A_188 : vector<1x128xf32>
    %add3A_314 = arith.addf %select_n3A_276, %max3A_203 : vector<1x128xf32>
    %max3A_315 = arith.maximumf %add3A_313, %add3A_314 : vector<1x128xf32>
    %add3A_316 = arith.addf %select_n3A_282, %max3A_218 : vector<1x128xf32>
    %max3A_317 = arith.maximumf %max3A_315, %add3A_316 : vector<1x128xf32>
    %add3A_318 = arith.addf %select_n3A_270, %max3A_193 : vector<1x128xf32>
    %add3A_319 = arith.addf %select_n3A_276, %max3A_208 : vector<1x128xf32>
    %max3A_320 = arith.maximumf %add3A_318, %add3A_319 : vector<1x128xf32>
    %add3A_321 = arith.addf %select_n3A_282, %max3A_223 : vector<1x128xf32>
    %max3A_322 = arith.maximumf %max3A_320, %add3A_321 : vector<1x128xf32>
    %add3A_323 = arith.addf %select_n3A_270, %max3A_198 : vector<1x128xf32>
    %add3A_324 = arith.addf %select_n3A_276, %max3A_213 : vector<1x128xf32>
    %max3A_325 = arith.maximumf %add3A_323, %add3A_324 : vector<1x128xf32>
    %add3A_326 = arith.addf %select_n3A_282, %max3A_228 : vector<1x128xf32>
    %max3A_327 = arith.maximumf %max3A_325, %add3A_326 : vector<1x128xf32>
    %roll3A_328 = arith.constant 4 : i32
    %roll3A_329 = tpu.dynamic_rotate %max3A_287 by %roll3A_328 dim 1 : vector<1x128xf32>, i32 -> vector<1x128xf32>
    %lt3A_330 = arith.constant 4 : i32
    %lt3A_331 = vector.broadcast %lt3A_330 : i32 to vector<1x128xi32>
    %lt3A_332 = arith.cmpi slt, %iota3A, %lt3A_331 : vector<1x128xi32>
    %select_n3A_333 = arith.select %lt3A_332, %broadcast_in_dim3A_2, %roll3A_329 : vector<1x128xi1>, vector<1x128xf32>
    %roll3A_334 = arith.constant 4 : i32
    %roll3A_335 = tpu.dynamic_rotate %max3A_292 by %roll3A_334 dim 1 : vector<1x128xf32>, i32 -> vector<1x128xf32>
    %lt3A_336 = arith.constant 4 : i32
    %lt3A_337 = vector.broadcast %lt3A_336 : i32 to vector<1x128xi32>
    %lt3A_338 = arith.cmpi slt, %iota3A, %lt3A_337 : vector<1x128xi32>
    %select_n3A_339 = arith.select %lt3A_338, %broadcast_in_dim3A_0, %roll3A_335 : vector<1x128xi1>, vector<1x128xf32>
    %roll3A_340 = arith.constant 4 : i32
    %roll3A_341 = tpu.dynamic_rotate %max3A_297 by %roll3A_340 dim 1 : vector<1x128xf32>, i32 -> vector<1x128xf32>
    %lt3A_342 = arith.constant 4 : i32
    %lt3A_343 = vector.broadcast %lt3A_342 : i32 to vector<1x128xi32>
    %lt3A_344 = arith.cmpi slt, %iota3A, %lt3A_343 : vector<1x128xi32>
    %select_n3A_345 = arith.select %lt3A_344, %broadcast_in_dim3A_0, %roll3A_341 : vector<1x128xi1>, vector<1x128xf32>
    %roll3A_346 = arith.constant 4 : i32
    %roll3A_347 = tpu.dynamic_rotate %max3A_302 by %roll3A_346 dim 1 : vector<1x128xf32>, i32 -> vector<1x128xf32>
    %lt3A_348 = arith.constant 4 : i32
    %lt3A_349 = vector.broadcast %lt3A_348 : i32 to vector<1x128xi32>
    %lt3A_350 = arith.cmpi slt, %iota3A, %lt3A_349 : vector<1x128xi32>
    %select_n3A_351 = arith.select %lt3A_350, %broadcast_in_dim3A_0, %roll3A_347 : vector<1x128xi1>, vector<1x128xf32>
    %roll3A_352 = arith.constant 4 : i32
    %roll3A_353 = tpu.dynamic_rotate %max3A_307 by %roll3A_352 dim 1 : vector<1x128xf32>, i32 -> vector<1x128xf32>
    %lt3A_354 = arith.constant 4 : i32
    %lt3A_355 = vector.broadcast %lt3A_354 : i32 to vector<1x128xi32>
    %lt3A_356 = arith.cmpi slt, %iota3A, %lt3A_355 : vector<1x128xi32>
    %select_n3A_357 = arith.select %lt3A_356, %broadcast_in_dim3A_2, %roll3A_353 : vector<1x128xi1>, vector<1x128xf32>
    %roll3A_358 = arith.constant 4 : i32
    %roll3A_359 = tpu.dynamic_rotate %max3A_312 by %roll3A_358 dim 1 : vector<1x128xf32>, i32 -> vector<1x128xf32>
    %lt3A_360 = arith.constant 4 : i32
    %lt3A_361 = vector.broadcast %lt3A_360 : i32 to vector<1x128xi32>
    %lt3A_362 = arith.cmpi slt, %iota3A, %lt3A_361 : vector<1x128xi32>
    %select_n3A_363 = arith.select %lt3A_362, %broadcast_in_dim3A_0, %roll3A_359 : vector<1x128xi1>, vector<1x128xf32>
    %roll3A_364 = arith.constant 4 : i32
    %roll3A_365 = tpu.dynamic_rotate %max3A_317 by %roll3A_364 dim 1 : vector<1x128xf32>, i32 -> vector<1x128xf32>
    %lt3A_366 = arith.constant 4 : i32
    %lt3A_367 = vector.broadcast %lt3A_366 : i32 to vector<1x128xi32>
    %lt3A_368 = arith.cmpi slt, %iota3A, %lt3A_367 : vector<1x128xi32>
    %select_n3A_369 = arith.select %lt3A_368, %broadcast_in_dim3A_0, %roll3A_365 : vector<1x128xi1>, vector<1x128xf32>
    %roll3A_370 = arith.constant 4 : i32
    %roll3A_371 = tpu.dynamic_rotate %max3A_322 by %roll3A_370 dim 1 : vector<1x128xf32>, i32 -> vector<1x128xf32>
    %lt3A_372 = arith.constant 4 : i32
    %lt3A_373 = vector.broadcast %lt3A_372 : i32 to vector<1x128xi32>
    %lt3A_374 = arith.cmpi slt, %iota3A, %lt3A_373 : vector<1x128xi32>
    %select_n3A_375 = arith.select %lt3A_374, %broadcast_in_dim3A_0, %roll3A_371 : vector<1x128xi1>, vector<1x128xf32>
    %roll3A_376 = arith.constant 4 : i32
    %roll3A_377 = tpu.dynamic_rotate %max3A_327 by %roll3A_376 dim 1 : vector<1x128xf32>, i32 -> vector<1x128xf32>
    %lt3A_378 = arith.constant 4 : i32
    %lt3A_379 = vector.broadcast %lt3A_378 : i32 to vector<1x128xi32>
    %lt3A_380 = arith.cmpi slt, %iota3A, %lt3A_379 : vector<1x128xi32>
    %select_n3A_381 = arith.select %lt3A_380, %broadcast_in_dim3A_2, %roll3A_377 : vector<1x128xi1>, vector<1x128xf32>
    %add3A_382 = arith.addf %select_n3A_333, %max3A_287 : vector<1x128xf32>
    %add3A_383 = arith.addf %select_n3A_339, %max3A_302 : vector<1x128xf32>
    %max3A_384 = arith.maximumf %add3A_382, %add3A_383 : vector<1x128xf32>
    %add3A_385 = arith.addf %select_n3A_345, %max3A_317 : vector<1x128xf32>
    %max3A_386 = arith.maximumf %max3A_384, %add3A_385 : vector<1x128xf32>
    %add3A_387 = arith.addf %select_n3A_333, %max3A_292 : vector<1x128xf32>
    %add3A_388 = arith.addf %select_n3A_339, %max3A_307 : vector<1x128xf32>
    %max3A_389 = arith.maximumf %add3A_387, %add3A_388 : vector<1x128xf32>
    %add3A_390 = arith.addf %select_n3A_345, %max3A_322 : vector<1x128xf32>
    %max3A_391 = arith.maximumf %max3A_389, %add3A_390 : vector<1x128xf32>
    %add3A_392 = arith.addf %select_n3A_333, %max3A_297 : vector<1x128xf32>
    %add3A_393 = arith.addf %select_n3A_339, %max3A_312 : vector<1x128xf32>
    %max3A_394 = arith.maximumf %add3A_392, %add3A_393 : vector<1x128xf32>
    %add3A_395 = arith.addf %select_n3A_345, %max3A_327 : vector<1x128xf32>
    %max3A_396 = arith.maximumf %max3A_394, %add3A_395 : vector<1x128xf32>
    %add3A_397 = arith.addf %select_n3A_351, %max3A_287 : vector<1x128xf32>
    %add3A_398 = arith.addf %select_n3A_357, %max3A_302 : vector<1x128xf32>
    %max3A_399 = arith.maximumf %add3A_397, %add3A_398 : vector<1x128xf32>
    %add3A_400 = arith.addf %select_n3A_363, %max3A_317 : vector<1x128xf32>
    %max3A_401 = arith.maximumf %max3A_399, %add3A_400 : vector<1x128xf32>
    %add3A_402 = arith.addf %select_n3A_351, %max3A_292 : vector<1x128xf32>
    %add3A_403 = arith.addf %select_n3A_357, %max3A_307 : vector<1x128xf32>
    %max3A_404 = arith.maximumf %add3A_402, %add3A_403 : vector<1x128xf32>
    %add3A_405 = arith.addf %select_n3A_363, %max3A_322 : vector<1x128xf32>
    %max3A_406 = arith.maximumf %max3A_404, %add3A_405 : vector<1x128xf32>
    %add3A_407 = arith.addf %select_n3A_351, %max3A_297 : vector<1x128xf32>
    %add3A_408 = arith.addf %select_n3A_357, %max3A_312 : vector<1x128xf32>
    %max3A_409 = arith.maximumf %add3A_407, %add3A_408 : vector<1x128xf32>
    %add3A_410 = arith.addf %select_n3A_363, %max3A_327 : vector<1x128xf32>
    %max3A_411 = arith.maximumf %max3A_409, %add3A_410 : vector<1x128xf32>
    %add3A_412 = arith.addf %select_n3A_369, %max3A_287 : vector<1x128xf32>
    %add3A_413 = arith.addf %select_n3A_375, %max3A_302 : vector<1x128xf32>
    %max3A_414 = arith.maximumf %add3A_412, %add3A_413 : vector<1x128xf32>
    %add3A_415 = arith.addf %select_n3A_381, %max3A_317 : vector<1x128xf32>
    %max3A_416 = arith.maximumf %max3A_414, %add3A_415 : vector<1x128xf32>
    %add3A_417 = arith.addf %select_n3A_369, %max3A_292 : vector<1x128xf32>
    %add3A_418 = arith.addf %select_n3A_375, %max3A_307 : vector<1x128xf32>
    %max3A_419 = arith.maximumf %add3A_417, %add3A_418 : vector<1x128xf32>
    %add3A_420 = arith.addf %select_n3A_381, %max3A_322 : vector<1x128xf32>
    %max3A_421 = arith.maximumf %max3A_419, %add3A_420 : vector<1x128xf32>
    %add3A_422 = arith.addf %select_n3A_369, %max3A_297 : vector<1x128xf32>
    %add3A_423 = arith.addf %select_n3A_375, %max3A_312 : vector<1x128xf32>
    %max3A_424 = arith.maximumf %add3A_422, %add3A_423 : vector<1x128xf32>
    %add3A_425 = arith.addf %select_n3A_381, %max3A_327 : vector<1x128xf32>
    %max3A_426 = arith.maximumf %max3A_424, %add3A_425 : vector<1x128xf32>
    %roll3A_427 = arith.constant 8 : i32
    %roll3A_428 = tpu.dynamic_rotate %max3A_386 by %roll3A_427 dim 1 : vector<1x128xf32>, i32 -> vector<1x128xf32>
    %lt3A_429 = arith.constant 8 : i32
    %lt3A_430 = vector.broadcast %lt3A_429 : i32 to vector<1x128xi32>
    %lt3A_431 = arith.cmpi slt, %iota3A, %lt3A_430 : vector<1x128xi32>
    %select_n3A_432 = arith.select %lt3A_431, %broadcast_in_dim3A_2, %roll3A_428 : vector<1x128xi1>, vector<1x128xf32>
    %roll3A_433 = arith.constant 8 : i32
    %roll3A_434 = tpu.dynamic_rotate %max3A_391 by %roll3A_433 dim 1 : vector<1x128xf32>, i32 -> vector<1x128xf32>
    %lt3A_435 = arith.constant 8 : i32
    %lt3A_436 = vector.broadcast %lt3A_435 : i32 to vector<1x128xi32>
    %lt3A_437 = arith.cmpi slt, %iota3A, %lt3A_436 : vector<1x128xi32>
    %select_n3A_438 = arith.select %lt3A_437, %broadcast_in_dim3A_0, %roll3A_434 : vector<1x128xi1>, vector<1x128xf32>
    %roll3A_439 = arith.constant 8 : i32
    %roll3A_440 = tpu.dynamic_rotate %max3A_396 by %roll3A_439 dim 1 : vector<1x128xf32>, i32 -> vector<1x128xf32>
    %lt3A_441 = arith.constant 8 : i32
    %lt3A_442 = vector.broadcast %lt3A_441 : i32 to vector<1x128xi32>
    %lt3A_443 = arith.cmpi slt, %iota3A, %lt3A_442 : vector<1x128xi32>
    %select_n3A_444 = arith.select %lt3A_443, %broadcast_in_dim3A_0, %roll3A_440 : vector<1x128xi1>, vector<1x128xf32>
    %roll3A_445 = arith.constant 8 : i32
    %roll3A_446 = tpu.dynamic_rotate %max3A_401 by %roll3A_445 dim 1 : vector<1x128xf32>, i32 -> vector<1x128xf32>
    %lt3A_447 = arith.constant 8 : i32
    %lt3A_448 = vector.broadcast %lt3A_447 : i32 to vector<1x128xi32>
    %lt3A_449 = arith.cmpi slt, %iota3A, %lt3A_448 : vector<1x128xi32>
    %select_n3A_450 = arith.select %lt3A_449, %broadcast_in_dim3A_0, %roll3A_446 : vector<1x128xi1>, vector<1x128xf32>
    %roll3A_451 = arith.constant 8 : i32
    %roll3A_452 = tpu.dynamic_rotate %max3A_406 by %roll3A_451 dim 1 : vector<1x128xf32>, i32 -> vector<1x128xf32>
    %lt3A_453 = arith.constant 8 : i32
    %lt3A_454 = vector.broadcast %lt3A_453 : i32 to vector<1x128xi32>
    %lt3A_455 = arith.cmpi slt, %iota3A, %lt3A_454 : vector<1x128xi32>
    %select_n3A_456 = arith.select %lt3A_455, %broadcast_in_dim3A_2, %roll3A_452 : vector<1x128xi1>, vector<1x128xf32>
    %roll3A_457 = arith.constant 8 : i32
    %roll3A_458 = tpu.dynamic_rotate %max3A_411 by %roll3A_457 dim 1 : vector<1x128xf32>, i32 -> vector<1x128xf32>
    %lt3A_459 = arith.constant 8 : i32
    %lt3A_460 = vector.broadcast %lt3A_459 : i32 to vector<1x128xi32>
    %lt3A_461 = arith.cmpi slt, %iota3A, %lt3A_460 : vector<1x128xi32>
    %select_n3A_462 = arith.select %lt3A_461, %broadcast_in_dim3A_0, %roll3A_458 : vector<1x128xi1>, vector<1x128xf32>
    %roll3A_463 = arith.constant 8 : i32
    %roll3A_464 = tpu.dynamic_rotate %max3A_416 by %roll3A_463 dim 1 : vector<1x128xf32>, i32 -> vector<1x128xf32>
    %lt3A_465 = arith.constant 8 : i32
    %lt3A_466 = vector.broadcast %lt3A_465 : i32 to vector<1x128xi32>
    %lt3A_467 = arith.cmpi slt, %iota3A, %lt3A_466 : vector<1x128xi32>
    %select_n3A_468 = arith.select %lt3A_467, %broadcast_in_dim3A_0, %roll3A_464 : vector<1x128xi1>, vector<1x128xf32>
    %roll3A_469 = arith.constant 8 : i32
    %roll3A_470 = tpu.dynamic_rotate %max3A_421 by %roll3A_469 dim 1 : vector<1x128xf32>, i32 -> vector<1x128xf32>
    %lt3A_471 = arith.constant 8 : i32
    %lt3A_472 = vector.broadcast %lt3A_471 : i32 to vector<1x128xi32>
    %lt3A_473 = arith.cmpi slt, %iota3A, %lt3A_472 : vector<1x128xi32>
    %select_n3A_474 = arith.select %lt3A_473, %broadcast_in_dim3A_0, %roll3A_470 : vector<1x128xi1>, vector<1x128xf32>
    %roll3A_475 = arith.constant 8 : i32
    %roll3A_476 = tpu.dynamic_rotate %max3A_426 by %roll3A_475 dim 1 : vector<1x128xf32>, i32 -> vector<1x128xf32>
    %lt3A_477 = arith.constant 8 : i32
    %lt3A_478 = vector.broadcast %lt3A_477 : i32 to vector<1x128xi32>
    %lt3A_479 = arith.cmpi slt, %iota3A, %lt3A_478 : vector<1x128xi32>
    %select_n3A_480 = arith.select %lt3A_479, %broadcast_in_dim3A_2, %roll3A_476 : vector<1x128xi1>, vector<1x128xf32>
    %add3A_481 = arith.addf %select_n3A_432, %max3A_386 : vector<1x128xf32>
    %add3A_482 = arith.addf %select_n3A_438, %max3A_401 : vector<1x128xf32>
    %max3A_483 = arith.maximumf %add3A_481, %add3A_482 : vector<1x128xf32>
    %add3A_484 = arith.addf %select_n3A_444, %max3A_416 : vector<1x128xf32>
    %max3A_485 = arith.maximumf %max3A_483, %add3A_484 : vector<1x128xf32>
    %add3A_486 = arith.addf %select_n3A_432, %max3A_391 : vector<1x128xf32>
    %add3A_487 = arith.addf %select_n3A_438, %max3A_406 : vector<1x128xf32>
    %max3A_488 = arith.maximumf %add3A_486, %add3A_487 : vector<1x128xf32>
    %add3A_489 = arith.addf %select_n3A_444, %max3A_421 : vector<1x128xf32>
    %max3A_490 = arith.maximumf %max3A_488, %add3A_489 : vector<1x128xf32>
    %add3A_491 = arith.addf %select_n3A_432, %max3A_396 : vector<1x128xf32>
    %add3A_492 = arith.addf %select_n3A_438, %max3A_411 : vector<1x128xf32>
    %max3A_493 = arith.maximumf %add3A_491, %add3A_492 : vector<1x128xf32>
    %add3A_494 = arith.addf %select_n3A_444, %max3A_426 : vector<1x128xf32>
    %max3A_495 = arith.maximumf %max3A_493, %add3A_494 : vector<1x128xf32>
    %add3A_496 = arith.addf %select_n3A_450, %max3A_386 : vector<1x128xf32>
    %add3A_497 = arith.addf %select_n3A_456, %max3A_401 : vector<1x128xf32>
    %max3A_498 = arith.maximumf %add3A_496, %add3A_497 : vector<1x128xf32>
    %add3A_499 = arith.addf %select_n3A_462, %max3A_416 : vector<1x128xf32>
    %max3A_500 = arith.maximumf %max3A_498, %add3A_499 : vector<1x128xf32>
    %add3A_501 = arith.addf %select_n3A_450, %max3A_391 : vector<1x128xf32>
    %add3A_502 = arith.addf %select_n3A_456, %max3A_406 : vector<1x128xf32>
    %max3A_503 = arith.maximumf %add3A_501, %add3A_502 : vector<1x128xf32>
    %add3A_504 = arith.addf %select_n3A_462, %max3A_421 : vector<1x128xf32>
    %max3A_505 = arith.maximumf %max3A_503, %add3A_504 : vector<1x128xf32>
    %add3A_506 = arith.addf %select_n3A_450, %max3A_396 : vector<1x128xf32>
    %add3A_507 = arith.addf %select_n3A_456, %max3A_411 : vector<1x128xf32>
    %max3A_508 = arith.maximumf %add3A_506, %add3A_507 : vector<1x128xf32>
    %add3A_509 = arith.addf %select_n3A_462, %max3A_426 : vector<1x128xf32>
    %max3A_510 = arith.maximumf %max3A_508, %add3A_509 : vector<1x128xf32>
    %add3A_511 = arith.addf %select_n3A_468, %max3A_386 : vector<1x128xf32>
    %add3A_512 = arith.addf %select_n3A_474, %max3A_401 : vector<1x128xf32>
    %max3A_513 = arith.maximumf %add3A_511, %add3A_512 : vector<1x128xf32>
    %add3A_514 = arith.addf %select_n3A_480, %max3A_416 : vector<1x128xf32>
    %max3A_515 = arith.maximumf %max3A_513, %add3A_514 : vector<1x128xf32>
    %add3A_516 = arith.addf %select_n3A_468, %max3A_391 : vector<1x128xf32>
    %add3A_517 = arith.addf %select_n3A_474, %max3A_406 : vector<1x128xf32>
    %max3A_518 = arith.maximumf %add3A_516, %add3A_517 : vector<1x128xf32>
    %add3A_519 = arith.addf %select_n3A_480, %max3A_421 : vector<1x128xf32>
    %max3A_520 = arith.maximumf %max3A_518, %add3A_519 : vector<1x128xf32>
    %add3A_521 = arith.addf %select_n3A_468, %max3A_396 : vector<1x128xf32>
    %add3A_522 = arith.addf %select_n3A_474, %max3A_411 : vector<1x128xf32>
    %max3A_523 = arith.maximumf %add3A_521, %add3A_522 : vector<1x128xf32>
    %add3A_524 = arith.addf %select_n3A_480, %max3A_426 : vector<1x128xf32>
    %max3A_525 = arith.maximumf %max3A_523, %add3A_524 : vector<1x128xf32>
    %roll3A_526 = arith.constant 16 : i32
    %roll3A_527 = tpu.dynamic_rotate %max3A_485 by %roll3A_526 dim 1 : vector<1x128xf32>, i32 -> vector<1x128xf32>
    %lt3A_528 = arith.constant 16 : i32
    %lt3A_529 = vector.broadcast %lt3A_528 : i32 to vector<1x128xi32>
    %lt3A_530 = arith.cmpi slt, %iota3A, %lt3A_529 : vector<1x128xi32>
    %select_n3A_531 = arith.select %lt3A_530, %broadcast_in_dim3A_2, %roll3A_527 : vector<1x128xi1>, vector<1x128xf32>
    %roll3A_532 = arith.constant 16 : i32
    %roll3A_533 = tpu.dynamic_rotate %max3A_490 by %roll3A_532 dim 1 : vector<1x128xf32>, i32 -> vector<1x128xf32>
    %lt3A_534 = arith.constant 16 : i32
    %lt3A_535 = vector.broadcast %lt3A_534 : i32 to vector<1x128xi32>
    %lt3A_536 = arith.cmpi slt, %iota3A, %lt3A_535 : vector<1x128xi32>
    %select_n3A_537 = arith.select %lt3A_536, %broadcast_in_dim3A_0, %roll3A_533 : vector<1x128xi1>, vector<1x128xf32>
    %roll3A_538 = arith.constant 16 : i32
    %roll3A_539 = tpu.dynamic_rotate %max3A_495 by %roll3A_538 dim 1 : vector<1x128xf32>, i32 -> vector<1x128xf32>
    %lt3A_540 = arith.constant 16 : i32
    %lt3A_541 = vector.broadcast %lt3A_540 : i32 to vector<1x128xi32>
    %lt3A_542 = arith.cmpi slt, %iota3A, %lt3A_541 : vector<1x128xi32>
    %select_n3A_543 = arith.select %lt3A_542, %broadcast_in_dim3A_0, %roll3A_539 : vector<1x128xi1>, vector<1x128xf32>
    %roll3A_544 = arith.constant 16 : i32
    %roll3A_545 = tpu.dynamic_rotate %max3A_500 by %roll3A_544 dim 1 : vector<1x128xf32>, i32 -> vector<1x128xf32>
    %lt3A_546 = arith.constant 16 : i32
    %lt3A_547 = vector.broadcast %lt3A_546 : i32 to vector<1x128xi32>
    %lt3A_548 = arith.cmpi slt, %iota3A, %lt3A_547 : vector<1x128xi32>
    %select_n3A_549 = arith.select %lt3A_548, %broadcast_in_dim3A_0, %roll3A_545 : vector<1x128xi1>, vector<1x128xf32>
    %roll3A_550 = arith.constant 16 : i32
    %roll3A_551 = tpu.dynamic_rotate %max3A_505 by %roll3A_550 dim 1 : vector<1x128xf32>, i32 -> vector<1x128xf32>
    %lt3A_552 = arith.constant 16 : i32
    %lt3A_553 = vector.broadcast %lt3A_552 : i32 to vector<1x128xi32>
    %lt3A_554 = arith.cmpi slt, %iota3A, %lt3A_553 : vector<1x128xi32>
    %select_n3A_555 = arith.select %lt3A_554, %broadcast_in_dim3A_2, %roll3A_551 : vector<1x128xi1>, vector<1x128xf32>
    %roll3A_556 = arith.constant 16 : i32
    %roll3A_557 = tpu.dynamic_rotate %max3A_510 by %roll3A_556 dim 1 : vector<1x128xf32>, i32 -> vector<1x128xf32>
    %lt3A_558 = arith.constant 16 : i32
    %lt3A_559 = vector.broadcast %lt3A_558 : i32 to vector<1x128xi32>
    %lt3A_560 = arith.cmpi slt, %iota3A, %lt3A_559 : vector<1x128xi32>
    %select_n3A_561 = arith.select %lt3A_560, %broadcast_in_dim3A_0, %roll3A_557 : vector<1x128xi1>, vector<1x128xf32>
    %roll3A_562 = arith.constant 16 : i32
    %roll3A_563 = tpu.dynamic_rotate %max3A_515 by %roll3A_562 dim 1 : vector<1x128xf32>, i32 -> vector<1x128xf32>
    %lt3A_564 = arith.constant 16 : i32
    %lt3A_565 = vector.broadcast %lt3A_564 : i32 to vector<1x128xi32>
    %lt3A_566 = arith.cmpi slt, %iota3A, %lt3A_565 : vector<1x128xi32>
    %select_n3A_567 = arith.select %lt3A_566, %broadcast_in_dim3A_0, %roll3A_563 : vector<1x128xi1>, vector<1x128xf32>
    %roll3A_568 = arith.constant 16 : i32
    %roll3A_569 = tpu.dynamic_rotate %max3A_520 by %roll3A_568 dim 1 : vector<1x128xf32>, i32 -> vector<1x128xf32>
    %lt3A_570 = arith.constant 16 : i32
    %lt3A_571 = vector.broadcast %lt3A_570 : i32 to vector<1x128xi32>
    %lt3A_572 = arith.cmpi slt, %iota3A, %lt3A_571 : vector<1x128xi32>
    %select_n3A_573 = arith.select %lt3A_572, %broadcast_in_dim3A_0, %roll3A_569 : vector<1x128xi1>, vector<1x128xf32>
    %roll3A_574 = arith.constant 16 : i32
    %roll3A_575 = tpu.dynamic_rotate %max3A_525 by %roll3A_574 dim 1 : vector<1x128xf32>, i32 -> vector<1x128xf32>
    %lt3A_576 = arith.constant 16 : i32
    %lt3A_577 = vector.broadcast %lt3A_576 : i32 to vector<1x128xi32>
    %lt3A_578 = arith.cmpi slt, %iota3A, %lt3A_577 : vector<1x128xi32>
    %select_n3A_579 = arith.select %lt3A_578, %broadcast_in_dim3A_2, %roll3A_575 : vector<1x128xi1>, vector<1x128xf32>
    %add3A_580 = arith.addf %select_n3A_531, %max3A_485 : vector<1x128xf32>
    %add3A_581 = arith.addf %select_n3A_537, %max3A_500 : vector<1x128xf32>
    %max3A_582 = arith.maximumf %add3A_580, %add3A_581 : vector<1x128xf32>
    %add3A_583 = arith.addf %select_n3A_543, %max3A_515 : vector<1x128xf32>
    %max3A_584 = arith.maximumf %max3A_582, %add3A_583 : vector<1x128xf32>
    %add3A_585 = arith.addf %select_n3A_531, %max3A_490 : vector<1x128xf32>
    %add3A_586 = arith.addf %select_n3A_537, %max3A_505 : vector<1x128xf32>
    %max3A_587 = arith.maximumf %add3A_585, %add3A_586 : vector<1x128xf32>
    %add3A_588 = arith.addf %select_n3A_543, %max3A_520 : vector<1x128xf32>
    %max3A_589 = arith.maximumf %max3A_587, %add3A_588 : vector<1x128xf32>
    %add3A_590 = arith.addf %select_n3A_531, %max3A_495 : vector<1x128xf32>
    %add3A_591 = arith.addf %select_n3A_537, %max3A_510 : vector<1x128xf32>
    %max3A_592 = arith.maximumf %add3A_590, %add3A_591 : vector<1x128xf32>
    %add3A_593 = arith.addf %select_n3A_543, %max3A_525 : vector<1x128xf32>
    %max3A_594 = arith.maximumf %max3A_592, %add3A_593 : vector<1x128xf32>
    %add3A_595 = arith.addf %select_n3A_549, %max3A_485 : vector<1x128xf32>
    %add3A_596 = arith.addf %select_n3A_555, %max3A_500 : vector<1x128xf32>
    %max3A_597 = arith.maximumf %add3A_595, %add3A_596 : vector<1x128xf32>
    %add3A_598 = arith.addf %select_n3A_561, %max3A_515 : vector<1x128xf32>
    %max3A_599 = arith.maximumf %max3A_597, %add3A_598 : vector<1x128xf32>
    %add3A_600 = arith.addf %select_n3A_549, %max3A_490 : vector<1x128xf32>
    %add3A_601 = arith.addf %select_n3A_555, %max3A_505 : vector<1x128xf32>
    %max3A_602 = arith.maximumf %add3A_600, %add3A_601 : vector<1x128xf32>
    %add3A_603 = arith.addf %select_n3A_561, %max3A_520 : vector<1x128xf32>
    %max3A_604 = arith.maximumf %max3A_602, %add3A_603 : vector<1x128xf32>
    %add3A_605 = arith.addf %select_n3A_549, %max3A_495 : vector<1x128xf32>
    %add3A_606 = arith.addf %select_n3A_555, %max3A_510 : vector<1x128xf32>
    %max3A_607 = arith.maximumf %add3A_605, %add3A_606 : vector<1x128xf32>
    %add3A_608 = arith.addf %select_n3A_561, %max3A_525 : vector<1x128xf32>
    %max3A_609 = arith.maximumf %max3A_607, %add3A_608 : vector<1x128xf32>
    %add3A_610 = arith.addf %select_n3A_567, %max3A_485 : vector<1x128xf32>
    %add3A_611 = arith.addf %select_n3A_573, %max3A_500 : vector<1x128xf32>
    %max3A_612 = arith.maximumf %add3A_610, %add3A_611 : vector<1x128xf32>
    %add3A_613 = arith.addf %select_n3A_579, %max3A_515 : vector<1x128xf32>
    %max3A_614 = arith.maximumf %max3A_612, %add3A_613 : vector<1x128xf32>
    %add3A_615 = arith.addf %select_n3A_567, %max3A_490 : vector<1x128xf32>
    %add3A_616 = arith.addf %select_n3A_573, %max3A_505 : vector<1x128xf32>
    %max3A_617 = arith.maximumf %add3A_615, %add3A_616 : vector<1x128xf32>
    %add3A_618 = arith.addf %select_n3A_579, %max3A_520 : vector<1x128xf32>
    %max3A_619 = arith.maximumf %max3A_617, %add3A_618 : vector<1x128xf32>
    %add3A_620 = arith.addf %select_n3A_567, %max3A_495 : vector<1x128xf32>
    %add3A_621 = arith.addf %select_n3A_573, %max3A_510 : vector<1x128xf32>
    %max3A_622 = arith.maximumf %add3A_620, %add3A_621 : vector<1x128xf32>
    %add3A_623 = arith.addf %select_n3A_579, %max3A_525 : vector<1x128xf32>
    %max3A_624 = arith.maximumf %max3A_622, %add3A_623 : vector<1x128xf32>
    %roll3A_625 = arith.constant 32 : i32
    %roll3A_626 = tpu.dynamic_rotate %max3A_584 by %roll3A_625 dim 1 : vector<1x128xf32>, i32 -> vector<1x128xf32>
    %lt3A_627 = arith.constant 32 : i32
    %lt3A_628 = vector.broadcast %lt3A_627 : i32 to vector<1x128xi32>
    %lt3A_629 = arith.cmpi slt, %iota3A, %lt3A_628 : vector<1x128xi32>
    %select_n3A_630 = arith.select %lt3A_629, %broadcast_in_dim3A_2, %roll3A_626 : vector<1x128xi1>, vector<1x128xf32>
    %roll3A_631 = arith.constant 32 : i32
    %roll3A_632 = tpu.dynamic_rotate %max3A_589 by %roll3A_631 dim 1 : vector<1x128xf32>, i32 -> vector<1x128xf32>
    %lt3A_633 = arith.constant 32 : i32
    %lt3A_634 = vector.broadcast %lt3A_633 : i32 to vector<1x128xi32>
    %lt3A_635 = arith.cmpi slt, %iota3A, %lt3A_634 : vector<1x128xi32>
    %select_n3A_636 = arith.select %lt3A_635, %broadcast_in_dim3A_0, %roll3A_632 : vector<1x128xi1>, vector<1x128xf32>
    %roll3A_637 = arith.constant 32 : i32
    %roll3A_638 = tpu.dynamic_rotate %max3A_594 by %roll3A_637 dim 1 : vector<1x128xf32>, i32 -> vector<1x128xf32>
    %lt3A_639 = arith.constant 32 : i32
    %lt3A_640 = vector.broadcast %lt3A_639 : i32 to vector<1x128xi32>
    %lt3A_641 = arith.cmpi slt, %iota3A, %lt3A_640 : vector<1x128xi32>
    %select_n3A_642 = arith.select %lt3A_641, %broadcast_in_dim3A_0, %roll3A_638 : vector<1x128xi1>, vector<1x128xf32>
    %roll3A_643 = arith.constant 32 : i32
    %roll3A_644 = tpu.dynamic_rotate %max3A_599 by %roll3A_643 dim 1 : vector<1x128xf32>, i32 -> vector<1x128xf32>
    %lt3A_645 = arith.constant 32 : i32
    %lt3A_646 = vector.broadcast %lt3A_645 : i32 to vector<1x128xi32>
    %lt3A_647 = arith.cmpi slt, %iota3A, %lt3A_646 : vector<1x128xi32>
    %select_n3A_648 = arith.select %lt3A_647, %broadcast_in_dim3A_0, %roll3A_644 : vector<1x128xi1>, vector<1x128xf32>
    %roll3A_649 = arith.constant 32 : i32
    %roll3A_650 = tpu.dynamic_rotate %max3A_604 by %roll3A_649 dim 1 : vector<1x128xf32>, i32 -> vector<1x128xf32>
    %lt3A_651 = arith.constant 32 : i32
    %lt3A_652 = vector.broadcast %lt3A_651 : i32 to vector<1x128xi32>
    %lt3A_653 = arith.cmpi slt, %iota3A, %lt3A_652 : vector<1x128xi32>
    %select_n3A_654 = arith.select %lt3A_653, %broadcast_in_dim3A_2, %roll3A_650 : vector<1x128xi1>, vector<1x128xf32>
    %roll3A_655 = arith.constant 32 : i32
    %roll3A_656 = tpu.dynamic_rotate %max3A_609 by %roll3A_655 dim 1 : vector<1x128xf32>, i32 -> vector<1x128xf32>
    %lt3A_657 = arith.constant 32 : i32
    %lt3A_658 = vector.broadcast %lt3A_657 : i32 to vector<1x128xi32>
    %lt3A_659 = arith.cmpi slt, %iota3A, %lt3A_658 : vector<1x128xi32>
    %select_n3A_660 = arith.select %lt3A_659, %broadcast_in_dim3A_0, %roll3A_656 : vector<1x128xi1>, vector<1x128xf32>
    %roll3A_661 = arith.constant 32 : i32
    %roll3A_662 = tpu.dynamic_rotate %max3A_614 by %roll3A_661 dim 1 : vector<1x128xf32>, i32 -> vector<1x128xf32>
    %lt3A_663 = arith.constant 32 : i32
    %lt3A_664 = vector.broadcast %lt3A_663 : i32 to vector<1x128xi32>
    %lt3A_665 = arith.cmpi slt, %iota3A, %lt3A_664 : vector<1x128xi32>
    %select_n3A_666 = arith.select %lt3A_665, %broadcast_in_dim3A_0, %roll3A_662 : vector<1x128xi1>, vector<1x128xf32>
    %roll3A_667 = arith.constant 32 : i32
    %roll3A_668 = tpu.dynamic_rotate %max3A_619 by %roll3A_667 dim 1 : vector<1x128xf32>, i32 -> vector<1x128xf32>
    %lt3A_669 = arith.constant 32 : i32
    %lt3A_670 = vector.broadcast %lt3A_669 : i32 to vector<1x128xi32>
    %lt3A_671 = arith.cmpi slt, %iota3A, %lt3A_670 : vector<1x128xi32>
    %select_n3A_672 = arith.select %lt3A_671, %broadcast_in_dim3A_0, %roll3A_668 : vector<1x128xi1>, vector<1x128xf32>
    %roll3A_673 = arith.constant 32 : i32
    %roll3A_674 = tpu.dynamic_rotate %max3A_624 by %roll3A_673 dim 1 : vector<1x128xf32>, i32 -> vector<1x128xf32>
    %lt3A_675 = arith.constant 32 : i32
    %lt3A_676 = vector.broadcast %lt3A_675 : i32 to vector<1x128xi32>
    %lt3A_677 = arith.cmpi slt, %iota3A, %lt3A_676 : vector<1x128xi32>
    %select_n3A_678 = arith.select %lt3A_677, %broadcast_in_dim3A_2, %roll3A_674 : vector<1x128xi1>, vector<1x128xf32>
    %add3A_679 = arith.addf %select_n3A_630, %max3A_584 : vector<1x128xf32>
    %add3A_680 = arith.addf %select_n3A_636, %max3A_599 : vector<1x128xf32>
    %max3A_681 = arith.maximumf %add3A_679, %add3A_680 : vector<1x128xf32>
    %add3A_682 = arith.addf %select_n3A_642, %max3A_614 : vector<1x128xf32>
    %max3A_683 = arith.maximumf %max3A_681, %add3A_682 : vector<1x128xf32>
    %add3A_684 = arith.addf %select_n3A_630, %max3A_589 : vector<1x128xf32>
    %add3A_685 = arith.addf %select_n3A_636, %max3A_604 : vector<1x128xf32>
    %max3A_686 = arith.maximumf %add3A_684, %add3A_685 : vector<1x128xf32>
    %add3A_687 = arith.addf %select_n3A_642, %max3A_619 : vector<1x128xf32>
    %max3A_688 = arith.maximumf %max3A_686, %add3A_687 : vector<1x128xf32>
    %add3A_689 = arith.addf %select_n3A_630, %max3A_594 : vector<1x128xf32>
    %add3A_690 = arith.addf %select_n3A_636, %max3A_609 : vector<1x128xf32>
    %max3A_691 = arith.maximumf %add3A_689, %add3A_690 : vector<1x128xf32>
    %add3A_692 = arith.addf %select_n3A_642, %max3A_624 : vector<1x128xf32>
    %max3A_693 = arith.maximumf %max3A_691, %add3A_692 : vector<1x128xf32>
    %add3A_694 = arith.addf %select_n3A_648, %max3A_584 : vector<1x128xf32>
    %add3A_695 = arith.addf %select_n3A_654, %max3A_599 : vector<1x128xf32>
    %max3A_696 = arith.maximumf %add3A_694, %add3A_695 : vector<1x128xf32>
    %add3A_697 = arith.addf %select_n3A_660, %max3A_614 : vector<1x128xf32>
    %max3A_698 = arith.maximumf %max3A_696, %add3A_697 : vector<1x128xf32>
    %add3A_699 = arith.addf %select_n3A_648, %max3A_589 : vector<1x128xf32>
    %add3A_700 = arith.addf %select_n3A_654, %max3A_604 : vector<1x128xf32>
    %max3A_701 = arith.maximumf %add3A_699, %add3A_700 : vector<1x128xf32>
    %add3A_702 = arith.addf %select_n3A_660, %max3A_619 : vector<1x128xf32>
    %max3A_703 = arith.maximumf %max3A_701, %add3A_702 : vector<1x128xf32>
    %add3A_704 = arith.addf %select_n3A_648, %max3A_594 : vector<1x128xf32>
    %add3A_705 = arith.addf %select_n3A_654, %max3A_609 : vector<1x128xf32>
    %max3A_706 = arith.maximumf %add3A_704, %add3A_705 : vector<1x128xf32>
    %add3A_707 = arith.addf %select_n3A_660, %max3A_624 : vector<1x128xf32>
    %max3A_708 = arith.maximumf %max3A_706, %add3A_707 : vector<1x128xf32>
    %add3A_709 = arith.addf %select_n3A_666, %max3A_584 : vector<1x128xf32>
    %add3A_710 = arith.addf %select_n3A_672, %max3A_599 : vector<1x128xf32>
    %max3A_711 = arith.maximumf %add3A_709, %add3A_710 : vector<1x128xf32>
    %add3A_712 = arith.addf %select_n3A_678, %max3A_614 : vector<1x128xf32>
    %max3A_713 = arith.maximumf %max3A_711, %add3A_712 : vector<1x128xf32>
    %add3A_714 = arith.addf %select_n3A_666, %max3A_589 : vector<1x128xf32>
    %add3A_715 = arith.addf %select_n3A_672, %max3A_604 : vector<1x128xf32>
    %max3A_716 = arith.maximumf %add3A_714, %add3A_715 : vector<1x128xf32>
    %add3A_717 = arith.addf %select_n3A_678, %max3A_619 : vector<1x128xf32>
    %max3A_718 = arith.maximumf %max3A_716, %add3A_717 : vector<1x128xf32>
    %add3A_719 = arith.addf %select_n3A_666, %max3A_594 : vector<1x128xf32>
    %add3A_720 = arith.addf %select_n3A_672, %max3A_609 : vector<1x128xf32>
    %max3A_721 = arith.maximumf %add3A_719, %add3A_720 : vector<1x128xf32>
    %add3A_722 = arith.addf %select_n3A_678, %max3A_624 : vector<1x128xf32>
    %max3A_723 = arith.maximumf %max3A_721, %add3A_722 : vector<1x128xf32>
    %roll3A_724 = arith.constant 64 : i32
    %roll3A_725 = tpu.dynamic_rotate %max3A_683 by %roll3A_724 dim 1 : vector<1x128xf32>, i32 -> vector<1x128xf32>
    %lt3A_726 = arith.constant 64 : i32
    %lt3A_727 = vector.broadcast %lt3A_726 : i32 to vector<1x128xi32>
    %lt3A_728 = arith.cmpi slt, %iota3A, %lt3A_727 : vector<1x128xi32>
    %select_n3A_729 = arith.select %lt3A_728, %broadcast_in_dim3A_2, %roll3A_725 : vector<1x128xi1>, vector<1x128xf32>
    %roll3A_730 = arith.constant 64 : i32
    %roll3A_731 = tpu.dynamic_rotate %max3A_688 by %roll3A_730 dim 1 : vector<1x128xf32>, i32 -> vector<1x128xf32>
    %lt3A_732 = arith.constant 64 : i32
    %lt3A_733 = vector.broadcast %lt3A_732 : i32 to vector<1x128xi32>
    %lt3A_734 = arith.cmpi slt, %iota3A, %lt3A_733 : vector<1x128xi32>
    %select_n3A_735 = arith.select %lt3A_734, %broadcast_in_dim3A_0, %roll3A_731 : vector<1x128xi1>, vector<1x128xf32>
    %roll3A_736 = arith.constant 64 : i32
    %roll3A_737 = tpu.dynamic_rotate %max3A_693 by %roll3A_736 dim 1 : vector<1x128xf32>, i32 -> vector<1x128xf32>
    %lt3A_738 = arith.constant 64 : i32
    %lt3A_739 = vector.broadcast %lt3A_738 : i32 to vector<1x128xi32>
    %lt3A_740 = arith.cmpi slt, %iota3A, %lt3A_739 : vector<1x128xi32>
    %select_n3A_741 = arith.select %lt3A_740, %broadcast_in_dim3A_0, %roll3A_737 : vector<1x128xi1>, vector<1x128xf32>
    %roll3A_742 = arith.constant 64 : i32
    %roll3A_743 = tpu.dynamic_rotate %max3A_698 by %roll3A_742 dim 1 : vector<1x128xf32>, i32 -> vector<1x128xf32>
    %lt3A_744 = arith.constant 64 : i32
    %lt3A_745 = vector.broadcast %lt3A_744 : i32 to vector<1x128xi32>
    %lt3A_746 = arith.cmpi slt, %iota3A, %lt3A_745 : vector<1x128xi32>
    %select_n3A_747 = arith.select %lt3A_746, %broadcast_in_dim3A_0, %roll3A_743 : vector<1x128xi1>, vector<1x128xf32>
    %roll3A_748 = arith.constant 64 : i32
    %roll3A_749 = tpu.dynamic_rotate %max3A_703 by %roll3A_748 dim 1 : vector<1x128xf32>, i32 -> vector<1x128xf32>
    %lt3A_750 = arith.constant 64 : i32
    %lt3A_751 = vector.broadcast %lt3A_750 : i32 to vector<1x128xi32>
    %lt3A_752 = arith.cmpi slt, %iota3A, %lt3A_751 : vector<1x128xi32>
    %select_n3A_753 = arith.select %lt3A_752, %broadcast_in_dim3A_2, %roll3A_749 : vector<1x128xi1>, vector<1x128xf32>
    %roll3A_754 = arith.constant 64 : i32
    %roll3A_755 = tpu.dynamic_rotate %max3A_708 by %roll3A_754 dim 1 : vector<1x128xf32>, i32 -> vector<1x128xf32>
    %lt3A_756 = arith.constant 64 : i32
    %lt3A_757 = vector.broadcast %lt3A_756 : i32 to vector<1x128xi32>
    %lt3A_758 = arith.cmpi slt, %iota3A, %lt3A_757 : vector<1x128xi32>
    %select_n3A_759 = arith.select %lt3A_758, %broadcast_in_dim3A_0, %roll3A_755 : vector<1x128xi1>, vector<1x128xf32>
    %roll3A_760 = arith.constant 64 : i32
    %roll3A_761 = tpu.dynamic_rotate %max3A_713 by %roll3A_760 dim 1 : vector<1x128xf32>, i32 -> vector<1x128xf32>
    %lt3A_762 = arith.constant 64 : i32
    %lt3A_763 = vector.broadcast %lt3A_762 : i32 to vector<1x128xi32>
    %lt3A_764 = arith.cmpi slt, %iota3A, %lt3A_763 : vector<1x128xi32>
    %select_n3A_765 = arith.select %lt3A_764, %broadcast_in_dim3A_0, %roll3A_761 : vector<1x128xi1>, vector<1x128xf32>
    %roll3A_766 = arith.constant 64 : i32
    %roll3A_767 = tpu.dynamic_rotate %max3A_718 by %roll3A_766 dim 1 : vector<1x128xf32>, i32 -> vector<1x128xf32>
    %lt3A_768 = arith.constant 64 : i32
    %lt3A_769 = vector.broadcast %lt3A_768 : i32 to vector<1x128xi32>
    %lt3A_770 = arith.cmpi slt, %iota3A, %lt3A_769 : vector<1x128xi32>
    %select_n3A_771 = arith.select %lt3A_770, %broadcast_in_dim3A_0, %roll3A_767 : vector<1x128xi1>, vector<1x128xf32>
    %roll3A_772 = arith.constant 64 : i32
    %roll3A_773 = tpu.dynamic_rotate %max3A_723 by %roll3A_772 dim 1 : vector<1x128xf32>, i32 -> vector<1x128xf32>
    %lt3A_774 = arith.constant 64 : i32
    %lt3A_775 = vector.broadcast %lt3A_774 : i32 to vector<1x128xi32>
    %lt3A_776 = arith.cmpi slt, %iota3A, %lt3A_775 : vector<1x128xi32>
    %select_n3A_777 = arith.select %lt3A_776, %broadcast_in_dim3A_2, %roll3A_773 : vector<1x128xi1>, vector<1x128xf32>
    %add3A_778 = arith.addf %select_n3A_729, %max3A_683 : vector<1x128xf32>
    %add3A_779 = arith.addf %select_n3A_735, %max3A_698 : vector<1x128xf32>
    %max3A_780 = arith.maximumf %add3A_778, %add3A_779 : vector<1x128xf32>
    %add3A_781 = arith.addf %select_n3A_741, %max3A_713 : vector<1x128xf32>
    %max3A_782 = arith.maximumf %max3A_780, %add3A_781 : vector<1x128xf32>
    %add3A_783 = arith.addf %select_n3A_729, %max3A_688 : vector<1x128xf32>
    %add3A_784 = arith.addf %select_n3A_735, %max3A_703 : vector<1x128xf32>
    %max3A_785 = arith.maximumf %add3A_783, %add3A_784 : vector<1x128xf32>
    %add3A_786 = arith.addf %select_n3A_741, %max3A_718 : vector<1x128xf32>
    %max3A_787 = arith.maximumf %max3A_785, %add3A_786 : vector<1x128xf32>
    %add3A_788 = arith.addf %select_n3A_729, %max3A_693 : vector<1x128xf32>
    %add3A_789 = arith.addf %select_n3A_735, %max3A_708 : vector<1x128xf32>
    %max3A_790 = arith.maximumf %add3A_788, %add3A_789 : vector<1x128xf32>
    %add3A_791 = arith.addf %select_n3A_741, %max3A_723 : vector<1x128xf32>
    %max3A_792 = arith.maximumf %max3A_790, %add3A_791 : vector<1x128xf32>
    %add3A_793 = arith.addf %select_n3A_747, %max3A_683 : vector<1x128xf32>
    %add3A_794 = arith.addf %select_n3A_753, %max3A_698 : vector<1x128xf32>
    %max3A_795 = arith.maximumf %add3A_793, %add3A_794 : vector<1x128xf32>
    %add3A_796 = arith.addf %select_n3A_759, %max3A_713 : vector<1x128xf32>
    %max3A_797 = arith.maximumf %max3A_795, %add3A_796 : vector<1x128xf32>
    %add3A_798 = arith.addf %select_n3A_747, %max3A_688 : vector<1x128xf32>
    %add3A_799 = arith.addf %select_n3A_753, %max3A_703 : vector<1x128xf32>
    %max3A_800 = arith.maximumf %add3A_798, %add3A_799 : vector<1x128xf32>
    %add3A_801 = arith.addf %select_n3A_759, %max3A_718 : vector<1x128xf32>
    %max3A_802 = arith.maximumf %max3A_800, %add3A_801 : vector<1x128xf32>
    %add3A_803 = arith.addf %select_n3A_747, %max3A_693 : vector<1x128xf32>
    %add3A_804 = arith.addf %select_n3A_753, %max3A_708 : vector<1x128xf32>
    %max3A_805 = arith.maximumf %add3A_803, %add3A_804 : vector<1x128xf32>
    %add3A_806 = arith.addf %select_n3A_759, %max3A_723 : vector<1x128xf32>
    %max3A_807 = arith.maximumf %max3A_805, %add3A_806 : vector<1x128xf32>
    %add3A_808 = arith.addf %select_n3A_765, %max3A_683 : vector<1x128xf32>
    %add3A_809 = arith.addf %select_n3A_771, %max3A_698 : vector<1x128xf32>
    %max3A_810 = arith.maximumf %add3A_808, %add3A_809 : vector<1x128xf32>
    %add3A_811 = arith.addf %select_n3A_777, %max3A_713 : vector<1x128xf32>
    %max3A_812 = arith.maximumf %max3A_810, %add3A_811 : vector<1x128xf32>
    %add3A_813 = arith.addf %select_n3A_765, %max3A_688 : vector<1x128xf32>
    %add3A_814 = arith.addf %select_n3A_771, %max3A_703 : vector<1x128xf32>
    %max3A_815 = arith.maximumf %add3A_813, %add3A_814 : vector<1x128xf32>
    %add3A_816 = arith.addf %select_n3A_777, %max3A_718 : vector<1x128xf32>
    %max3A_817 = arith.maximumf %max3A_815, %add3A_816 : vector<1x128xf32>
    %add3A_818 = arith.addf %select_n3A_765, %max3A_693 : vector<1x128xf32>
    %add3A_819 = arith.addf %select_n3A_771, %max3A_708 : vector<1x128xf32>
    %max3A_820 = arith.maximumf %add3A_818, %add3A_819 : vector<1x128xf32>
    %add3A_821 = arith.addf %select_n3A_777, %max3A_723 : vector<1x128xf32>
    %max3A_822 = arith.maximumf %max3A_820, %add3A_821 : vector<1x128xf32>
    %roll3A_823 = arith.constant 1 : i32
    %roll3A_824 = tpu.dynamic_rotate %max3A_782 by %roll3A_823 dim 1 : vector<1x128xf32>, i32 -> vector<1x128xf32>
    %lt3A_825 = arith.constant 1 : i32
    %lt3A_826 = vector.broadcast %lt3A_825 : i32 to vector<1x128xi32>
    %lt3A_827 = arith.cmpi slt, %iota3A, %lt3A_826 : vector<1x128xi32>
    %select_n3A_828 = arith.select %lt3A_827, %broadcast_in_dim3A_2, %roll3A_824 : vector<1x128xi1>, vector<1x128xf32>
    %roll3A_829 = arith.constant 1 : i32
    %roll3A_830 = tpu.dynamic_rotate %max3A_787 by %roll3A_829 dim 1 : vector<1x128xf32>, i32 -> vector<1x128xf32>
    %lt3A_831 = arith.constant 1 : i32
    %lt3A_832 = vector.broadcast %lt3A_831 : i32 to vector<1x128xi32>
    %lt3A_833 = arith.cmpi slt, %iota3A, %lt3A_832 : vector<1x128xi32>
    %select_n3A_834 = arith.select %lt3A_833, %broadcast_in_dim3A_0, %roll3A_830 : vector<1x128xi1>, vector<1x128xf32>
    %roll3A_835 = arith.constant 1 : i32
    %roll3A_836 = tpu.dynamic_rotate %max3A_792 by %roll3A_835 dim 1 : vector<1x128xf32>, i32 -> vector<1x128xf32>
    %lt3A_837 = arith.constant 1 : i32
    %lt3A_838 = vector.broadcast %lt3A_837 : i32 to vector<1x128xi32>
    %lt3A_839 = arith.cmpi slt, %iota3A, %lt3A_838 : vector<1x128xi32>
    %select_n3A_840 = arith.select %lt3A_839, %broadcast_in_dim3A_0, %roll3A_836 : vector<1x128xi1>, vector<1x128xf32>
    %roll3A_841 = arith.constant 1 : i32
    %roll3A_842 = tpu.dynamic_rotate %max3A_797 by %roll3A_841 dim 1 : vector<1x128xf32>, i32 -> vector<1x128xf32>
    %lt3A_843 = arith.constant 1 : i32
    %lt3A_844 = vector.broadcast %lt3A_843 : i32 to vector<1x128xi32>
    %lt3A_845 = arith.cmpi slt, %iota3A, %lt3A_844 : vector<1x128xi32>
    %select_n3A_846 = arith.select %lt3A_845, %broadcast_in_dim3A_0, %roll3A_842 : vector<1x128xi1>, vector<1x128xf32>
    %roll3A_847 = arith.constant 1 : i32
    %roll3A_848 = tpu.dynamic_rotate %max3A_802 by %roll3A_847 dim 1 : vector<1x128xf32>, i32 -> vector<1x128xf32>
    %lt3A_849 = arith.constant 1 : i32
    %lt3A_850 = vector.broadcast %lt3A_849 : i32 to vector<1x128xi32>
    %lt3A_851 = arith.cmpi slt, %iota3A, %lt3A_850 : vector<1x128xi32>
    %select_n3A_852 = arith.select %lt3A_851, %broadcast_in_dim3A_2, %roll3A_848 : vector<1x128xi1>, vector<1x128xf32>
    %roll3A_853 = arith.constant 1 : i32
    %roll3A_854 = tpu.dynamic_rotate %max3A_807 by %roll3A_853 dim 1 : vector<1x128xf32>, i32 -> vector<1x128xf32>
    %lt3A_855 = arith.constant 1 : i32
    %lt3A_856 = vector.broadcast %lt3A_855 : i32 to vector<1x128xi32>
    %lt3A_857 = arith.cmpi slt, %iota3A, %lt3A_856 : vector<1x128xi32>
    %select_n3A_858 = arith.select %lt3A_857, %broadcast_in_dim3A_0, %roll3A_854 : vector<1x128xi1>, vector<1x128xf32>
    %roll3A_859 = arith.constant 1 : i32
    %roll3A_860 = tpu.dynamic_rotate %max3A_812 by %roll3A_859 dim 1 : vector<1x128xf32>, i32 -> vector<1x128xf32>
    %lt3A_861 = arith.constant 1 : i32
    %lt3A_862 = vector.broadcast %lt3A_861 : i32 to vector<1x128xi32>
    %lt3A_863 = arith.cmpi slt, %iota3A, %lt3A_862 : vector<1x128xi32>
    %select_n3A_864 = arith.select %lt3A_863, %broadcast_in_dim3A_0, %roll3A_860 : vector<1x128xi1>, vector<1x128xf32>
    %roll3A_865 = arith.constant 1 : i32
    %roll3A_866 = tpu.dynamic_rotate %max3A_817 by %roll3A_865 dim 1 : vector<1x128xf32>, i32 -> vector<1x128xf32>
    %lt3A_867 = arith.constant 1 : i32
    %lt3A_868 = vector.broadcast %lt3A_867 : i32 to vector<1x128xi32>
    %lt3A_869 = arith.cmpi slt, %iota3A, %lt3A_868 : vector<1x128xi32>
    %select_n3A_870 = arith.select %lt3A_869, %broadcast_in_dim3A_0, %roll3A_866 : vector<1x128xi1>, vector<1x128xf32>
    %roll3A_871 = arith.constant 1 : i32
    %roll3A_872 = tpu.dynamic_rotate %max3A_822 by %roll3A_871 dim 1 : vector<1x128xf32>, i32 -> vector<1x128xf32>
    %lt3A_873 = arith.constant 1 : i32
    %lt3A_874 = vector.broadcast %lt3A_873 : i32 to vector<1x128xi32>
    %lt3A_875 = arith.cmpi slt, %iota3A, %lt3A_874 : vector<1x128xi32>
    %select_n3A_876 = arith.select %lt3A_875, %broadcast_in_dim3A_2, %roll3A_872 : vector<1x128xi1>, vector<1x128xf32>
    %add3A_877 = arith.constant -2.30258512 : f32
    %add3A_878 = vector.broadcast %add3A_877 : f32 to vector<1x128xf32>
    %add3A_879 = arith.addf %add3A_878, %select_n3A_828 : vector<1x128xf32>
    %add3A_880 = arith.constant -0.223143548 : f32
    %add3A_881 = vector.broadcast %add3A_880 : f32 to vector<1x128xf32>
    %add3A_882 = arith.addf %add3A_881, %select_n3A_846 : vector<1x128xf32>
    %max3A_883 = arith.maximumf %add3A_879, %add3A_882 : vector<1x128xf32>
    %add3A_884 = arith.constant -2.30258512 : f32
    %add3A_885 = vector.broadcast %add3A_884 : f32 to vector<1x128xf32>
    %add3A_886 = arith.addf %add3A_885, %select_n3A_864 : vector<1x128xf32>
    %max3A_887 = arith.maximumf %max3A_883, %add3A_886 : vector<1x128xf32>
    %add3A_888 = arith.constant -2.30258512 : f32
    %add3A_889 = vector.broadcast %add3A_888 : f32 to vector<1x128xf32>
    %add3A_890 = arith.addf %add3A_889, %select_n3A_834 : vector<1x128xf32>
    %add3A_891 = arith.constant -0.223143548 : f32
    %add3A_892 = vector.broadcast %add3A_891 : f32 to vector<1x128xf32>
    %add3A_893 = arith.addf %add3A_892, %select_n3A_852 : vector<1x128xf32>
    %max3A_894 = arith.maximumf %add3A_890, %add3A_893 : vector<1x128xf32>
    %add3A_895 = arith.constant -2.30258512 : f32
    %add3A_896 = vector.broadcast %add3A_895 : f32 to vector<1x128xf32>
    %add3A_897 = arith.addf %add3A_896, %select_n3A_870 : vector<1x128xf32>
    %max3A_898 = arith.maximumf %max3A_894, %add3A_897 : vector<1x128xf32>
    %add3A_899 = arith.constant -2.30258512 : f32
    %add3A_900 = vector.broadcast %add3A_899 : f32 to vector<1x128xf32>
    %add3A_901 = arith.addf %add3A_900, %select_n3A_840 : vector<1x128xf32>
    %add3A_902 = arith.constant -0.223143548 : f32
    %add3A_903 = vector.broadcast %add3A_902 : f32 to vector<1x128xf32>
    %add3A_904 = arith.addf %add3A_903, %select_n3A_858 : vector<1x128xf32>
    %max3A_905 = arith.maximumf %add3A_901, %add3A_904 : vector<1x128xf32>
    %add3A_906 = arith.constant -2.30258512 : f32
    %add3A_907 = vector.broadcast %add3A_906 : f32 to vector<1x128xf32>
    %add3A_908 = arith.addf %add3A_907, %select_n3A_876 : vector<1x128xf32>
    %max3A_909 = arith.maximumf %max3A_905, %add3A_908 : vector<1x128xf32>
    %broadcast_in_dim3A_910 = arith.constant 0 : i32
    %broadcast_in_dim3A_911 = vector.broadcast %broadcast_in_dim3A_910 : i32 to vector<1x128xi32>
    %broadcast_in_dim3A_912 = arith.constant 1 : i32
    %broadcast_in_dim3A_913 = vector.broadcast %broadcast_in_dim3A_912 : i32 to vector<1x128xi32>
    %broadcast_in_dim3A_914 = arith.constant 2 : i32
    %broadcast_in_dim3A_915 = vector.broadcast %broadcast_in_dim3A_914 : i32 to vector<1x128xi32>
    %scan3A_916 = arith.constant 0 : i32
    %scan3A_917 = arith.constant 79 : i32
    %scan3A_918 = arith.addi %scan3A_916, %scan3A_917 : i32
    %scan3A_919 = arith.constant 1 : i32
    %scan3A_920:3 = scf.for %scan3A_1351 = %scan3A_916 to %scan3A_918 step %scan3A_919 iter_args(%scan3A_1352 = %max3A_887, %scan3A_1353 = %max3A_898, %scan3A_1354 = %max3A_909) -> (vector<1x128xf32>, vector<1x128xf32>, vector<1x128xf32>)  : i32 {
      %get3A_1355 = arith.index_cast %scan3A_1351 : i32 to index
      %get3A_1356 = arith.constant 0 : index
      %get3A_1357 = vector.load %arg8[%get3A_1355, %get3A_1356] : memref<79x128xf32, #tpu.memory_space<vmem>>, vector<1x128xf32>
      %sub3A_1358 = vector.broadcast %add3A_115 : f32 to vector<1x128xf32>
      %sub3A_1359 = arith.subf %get3A_1357, %sub3A_1358 : vector<1x128xf32>
      %sub3A_1360 = vector.broadcast %add3A_115 : f32 to vector<1x128xf32>
      %sub3A_1361 = arith.subf %get3A_1357, %sub3A_1360 : vector<1x128xf32>
      %mul3A_1362 = arith.mulf %sub3A_1359, %sub3A_1361 : vector<1x128xf32>
      %mul3A_1363 = vector.broadcast %div3A_43 : f32 to vector<1x128xf32>
      %mul3A_1364 = arith.mulf %mul3A_1362, %mul3A_1363 : vector<1x128xf32>
      %add3A_1365 = vector.broadcast %log3A : f32 to vector<1x128xf32>
      %add3A_1366 = arith.addf %mul3A_1364, %add3A_1365 : vector<1x128xf32>
      %mul3A_1367 = arith.constant -5.000000e-01 : f32
      %mul3A_1368 = vector.broadcast %mul3A_1367 : f32 to vector<1x128xf32>
      %mul3A_1369 = arith.mulf %mul3A_1368, %add3A_1366 : vector<1x128xf32>
      %sub3A_1370 = vector.broadcast %add3A_120 : f32 to vector<1x128xf32>
      %sub3A_1371 = arith.subf %get3A_1357, %sub3A_1370 : vector<1x128xf32>
      %sub3A_1372 = vector.broadcast %add3A_120 : f32 to vector<1x128xf32>
      %sub3A_1373 = arith.subf %get3A_1357, %sub3A_1372 : vector<1x128xf32>
      %mul3A_1374 = arith.mulf %sub3A_1371, %sub3A_1373 : vector<1x128xf32>
      %mul3A_1375 = vector.broadcast %div3A_43 : f32 to vector<1x128xf32>
      %mul3A_1376 = arith.mulf %mul3A_1374, %mul3A_1375 : vector<1x128xf32>
      %add3A_1377 = vector.broadcast %log3A : f32 to vector<1x128xf32>
      %add3A_1378 = arith.addf %mul3A_1376, %add3A_1377 : vector<1x128xf32>
      %mul3A_1379 = arith.constant -5.000000e-01 : f32
      %mul3A_1380 = vector.broadcast %mul3A_1379 : f32 to vector<1x128xf32>
      %mul3A_1381 = arith.mulf %mul3A_1380, %add3A_1378 : vector<1x128xf32>
      %sub3A_1382 = vector.broadcast %add3A_125 : f32 to vector<1x128xf32>
      %sub3A_1383 = arith.subf %get3A_1357, %sub3A_1382 : vector<1x128xf32>
      %sub3A_1384 = vector.broadcast %add3A_125 : f32 to vector<1x128xf32>
      %sub3A_1385 = arith.subf %get3A_1357, %sub3A_1384 : vector<1x128xf32>
      %mul3A_1386 = arith.mulf %sub3A_1383, %sub3A_1385 : vector<1x128xf32>
      %mul3A_1387 = vector.broadcast %div3A_43 : f32 to vector<1x128xf32>
      %mul3A_1388 = arith.mulf %mul3A_1386, %mul3A_1387 : vector<1x128xf32>
      %add3A_1389 = vector.broadcast %log3A : f32 to vector<1x128xf32>
      %add3A_1390 = arith.addf %mul3A_1388, %add3A_1389 : vector<1x128xf32>
      %mul3A_1391 = arith.constant -5.000000e-01 : f32
      %mul3A_1392 = vector.broadcast %mul3A_1391 : f32 to vector<1x128xf32>
      %mul3A_1393 = arith.mulf %mul3A_1392, %add3A_1390 : vector<1x128xf32>
      %mul3A_1394 = arith.constant 79 : i32
      %mul3A_1395 = vector.broadcast %mul3A_1394 : i32 to vector<1x128xi32>
      %mul3A_1396 = arith.muli %iota3A, %mul3A_1395 : vector<1x128xi32>
      %add3A_1397 = vector.broadcast %scan3A_1351 : i32 to vector<1x128xi32>
      %add3A_1398 = arith.addi %mul3A_1396, %add3A_1397 : vector<1x128xi32>
      %lt3A_1399 = arith.constant 10000 : i32
      %lt3A_1400 = vector.broadcast %lt3A_1399 : i32 to vector<1x128xi32>
      %lt3A_1401 = arith.cmpi slt, %add3A_1398, %lt3A_1400 : vector<1x128xi32>
      %eq3A_1402 = arith.constant 0 : i32
      %eq3A_1403 = vector.broadcast %eq3A_1402 : i32 to vector<1x128xi32>
      %eq3A_1404 = arith.cmpi eq, %iota3A, %eq3A_1403 : vector<1x128xi32>
      %eq3A_1405 = arith.constant 0 : i32
      %eq3A_1406 = arith.cmpi eq, %scan3A_1351, %eq3A_1405 : i32
      %and3A_1407 = vector.broadcast %eq3A_1406 : i1 to vector<1x128xi1>
      %and3A_1408 = arith.andi %eq3A_1404, %and3A_1407 : vector<1x128xi1>
      %add3A_1409 = arith.constant -0.0202027075 : f32
      %add3A_1410 = vector.broadcast %add3A_1409 : f32 to vector<1x128xf32>
      %add3A_1411 = arith.addf %scan3A_1352, %add3A_1410 : vector<1x128xf32>
      %add3A_1412 = arith.constant -4.60517025 : f32
      %add3A_1413 = vector.broadcast %add3A_1412 : f32 to vector<1x128xf32>
      %add3A_1414 = arith.addf %scan3A_1353, %add3A_1413 : vector<1x128xf32>
      %add3A_1415 = arith.constant -4.60517025 : f32
      %add3A_1416 = vector.broadcast %add3A_1415 : f32 to vector<1x128xf32>
      %add3A_1417 = arith.addf %scan3A_1354, %add3A_1416 : vector<1x128xf32>
      %gt3A_1418 = arith.cmpf ogt, %add3A_1414, %add3A_1411 : vector<1x128xf32>
      %select_n3A_1419 = arith.select %gt3A_1418, %add3A_1414, %add3A_1411 : vector<1x128xi1>, vector<1x128xf32>
      %select_n3A_1420 = arith.select %gt3A_1418, %broadcast_in_dim3A_913, %broadcast_in_dim3A_911 : vector<1x128xi1>, vector<1x128xi32>
      %gt3A_1421 = arith.cmpf ogt, %add3A_1417, %select_n3A_1419 : vector<1x128xf32>
      %select_n3A_1422 = arith.select %gt3A_1421, %add3A_1417, %select_n3A_1419 : vector<1x128xi1>, vector<1x128xf32>
      %select_n3A_1423 = arith.select %gt3A_1421, %broadcast_in_dim3A_915, %select_n3A_1420 : vector<1x128xi1>, vector<1x128xi32>
      %add3A_1424 = arith.addf %scan3A_1352, %mul3A_1369 : vector<1x128xf32>
      %add3A_1425 = arith.addf %select_n3A_1422, %mul3A_1369 : vector<1x128xf32>
      %select_n3A_1426 = arith.select %and3A_1408, %add3A_1424, %add3A_1425 : vector<1x128xi1>, vector<1x128xf32>
      %select_n3A_1427 = arith.select %lt3A_1401, %select_n3A_1426, %scan3A_1352 : vector<1x128xi1>, vector<1x128xf32>
      %not3A = arith.constant dense<true> : vector<1x128xi1>
      %not3A_1428 = arith.xori %and3A_1408, %not3A : vector<1x128xi1>
      %and3A_1429 = arith.andi %lt3A_1401, %not3A_1428 : vector<1x128xi1>
      %select_n3A_1430 = arith.select %and3A_1429, %select_n3A_1423, %broadcast_in_dim3A_911 : vector<1x128xi1>, vector<1x128xi32>
      %swap3A_1431 = arith.index_cast %scan3A_1351 : i32 to index
      %swap3A_1432 = arith.constant 0 : index
      %swap3A_1433 = vector.load %arg2[%swap3A_1431, %swap3A_1432] : memref<79x128xi32, #tpu.memory_space<vmem>>, vector<1x128xi32>
      tpu.vector_store %arg2[%swap3A_1431, %swap3A_1432], %select_n3A_1430 {strides = array<i32>} : memref<79x128xi32, #tpu.memory_space<vmem>>, vector<1x128xi32>,
      %add3A_1434 = arith.constant -4.60517025 : f32
      %add3A_1435 = vector.broadcast %add3A_1434 : f32 to vector<1x128xf32>
      %add3A_1436 = arith.addf %scan3A_1352, %add3A_1435 : vector<1x128xf32>
      %add3A_1437 = arith.constant -0.0202027075 : f32
      %add3A_1438 = vector.broadcast %add3A_1437 : f32 to vector<1x128xf32>
      %add3A_1439 = arith.addf %scan3A_1353, %add3A_1438 : vector<1x128xf32>
      %add3A_1440 = arith.constant -4.60517025 : f32
      %add3A_1441 = vector.broadcast %add3A_1440 : f32 to vector<1x128xf32>
      %add3A_1442 = arith.addf %scan3A_1354, %add3A_1441 : vector<1x128xf32>
      %gt3A_1443 = arith.cmpf ogt, %add3A_1439, %add3A_1436 : vector<1x128xf32>
      %select_n3A_1444 = arith.select %gt3A_1443, %add3A_1439, %add3A_1436 : vector<1x128xi1>, vector<1x128xf32>
      %select_n3A_1445 = arith.select %gt3A_1443, %broadcast_in_dim3A_913, %broadcast_in_dim3A_911 : vector<1x128xi1>, vector<1x128xi32>
      %gt3A_1446 = arith.cmpf ogt, %add3A_1442, %select_n3A_1444 : vector<1x128xf32>
      %select_n3A_1447 = arith.select %gt3A_1446, %add3A_1442, %select_n3A_1444 : vector<1x128xi1>, vector<1x128xf32>
      %select_n3A_1448 = arith.select %gt3A_1446, %broadcast_in_dim3A_915, %select_n3A_1445 : vector<1x128xi1>, vector<1x128xi32>
      %add3A_1449 = arith.addf %scan3A_1353, %mul3A_1381 : vector<1x128xf32>
      %add3A_1450 = arith.addf %select_n3A_1447, %mul3A_1381 : vector<1x128xf32>
      %select_n3A_1451 = arith.select %and3A_1408, %add3A_1449, %add3A_1450 : vector<1x128xi1>, vector<1x128xf32>
      %select_n3A_1452 = arith.select %lt3A_1401, %select_n3A_1451, %scan3A_1353 : vector<1x128xi1>, vector<1x128xf32>
      %not3A_1453 = arith.constant dense<true> : vector<1x128xi1>
      %not3A_1454 = arith.xori %and3A_1408, %not3A_1453 : vector<1x128xi1>
      %and3A_1455 = arith.andi %lt3A_1401, %not3A_1454 : vector<1x128xi1>
      %select_n3A_1456 = arith.select %and3A_1455, %select_n3A_1448, %broadcast_in_dim3A_913 : vector<1x128xi1>, vector<1x128xi32>
      %swap3A_1457 = arith.index_cast %scan3A_1351 : i32 to index
      %swap3A_1458 = arith.constant 0 : index
      %swap3A_1459 = vector.load %arg3[%swap3A_1457, %swap3A_1458] : memref<79x128xi32, #tpu.memory_space<vmem>>, vector<1x128xi32>
      tpu.vector_store %arg3[%swap3A_1457, %swap3A_1458], %select_n3A_1456 {strides = array<i32>} : memref<79x128xi32, #tpu.memory_space<vmem>>, vector<1x128xi32>,
      %add3A_1460 = arith.constant -4.60517025 : f32
      %add3A_1461 = vector.broadcast %add3A_1460 : f32 to vector<1x128xf32>
      %add3A_1462 = arith.addf %scan3A_1352, %add3A_1461 : vector<1x128xf32>
      %add3A_1463 = arith.constant -4.60517025 : f32
      %add3A_1464 = vector.broadcast %add3A_1463 : f32 to vector<1x128xf32>
      %add3A_1465 = arith.addf %scan3A_1353, %add3A_1464 : vector<1x128xf32>
      %add3A_1466 = arith.constant -0.0202027075 : f32
      %add3A_1467 = vector.broadcast %add3A_1466 : f32 to vector<1x128xf32>
      %add3A_1468 = arith.addf %scan3A_1354, %add3A_1467 : vector<1x128xf32>
      %gt3A_1469 = arith.cmpf ogt, %add3A_1465, %add3A_1462 : vector<1x128xf32>
      %select_n3A_1470 = arith.select %gt3A_1469, %add3A_1465, %add3A_1462 : vector<1x128xi1>, vector<1x128xf32>
      %select_n3A_1471 = arith.select %gt3A_1469, %broadcast_in_dim3A_913, %broadcast_in_dim3A_911 : vector<1x128xi1>, vector<1x128xi32>
      %gt3A_1472 = arith.cmpf ogt, %add3A_1468, %select_n3A_1470 : vector<1x128xf32>
      %select_n3A_1473 = arith.select %gt3A_1472, %add3A_1468, %select_n3A_1470 : vector<1x128xi1>, vector<1x128xf32>
      %select_n3A_1474 = arith.select %gt3A_1472, %broadcast_in_dim3A_915, %select_n3A_1471 : vector<1x128xi1>, vector<1x128xi32>
      %add3A_1475 = arith.addf %scan3A_1354, %mul3A_1393 : vector<1x128xf32>
      %add3A_1476 = arith.addf %select_n3A_1473, %mul3A_1393 : vector<1x128xf32>
      %select_n3A_1477 = arith.select %and3A_1408, %add3A_1475, %add3A_1476 : vector<1x128xi1>, vector<1x128xf32>
      %select_n3A_1478 = arith.select %lt3A_1401, %select_n3A_1477, %scan3A_1354 : vector<1x128xi1>, vector<1x128xf32>
      %not3A_1479 = arith.constant dense<true> : vector<1x128xi1>
      %not3A_1480 = arith.xori %and3A_1408, %not3A_1479 : vector<1x128xi1>
      %and3A_1481 = arith.andi %lt3A_1401, %not3A_1480 : vector<1x128xi1>
      %select_n3A_1482 = arith.select %and3A_1481, %select_n3A_1474, %broadcast_in_dim3A_915 : vector<1x128xi1>, vector<1x128xi32>
      %swap3A_1483 = arith.index_cast %scan3A_1351 : i32 to index
      %swap3A_1484 = arith.constant 0 : index
      %swap3A_1485 = vector.load %arg4[%swap3A_1483, %swap3A_1484] : memref<79x128xi32, #tpu.memory_space<vmem>>, vector<1x128xi32>
      tpu.vector_store %arg4[%swap3A_1483, %swap3A_1484], %select_n3A_1482 {strides = array<i32>} : memref<79x128xi32, #tpu.memory_space<vmem>>, vector<1x128xi32>,
      scf.yield %select_n3A_1427, %select_n3A_1452, %select_n3A_1478 : vector<1x128xf32>, vector<1x128xf32>, vector<1x128xf32>
    }
    %scan3A_921 = arith.constant 79 : i32
    %gt3A = arith.cmpf ogt, %scan3A_920#1, %scan3A_920#0 : vector<1x128xf32>
    %select_n3A_922 = arith.select %gt3A, %scan3A_920#1, %scan3A_920#0 : vector<1x128xi1>, vector<1x128xf32>
    %select_n3A_923 = arith.select %gt3A, %broadcast_in_dim3A_913, %broadcast_in_dim3A_911 : vector<1x128xi1>, vector<1x128xi32>
    %gt3A_924 = arith.cmpf ogt, %scan3A_920#2, %select_n3A_922 : vector<1x128xf32>
    %select_n3A_925 = arith.select %gt3A_924, %broadcast_in_dim3A_915, %select_n3A_923 : vector<1x128xi1>, vector<1x128xi32>
    %eq3A = arith.constant 127 : i32
    %eq3A_926 = vector.broadcast %eq3A : i32 to vector<1x128xi32>
    %eq3A_927 = arith.cmpi eq, %iota3A, %eq3A_926 : vector<1x128xi32>
    %select_n3A_928 = arith.select %eq3A_927, %select_n3A_925, %broadcast_in_dim3A_911 : vector<1x128xi1>, vector<1x128xi32>
    %reduce_sum3A_929 = vector.shape_cast %select_n3A_928 : vector<1x128xi32> to vector<1x1x128xi32>
    %reduce_sum3A_930 = arith.constant dense<0> : vector<1xi32>
    %reduce_sum3A_931 = vector.multi_reduction <add>, %reduce_sum3A_929, %reduce_sum3A_930 [1, 2] : vector<1x1x128xi32> to vector<1xi32>
    %reduce_sum3A_932 = vector.shape_cast %reduce_sum3A_931 : vector<1xi32> to vector<1x1x1xi32>
    %reduce_sum3A_933 = vector.extract %reduce_sum3A_932[0, 0, 0] : i32 from vector<1x1x1xi32>
    %get3A_934 = arith.constant 0 : index
    %get3A_935 = arith.constant 0 : index
    %get3A_936 = vector.load %arg2[%get3A_934, %get3A_935] : memref<79x128xi32, #tpu.memory_space<vmem>>, vector<1x128xi32>
    %roll3A_937 = arith.constant 127 : i32
    %roll3A_938 = tpu.dynamic_rotate %get3A_936 by %roll3A_937 dim 1 : vector<1x128xi32>, i32 -> vector<1x128xi32>
    %eq3A_939 = arith.constant 127 : i32
    %eq3A_940 = vector.broadcast %eq3A_939 : i32 to vector<1x128xi32>
    %eq3A_941 = arith.cmpi eq, %iota3A, %eq3A_940 : vector<1x128xi32>
    %select_n3A_942 = arith.select %eq3A_941, %broadcast_in_dim3A_911, %roll3A_938 : vector<1x128xi1>, vector<1x128xi32>
    %get3A_943 = arith.constant 0 : index
    %get3A_944 = arith.constant 0 : index
    %get3A_945 = vector.load %arg3[%get3A_943, %get3A_944] : memref<79x128xi32, #tpu.memory_space<vmem>>, vector<1x128xi32>
    %roll3A_946 = arith.constant 127 : i32
    %roll3A_947 = tpu.dynamic_rotate %get3A_945 by %roll3A_946 dim 1 : vector<1x128xi32>, i32 -> vector<1x128xi32>
    %eq3A_948 = arith.constant 127 : i32
    %eq3A_949 = vector.broadcast %eq3A_948 : i32 to vector<1x128xi32>
    %eq3A_950 = arith.cmpi eq, %iota3A, %eq3A_949 : vector<1x128xi32>
    %select_n3A_951 = arith.select %eq3A_950, %broadcast_in_dim3A_913, %roll3A_947 : vector<1x128xi1>, vector<1x128xi32>
    %get3A_952 = arith.constant 0 : index
    %get3A_953 = arith.constant 0 : index
    %get3A_954 = vector.load %arg4[%get3A_952, %get3A_953] : memref<79x128xi32, #tpu.memory_space<vmem>>, vector<1x128xi32>
    %roll3A_955 = arith.constant 127 : i32
    %roll3A_956 = tpu.dynamic_rotate %get3A_954 by %roll3A_955 dim 1 : vector<1x128xi32>, i32 -> vector<1x128xi32>
    %eq3A_957 = arith.constant 127 : i32
    %eq3A_958 = vector.broadcast %eq3A_957 : i32 to vector<1x128xi32>
    %eq3A_959 = arith.cmpi eq, %iota3A, %eq3A_958 : vector<1x128xi32>
    %select_n3A_960 = arith.select %eq3A_959, %broadcast_in_dim3A_915, %roll3A_956 : vector<1x128xi1>, vector<1x128xi32>
    %eq3A_961 = arith.constant 0 : i32
    %eq3A_962 = vector.broadcast %eq3A_961 : i32 to vector<1x128xi32>
    %eq3A_963 = arith.cmpi eq, %broadcast_in_dim3A_911, %eq3A_962 : vector<1x128xi32>
    %eq3A_964 = arith.constant 1 : i32
    %eq3A_965 = vector.broadcast %eq3A_964 : i32 to vector<1x128xi32>
    %eq3A_966 = arith.cmpi eq, %broadcast_in_dim3A_911, %eq3A_965 : vector<1x128xi32>
    %select_n3A_967 = arith.select %eq3A_966, %select_n3A_951, %select_n3A_960 : vector<1x128xi1>, vector<1x128xi32>
    %select_n3A_968 = arith.select %eq3A_963, %select_n3A_942, %select_n3A_967 : vector<1x128xi1>, vector<1x128xi32>
    %eq3A_969 = arith.constant 0 : i32
    %eq3A_970 = vector.broadcast %eq3A_969 : i32 to vector<1x128xi32>
    %eq3A_971 = arith.cmpi eq, %broadcast_in_dim3A_913, %eq3A_970 : vector<1x128xi32>
    %eq3A_972 = arith.constant 1 : i32
    %eq3A_973 = vector.broadcast %eq3A_972 : i32 to vector<1x128xi32>
    %eq3A_974 = arith.cmpi eq, %broadcast_in_dim3A_913, %eq3A_973 : vector<1x128xi32>
    %select_n3A_975 = arith.select %eq3A_974, %select_n3A_951, %select_n3A_960 : vector<1x128xi1>, vector<1x128xi32>
    %select_n3A_976 = arith.select %eq3A_971, %select_n3A_942, %select_n3A_975 : vector<1x128xi1>, vector<1x128xi32>
    %eq3A_977 = arith.constant 0 : i32
    %eq3A_978 = vector.broadcast %eq3A_977 : i32 to vector<1x128xi32>
    %eq3A_979 = arith.cmpi eq, %broadcast_in_dim3A_915, %eq3A_978 : vector<1x128xi32>
    %eq3A_980 = arith.constant 1 : i32
    %eq3A_981 = vector.broadcast %eq3A_980 : i32 to vector<1x128xi32>
    %eq3A_982 = arith.cmpi eq, %broadcast_in_dim3A_915, %eq3A_981 : vector<1x128xi32>
    %select_n3A_983 = arith.select %eq3A_982, %select_n3A_951, %select_n3A_960 : vector<1x128xi1>, vector<1x128xi32>
    %select_n3A_984 = arith.select %eq3A_979, %select_n3A_942, %select_n3A_983 : vector<1x128xi1>, vector<1x128xi32>
    %swap3A_985 = arith.constant 78 : index
    %swap3A_986 = arith.constant 0 : index
    %swap3A_987 = vector.load %arg5[%swap3A_985, %swap3A_986] : memref<79x128xi32, #tpu.memory_space<vmem>>, vector<1x128xi32>
    tpu.vector_store %arg5[%swap3A_985, %swap3A_986], %select_n3A_968 {strides = array<i32>} : memref<79x128xi32, #tpu.memory_space<vmem>>, vector<1x128xi32>,
    %swap3A_988 = arith.constant 78 : index
    %swap3A_989 = arith.constant 0 : index
    %swap3A_990 = vector.load %arg6[%swap3A_988, %swap3A_989] : memref<79x128xi32, #tpu.memory_space<vmem>>, vector<1x128xi32>
    tpu.vector_store %arg6[%swap3A_988, %swap3A_989], %select_n3A_976 {strides = array<i32>} : memref<79x128xi32, #tpu.memory_space<vmem>>, vector<1x128xi32>,
    %swap3A_991 = arith.constant 78 : index
    %swap3A_992 = arith.constant 0 : index
    %swap3A_993 = vector.load %arg7[%swap3A_991, %swap3A_992] : memref<79x128xi32, #tpu.memory_space<vmem>>, vector<1x128xi32>
    tpu.vector_store %arg7[%swap3A_991, %swap3A_992], %select_n3A_984 {strides = array<i32>} : memref<79x128xi32, #tpu.memory_space<vmem>>, vector<1x128xi32>,
    %scan3A_994 = arith.constant 0 : i32
    %scan3A_995 = arith.constant 78 : i32
    %scan3A_996 = arith.addi %scan3A_994, %scan3A_995 : i32
    %scan3A_997 = arith.constant 1 : i32
    %scan3A_998:3 = scf.for %scan3A_1351 = %scan3A_994 to %scan3A_996 step %scan3A_997 iter_args(%scan3A_1352 = %select_n3A_968, %scan3A_1353 = %select_n3A_976, %scan3A_1354 = %select_n3A_984) -> (vector<1x128xi32>, vector<1x128xi32>, vector<1x128xi32>)  : i32 {
      %sub3A_1355 = arith.constant 77 : i32
      %sub3A_1356 = arith.subi %sub3A_1355, %scan3A_1351 : i32
      %add3A_1357 = arith.constant 1 : i32
      %add3A_1358 = arith.addi %sub3A_1356, %add3A_1357 : i32
      %get3A_1359 = arith.index_cast %add3A_1358 : i32 to index
      %get3A_1360 = arith.constant 0 : index
      %get3A_1361 = vector.load %arg2[%get3A_1359, %get3A_1360] : memref<79x128xi32, #tpu.memory_space<vmem>>, vector<1x128xi32>
      %add3A_1362 = arith.constant 1 : i32
      %add3A_1363 = arith.addi %sub3A_1356, %add3A_1362 : i32
      %get3A_1364 = arith.index_cast %add3A_1363 : i32 to index
      %get3A_1365 = arith.constant 0 : index
      %get3A_1366 = vector.load %arg3[%get3A_1364, %get3A_1365] : memref<79x128xi32, #tpu.memory_space<vmem>>, vector<1x128xi32>
      %add3A_1367 = arith.constant 1 : i32
      %add3A_1368 = arith.addi %sub3A_1356, %add3A_1367 : i32
      %get3A_1369 = arith.index_cast %add3A_1368 : i32 to index
      %get3A_1370 = arith.constant 0 : index
      %get3A_1371 = vector.load %arg4[%get3A_1369, %get3A_1370] : memref<79x128xi32, #tpu.memory_space<vmem>>, vector<1x128xi32>
      %eq3A_1372 = arith.constant 0 : i32
      %eq3A_1373 = vector.broadcast %eq3A_1372 : i32 to vector<1x128xi32>
      %eq3A_1374 = arith.cmpi eq, %scan3A_1352, %eq3A_1373 : vector<1x128xi32>
      %eq3A_1375 = arith.constant 1 : i32
      %eq3A_1376 = vector.broadcast %eq3A_1375 : i32 to vector<1x128xi32>
      %eq3A_1377 = arith.cmpi eq, %scan3A_1352, %eq3A_1376 : vector<1x128xi32>
      %select_n3A_1378 = arith.select %eq3A_1377, %get3A_1366, %get3A_1371 : vector<1x128xi1>, vector<1x128xi32>
      %select_n3A_1379 = arith.select %eq3A_1374, %get3A_1361, %select_n3A_1378 : vector<1x128xi1>, vector<1x128xi32>
      %eq3A_1380 = arith.constant 0 : i32
      %eq3A_1381 = vector.broadcast %eq3A_1380 : i32 to vector<1x128xi32>
      %eq3A_1382 = arith.cmpi eq, %scan3A_1353, %eq3A_1381 : vector<1x128xi32>
      %eq3A_1383 = arith.constant 1 : i32
      %eq3A_1384 = vector.broadcast %eq3A_1383 : i32 to vector<1x128xi32>
      %eq3A_1385 = arith.cmpi eq, %scan3A_1353, %eq3A_1384 : vector<1x128xi32>
      %select_n3A_1386 = arith.select %eq3A_1385, %get3A_1366, %get3A_1371 : vector<1x128xi1>, vector<1x128xi32>
      %select_n3A_1387 = arith.select %eq3A_1382, %get3A_1361, %select_n3A_1386 : vector<1x128xi1>, vector<1x128xi32>
      %eq3A_1388 = arith.constant 0 : i32
      %eq3A_1389 = vector.broadcast %eq3A_1388 : i32 to vector<1x128xi32>
      %eq3A_1390 = arith.cmpi eq, %scan3A_1354, %eq3A_1389 : vector<1x128xi32>
      %eq3A_1391 = arith.constant 1 : i32
      %eq3A_1392 = vector.broadcast %eq3A_1391 : i32 to vector<1x128xi32>
      %eq3A_1393 = arith.cmpi eq, %scan3A_1354, %eq3A_1392 : vector<1x128xi32>
      %select_n3A_1394 = arith.select %eq3A_1393, %get3A_1366, %get3A_1371 : vector<1x128xi1>, vector<1x128xi32>
      %select_n3A_1395 = arith.select %eq3A_1390, %get3A_1361, %select_n3A_1394 : vector<1x128xi1>, vector<1x128xi32>
      %swap3A_1396 = arith.index_cast %sub3A_1356 : i32 to index
      %swap3A_1397 = arith.constant 0 : index
      %swap3A_1398 = vector.load %arg5[%swap3A_1396, %swap3A_1397] : memref<79x128xi32, #tpu.memory_space<vmem>>, vector<1x128xi32>
      tpu.vector_store %arg5[%swap3A_1396, %swap3A_1397], %select_n3A_1379 {strides = array<i32>} : memref<79x128xi32, #tpu.memory_space<vmem>>, vector<1x128xi32>,
      %swap3A_1399 = arith.index_cast %sub3A_1356 : i32 to index
      %swap3A_1400 = arith.constant 0 : index
      %swap3A_1401 = vector.load %arg6[%swap3A_1399, %swap3A_1400] : memref<79x128xi32, #tpu.memory_space<vmem>>, vector<1x128xi32>
      tpu.vector_store %arg6[%swap3A_1399, %swap3A_1400], %select_n3A_1387 {strides = array<i32>} : memref<79x128xi32, #tpu.memory_space<vmem>>, vector<1x128xi32>,
      %swap3A_1402 = arith.index_cast %sub3A_1356 : i32 to index
      %swap3A_1403 = arith.constant 0 : index
      %swap3A_1404 = vector.load %arg7[%swap3A_1402, %swap3A_1403] : memref<79x128xi32, #tpu.memory_space<vmem>>, vector<1x128xi32>
      tpu.vector_store %arg7[%swap3A_1402, %swap3A_1403], %select_n3A_1395 {strides = array<i32>} : memref<79x128xi32, #tpu.memory_space<vmem>>, vector<1x128xi32>,
      scf.yield %select_n3A_1379, %select_n3A_1387, %select_n3A_1395 : vector<1x128xi32>, vector<1x128xi32>, vector<1x128xi32>
    }
    %scan3A_999 = arith.constant 78 : i32
    %roll3A_1000 = arith.constant 127 : i32
    %roll3A_1001 = tpu.dynamic_rotate %scan3A_998#0 by %roll3A_1000 dim 1 : vector<1x128xi32>, i32 -> vector<1x128xi32>
    %ge3A_1002 = arith.constant 127 : i32
    %ge3A_1003 = vector.broadcast %ge3A_1002 : i32 to vector<1x128xi32>
    %ge3A_1004 = arith.cmpi sge, %iota3A, %ge3A_1003 : vector<1x128xi32>
    %select_n3A_1005 = arith.select %ge3A_1004, %broadcast_in_dim3A_911, %roll3A_1001 : vector<1x128xi1>, vector<1x128xi32>
    %roll3A_1006 = arith.constant 127 : i32
    %roll3A_1007 = tpu.dynamic_rotate %scan3A_998#1 by %roll3A_1006 dim 1 : vector<1x128xi32>, i32 -> vector<1x128xi32>
    %ge3A_1008 = arith.constant 127 : i32
    %ge3A_1009 = vector.broadcast %ge3A_1008 : i32 to vector<1x128xi32>
    %ge3A_1010 = arith.cmpi sge, %iota3A, %ge3A_1009 : vector<1x128xi32>
    %select_n3A_1011 = arith.select %ge3A_1010, %broadcast_in_dim3A_913, %roll3A_1007 : vector<1x128xi1>, vector<1x128xi32>
    %roll3A_1012 = arith.constant 127 : i32
    %roll3A_1013 = tpu.dynamic_rotate %scan3A_998#2 by %roll3A_1012 dim 1 : vector<1x128xi32>, i32 -> vector<1x128xi32>
    %ge3A_1014 = arith.constant 127 : i32
    %ge3A_1015 = vector.broadcast %ge3A_1014 : i32 to vector<1x128xi32>
    %ge3A_1016 = arith.cmpi sge, %iota3A, %ge3A_1015 : vector<1x128xi32>
    %select_n3A_1017 = arith.select %ge3A_1016, %broadcast_in_dim3A_915, %roll3A_1013 : vector<1x128xi1>, vector<1x128xi32>
    %eq3A_1018 = arith.constant 0 : i32
    %eq3A_1019 = vector.broadcast %eq3A_1018 : i32 to vector<1x128xi32>
    %eq3A_1020 = arith.cmpi eq, %select_n3A_1005, %eq3A_1019 : vector<1x128xi32>
    %eq3A_1021 = arith.constant 1 : i32
    %eq3A_1022 = vector.broadcast %eq3A_1021 : i32 to vector<1x128xi32>
    %eq3A_1023 = arith.cmpi eq, %select_n3A_1005, %eq3A_1022 : vector<1x128xi32>
    %select_n3A_1024 = arith.select %eq3A_1023, %scan3A_998#1, %scan3A_998#2 : vector<1x128xi1>, vector<1x128xi32>
    %select_n3A_1025 = arith.select %eq3A_1020, %scan3A_998#0, %select_n3A_1024 : vector<1x128xi1>, vector<1x128xi32>
    %eq3A_1026 = arith.constant 0 : i32
    %eq3A_1027 = vector.broadcast %eq3A_1026 : i32 to vector<1x128xi32>
    %eq3A_1028 = arith.cmpi eq, %select_n3A_1011, %eq3A_1027 : vector<1x128xi32>
    %eq3A_1029 = arith.constant 1 : i32
    %eq3A_1030 = vector.broadcast %eq3A_1029 : i32 to vector<1x128xi32>
    %eq3A_1031 = arith.cmpi eq, %select_n3A_1011, %eq3A_1030 : vector<1x128xi32>
    %select_n3A_1032 = arith.select %eq3A_1031, %scan3A_998#1, %scan3A_998#2 : vector<1x128xi1>, vector<1x128xi32>
    %select_n3A_1033 = arith.select %eq3A_1028, %scan3A_998#0, %select_n3A_1032 : vector<1x128xi1>, vector<1x128xi32>
    %eq3A_1034 = arith.constant 0 : i32
    %eq3A_1035 = vector.broadcast %eq3A_1034 : i32 to vector<1x128xi32>
    %eq3A_1036 = arith.cmpi eq, %select_n3A_1017, %eq3A_1035 : vector<1x128xi32>
    %eq3A_1037 = arith.constant 1 : i32
    %eq3A_1038 = vector.broadcast %eq3A_1037 : i32 to vector<1x128xi32>
    %eq3A_1039 = arith.cmpi eq, %select_n3A_1017, %eq3A_1038 : vector<1x128xi32>
    %select_n3A_1040 = arith.select %eq3A_1039, %scan3A_998#1, %scan3A_998#2 : vector<1x128xi1>, vector<1x128xi32>
    %select_n3A_1041 = arith.select %eq3A_1036, %scan3A_998#0, %select_n3A_1040 : vector<1x128xi1>, vector<1x128xi32>
    %roll3A_1042 = arith.constant 126 : i32
    %roll3A_1043 = tpu.dynamic_rotate %select_n3A_1025 by %roll3A_1042 dim 1 : vector<1x128xi32>, i32 -> vector<1x128xi32>
    %ge3A_1044 = arith.constant 126 : i32
    %ge3A_1045 = vector.broadcast %ge3A_1044 : i32 to vector<1x128xi32>
    %ge3A_1046 = arith.cmpi sge, %iota3A, %ge3A_1045 : vector<1x128xi32>
    %select_n3A_1047 = arith.select %ge3A_1046, %broadcast_in_dim3A_911, %roll3A_1043 : vector<1x128xi1>, vector<1x128xi32>
    %roll3A_1048 = arith.constant 126 : i32
    %roll3A_1049 = tpu.dynamic_rotate %select_n3A_1033 by %roll3A_1048 dim 1 : vector<1x128xi32>, i32 -> vector<1x128xi32>
    %ge3A_1050 = arith.constant 126 : i32
    %ge3A_1051 = vector.broadcast %ge3A_1050 : i32 to vector<1x128xi32>
    %ge3A_1052 = arith.cmpi sge, %iota3A, %ge3A_1051 : vector<1x128xi32>
    %select_n3A_1053 = arith.select %ge3A_1052, %broadcast_in_dim3A_913, %roll3A_1049 : vector<1x128xi1>, vector<1x128xi32>
    %roll3A_1054 = arith.constant 126 : i32
    %roll3A_1055 = tpu.dynamic_rotate %select_n3A_1041 by %roll3A_1054 dim 1 : vector<1x128xi32>, i32 -> vector<1x128xi32>
    %ge3A_1056 = arith.constant 126 : i32
    %ge3A_1057 = vector.broadcast %ge3A_1056 : i32 to vector<1x128xi32>
    %ge3A_1058 = arith.cmpi sge, %iota3A, %ge3A_1057 : vector<1x128xi32>
    %select_n3A_1059 = arith.select %ge3A_1058, %broadcast_in_dim3A_915, %roll3A_1055 : vector<1x128xi1>, vector<1x128xi32>
    %eq3A_1060 = arith.constant 0 : i32
    %eq3A_1061 = vector.broadcast %eq3A_1060 : i32 to vector<1x128xi32>
    %eq3A_1062 = arith.cmpi eq, %select_n3A_1047, %eq3A_1061 : vector<1x128xi32>
    %eq3A_1063 = arith.constant 1 : i32
    %eq3A_1064 = vector.broadcast %eq3A_1063 : i32 to vector<1x128xi32>
    %eq3A_1065 = arith.cmpi eq, %select_n3A_1047, %eq3A_1064 : vector<1x128xi32>
    %select_n3A_1066 = arith.select %eq3A_1065, %select_n3A_1033, %select_n3A_1041 : vector<1x128xi1>, vector<1x128xi32>
    %select_n3A_1067 = arith.select %eq3A_1062, %select_n3A_1025, %select_n3A_1066 : vector<1x128xi1>, vector<1x128xi32>
    %eq3A_1068 = arith.constant 0 : i32
    %eq3A_1069 = vector.broadcast %eq3A_1068 : i32 to vector<1x128xi32>
    %eq3A_1070 = arith.cmpi eq, %select_n3A_1053, %eq3A_1069 : vector<1x128xi32>
    %eq3A_1071 = arith.constant 1 : i32
    %eq3A_1072 = vector.broadcast %eq3A_1071 : i32 to vector<1x128xi32>
    %eq3A_1073 = arith.cmpi eq, %select_n3A_1053, %eq3A_1072 : vector<1x128xi32>
    %select_n3A_1074 = arith.select %eq3A_1073, %select_n3A_1033, %select_n3A_1041 : vector<1x128xi1>, vector<1x128xi32>
    %select_n3A_1075 = arith.select %eq3A_1070, %select_n3A_1025, %select_n3A_1074 : vector<1x128xi1>, vector<1x128xi32>
    %eq3A_1076 = arith.constant 0 : i32
    %eq3A_1077 = vector.broadcast %eq3A_1076 : i32 to vector<1x128xi32>
    %eq3A_1078 = arith.cmpi eq, %select_n3A_1059, %eq3A_1077 : vector<1x128xi32>
    %eq3A_1079 = arith.constant 1 : i32
    %eq3A_1080 = vector.broadcast %eq3A_1079 : i32 to vector<1x128xi32>
    %eq3A_1081 = arith.cmpi eq, %select_n3A_1059, %eq3A_1080 : vector<1x128xi32>
    %select_n3A_1082 = arith.select %eq3A_1081, %select_n3A_1033, %select_n3A_1041 : vector<1x128xi1>, vector<1x128xi32>
    %select_n3A_1083 = arith.select %eq3A_1078, %select_n3A_1025, %select_n3A_1082 : vector<1x128xi1>, vector<1x128xi32>
    %roll3A_1084 = arith.constant 124 : i32
    %roll3A_1085 = tpu.dynamic_rotate %select_n3A_1067 by %roll3A_1084 dim 1 : vector<1x128xi32>, i32 -> vector<1x128xi32>
    %ge3A_1086 = arith.constant 124 : i32
    %ge3A_1087 = vector.broadcast %ge3A_1086 : i32 to vector<1x128xi32>
    %ge3A_1088 = arith.cmpi sge, %iota3A, %ge3A_1087 : vector<1x128xi32>
    %select_n3A_1089 = arith.select %ge3A_1088, %broadcast_in_dim3A_911, %roll3A_1085 : vector<1x128xi1>, vector<1x128xi32>
    %roll3A_1090 = arith.constant 124 : i32
    %roll3A_1091 = tpu.dynamic_rotate %select_n3A_1075 by %roll3A_1090 dim 1 : vector<1x128xi32>, i32 -> vector<1x128xi32>
    %ge3A_1092 = arith.constant 124 : i32
    %ge3A_1093 = vector.broadcast %ge3A_1092 : i32 to vector<1x128xi32>
    %ge3A_1094 = arith.cmpi sge, %iota3A, %ge3A_1093 : vector<1x128xi32>
    %select_n3A_1095 = arith.select %ge3A_1094, %broadcast_in_dim3A_913, %roll3A_1091 : vector<1x128xi1>, vector<1x128xi32>
    %roll3A_1096 = arith.constant 124 : i32
    %roll3A_1097 = tpu.dynamic_rotate %select_n3A_1083 by %roll3A_1096 dim 1 : vector<1x128xi32>, i32 -> vector<1x128xi32>
    %ge3A_1098 = arith.constant 124 : i32
    %ge3A_1099 = vector.broadcast %ge3A_1098 : i32 to vector<1x128xi32>
    %ge3A_1100 = arith.cmpi sge, %iota3A, %ge3A_1099 : vector<1x128xi32>
    %select_n3A_1101 = arith.select %ge3A_1100, %broadcast_in_dim3A_915, %roll3A_1097 : vector<1x128xi1>, vector<1x128xi32>
    %eq3A_1102 = arith.constant 0 : i32
    %eq3A_1103 = vector.broadcast %eq3A_1102 : i32 to vector<1x128xi32>
    %eq3A_1104 = arith.cmpi eq, %select_n3A_1089, %eq3A_1103 : vector<1x128xi32>
    %eq3A_1105 = arith.constant 1 : i32
    %eq3A_1106 = vector.broadcast %eq3A_1105 : i32 to vector<1x128xi32>
    %eq3A_1107 = arith.cmpi eq, %select_n3A_1089, %eq3A_1106 : vector<1x128xi32>
    %select_n3A_1108 = arith.select %eq3A_1107, %select_n3A_1075, %select_n3A_1083 : vector<1x128xi1>, vector<1x128xi32>
    %select_n3A_1109 = arith.select %eq3A_1104, %select_n3A_1067, %select_n3A_1108 : vector<1x128xi1>, vector<1x128xi32>
    %eq3A_1110 = arith.constant 0 : i32
    %eq3A_1111 = vector.broadcast %eq3A_1110 : i32 to vector<1x128xi32>
    %eq3A_1112 = arith.cmpi eq, %select_n3A_1095, %eq3A_1111 : vector<1x128xi32>
    %eq3A_1113 = arith.constant 1 : i32
    %eq3A_1114 = vector.broadcast %eq3A_1113 : i32 to vector<1x128xi32>
    %eq3A_1115 = arith.cmpi eq, %select_n3A_1095, %eq3A_1114 : vector<1x128xi32>
    %select_n3A_1116 = arith.select %eq3A_1115, %select_n3A_1075, %select_n3A_1083 : vector<1x128xi1>, vector<1x128xi32>
    %select_n3A_1117 = arith.select %eq3A_1112, %select_n3A_1067, %select_n3A_1116 : vector<1x128xi1>, vector<1x128xi32>
    %eq3A_1118 = arith.constant 0 : i32
    %eq3A_1119 = vector.broadcast %eq3A_1118 : i32 to vector<1x128xi32>
    %eq3A_1120 = arith.cmpi eq, %select_n3A_1101, %eq3A_1119 : vector<1x128xi32>
    %eq3A_1121 = arith.constant 1 : i32
    %eq3A_1122 = vector.broadcast %eq3A_1121 : i32 to vector<1x128xi32>
    %eq3A_1123 = arith.cmpi eq, %select_n3A_1101, %eq3A_1122 : vector<1x128xi32>
    %select_n3A_1124 = arith.select %eq3A_1123, %select_n3A_1075, %select_n3A_1083 : vector<1x128xi1>, vector<1x128xi32>
    %select_n3A_1125 = arith.select %eq3A_1120, %select_n3A_1067, %select_n3A_1124 : vector<1x128xi1>, vector<1x128xi32>
    %roll3A_1126 = arith.constant 120 : i32
    %roll3A_1127 = tpu.dynamic_rotate %select_n3A_1109 by %roll3A_1126 dim 1 : vector<1x128xi32>, i32 -> vector<1x128xi32>
    %ge3A_1128 = arith.constant 120 : i32
    %ge3A_1129 = vector.broadcast %ge3A_1128 : i32 to vector<1x128xi32>
    %ge3A_1130 = arith.cmpi sge, %iota3A, %ge3A_1129 : vector<1x128xi32>
    %select_n3A_1131 = arith.select %ge3A_1130, %broadcast_in_dim3A_911, %roll3A_1127 : vector<1x128xi1>, vector<1x128xi32>
    %roll3A_1132 = arith.constant 120 : i32
    %roll3A_1133 = tpu.dynamic_rotate %select_n3A_1117 by %roll3A_1132 dim 1 : vector<1x128xi32>, i32 -> vector<1x128xi32>
    %ge3A_1134 = arith.constant 120 : i32
    %ge3A_1135 = vector.broadcast %ge3A_1134 : i32 to vector<1x128xi32>
    %ge3A_1136 = arith.cmpi sge, %iota3A, %ge3A_1135 : vector<1x128xi32>
    %select_n3A_1137 = arith.select %ge3A_1136, %broadcast_in_dim3A_913, %roll3A_1133 : vector<1x128xi1>, vector<1x128xi32>
    %roll3A_1138 = arith.constant 120 : i32
    %roll3A_1139 = tpu.dynamic_rotate %select_n3A_1125 by %roll3A_1138 dim 1 : vector<1x128xi32>, i32 -> vector<1x128xi32>
    %ge3A_1140 = arith.constant 120 : i32
    %ge3A_1141 = vector.broadcast %ge3A_1140 : i32 to vector<1x128xi32>
    %ge3A_1142 = arith.cmpi sge, %iota3A, %ge3A_1141 : vector<1x128xi32>
    %select_n3A_1143 = arith.select %ge3A_1142, %broadcast_in_dim3A_915, %roll3A_1139 : vector<1x128xi1>, vector<1x128xi32>
    %eq3A_1144 = arith.constant 0 : i32
    %eq3A_1145 = vector.broadcast %eq3A_1144 : i32 to vector<1x128xi32>
    %eq3A_1146 = arith.cmpi eq, %select_n3A_1131, %eq3A_1145 : vector<1x128xi32>
    %eq3A_1147 = arith.constant 1 : i32
    %eq3A_1148 = vector.broadcast %eq3A_1147 : i32 to vector<1x128xi32>
    %eq3A_1149 = arith.cmpi eq, %select_n3A_1131, %eq3A_1148 : vector<1x128xi32>
    %select_n3A_1150 = arith.select %eq3A_1149, %select_n3A_1117, %select_n3A_1125 : vector<1x128xi1>, vector<1x128xi32>
    %select_n3A_1151 = arith.select %eq3A_1146, %select_n3A_1109, %select_n3A_1150 : vector<1x128xi1>, vector<1x128xi32>
    %eq3A_1152 = arith.constant 0 : i32
    %eq3A_1153 = vector.broadcast %eq3A_1152 : i32 to vector<1x128xi32>
    %eq3A_1154 = arith.cmpi eq, %select_n3A_1137, %eq3A_1153 : vector<1x128xi32>
    %eq3A_1155 = arith.constant 1 : i32
    %eq3A_1156 = vector.broadcast %eq3A_1155 : i32 to vector<1x128xi32>
    %eq3A_1157 = arith.cmpi eq, %select_n3A_1137, %eq3A_1156 : vector<1x128xi32>
    %select_n3A_1158 = arith.select %eq3A_1157, %select_n3A_1117, %select_n3A_1125 : vector<1x128xi1>, vector<1x128xi32>
    %select_n3A_1159 = arith.select %eq3A_1154, %select_n3A_1109, %select_n3A_1158 : vector<1x128xi1>, vector<1x128xi32>
    %eq3A_1160 = arith.constant 0 : i32
    %eq3A_1161 = vector.broadcast %eq3A_1160 : i32 to vector<1x128xi32>
    %eq3A_1162 = arith.cmpi eq, %select_n3A_1143, %eq3A_1161 : vector<1x128xi32>
    %eq3A_1163 = arith.constant 1 : i32
    %eq3A_1164 = vector.broadcast %eq3A_1163 : i32 to vector<1x128xi32>
    %eq3A_1165 = arith.cmpi eq, %select_n3A_1143, %eq3A_1164 : vector<1x128xi32>
    %select_n3A_1166 = arith.select %eq3A_1165, %select_n3A_1117, %select_n3A_1125 : vector<1x128xi1>, vector<1x128xi32>
    %select_n3A_1167 = arith.select %eq3A_1162, %select_n3A_1109, %select_n3A_1166 : vector<1x128xi1>, vector<1x128xi32>
    %roll3A_1168 = arith.constant 112 : i32
    %roll3A_1169 = tpu.dynamic_rotate %select_n3A_1151 by %roll3A_1168 dim 1 : vector<1x128xi32>, i32 -> vector<1x128xi32>
    %ge3A_1170 = arith.constant 112 : i32
    %ge3A_1171 = vector.broadcast %ge3A_1170 : i32 to vector<1x128xi32>
    %ge3A_1172 = arith.cmpi sge, %iota3A, %ge3A_1171 : vector<1x128xi32>
    %select_n3A_1173 = arith.select %ge3A_1172, %broadcast_in_dim3A_911, %roll3A_1169 : vector<1x128xi1>, vector<1x128xi32>
    %roll3A_1174 = arith.constant 112 : i32
    %roll3A_1175 = tpu.dynamic_rotate %select_n3A_1159 by %roll3A_1174 dim 1 : vector<1x128xi32>, i32 -> vector<1x128xi32>
    %ge3A_1176 = arith.constant 112 : i32
    %ge3A_1177 = vector.broadcast %ge3A_1176 : i32 to vector<1x128xi32>
    %ge3A_1178 = arith.cmpi sge, %iota3A, %ge3A_1177 : vector<1x128xi32>
    %select_n3A_1179 = arith.select %ge3A_1178, %broadcast_in_dim3A_913, %roll3A_1175 : vector<1x128xi1>, vector<1x128xi32>
    %roll3A_1180 = arith.constant 112 : i32
    %roll3A_1181 = tpu.dynamic_rotate %select_n3A_1167 by %roll3A_1180 dim 1 : vector<1x128xi32>, i32 -> vector<1x128xi32>
    %ge3A_1182 = arith.constant 112 : i32
    %ge3A_1183 = vector.broadcast %ge3A_1182 : i32 to vector<1x128xi32>
    %ge3A_1184 = arith.cmpi sge, %iota3A, %ge3A_1183 : vector<1x128xi32>
    %select_n3A_1185 = arith.select %ge3A_1184, %broadcast_in_dim3A_915, %roll3A_1181 : vector<1x128xi1>, vector<1x128xi32>
    %eq3A_1186 = arith.constant 0 : i32
    %eq3A_1187 = vector.broadcast %eq3A_1186 : i32 to vector<1x128xi32>
    %eq3A_1188 = arith.cmpi eq, %select_n3A_1173, %eq3A_1187 : vector<1x128xi32>
    %eq3A_1189 = arith.constant 1 : i32
    %eq3A_1190 = vector.broadcast %eq3A_1189 : i32 to vector<1x128xi32>
    %eq3A_1191 = arith.cmpi eq, %select_n3A_1173, %eq3A_1190 : vector<1x128xi32>
    %select_n3A_1192 = arith.select %eq3A_1191, %select_n3A_1159, %select_n3A_1167 : vector<1x128xi1>, vector<1x128xi32>
    %select_n3A_1193 = arith.select %eq3A_1188, %select_n3A_1151, %select_n3A_1192 : vector<1x128xi1>, vector<1x128xi32>
    %eq3A_1194 = arith.constant 0 : i32
    %eq3A_1195 = vector.broadcast %eq3A_1194 : i32 to vector<1x128xi32>
    %eq3A_1196 = arith.cmpi eq, %select_n3A_1179, %eq3A_1195 : vector<1x128xi32>
    %eq3A_1197 = arith.constant 1 : i32
    %eq3A_1198 = vector.broadcast %eq3A_1197 : i32 to vector<1x128xi32>
    %eq3A_1199 = arith.cmpi eq, %select_n3A_1179, %eq3A_1198 : vector<1x128xi32>
    %select_n3A_1200 = arith.select %eq3A_1199, %select_n3A_1159, %select_n3A_1167 : vector<1x128xi1>, vector<1x128xi32>
    %select_n3A_1201 = arith.select %eq3A_1196, %select_n3A_1151, %select_n3A_1200 : vector<1x128xi1>, vector<1x128xi32>
    %eq3A_1202 = arith.constant 0 : i32
    %eq3A_1203 = vector.broadcast %eq3A_1202 : i32 to vector<1x128xi32>
    %eq3A_1204 = arith.cmpi eq, %select_n3A_1185, %eq3A_1203 : vector<1x128xi32>
    %eq3A_1205 = arith.constant 1 : i32
    %eq3A_1206 = vector.broadcast %eq3A_1205 : i32 to vector<1x128xi32>
    %eq3A_1207 = arith.cmpi eq, %select_n3A_1185, %eq3A_1206 : vector<1x128xi32>
    %select_n3A_1208 = arith.select %eq3A_1207, %select_n3A_1159, %select_n3A_1167 : vector<1x128xi1>, vector<1x128xi32>
    %select_n3A_1209 = arith.select %eq3A_1204, %select_n3A_1151, %select_n3A_1208 : vector<1x128xi1>, vector<1x128xi32>
    %roll3A_1210 = arith.constant 96 : i32
    %roll3A_1211 = tpu.dynamic_rotate %select_n3A_1193 by %roll3A_1210 dim 1 : vector<1x128xi32>, i32 -> vector<1x128xi32>
    %ge3A_1212 = arith.constant 96 : i32
    %ge3A_1213 = vector.broadcast %ge3A_1212 : i32 to vector<1x128xi32>
    %ge3A_1214 = arith.cmpi sge, %iota3A, %ge3A_1213 : vector<1x128xi32>
    %select_n3A_1215 = arith.select %ge3A_1214, %broadcast_in_dim3A_911, %roll3A_1211 : vector<1x128xi1>, vector<1x128xi32>
    %roll3A_1216 = arith.constant 96 : i32
    %roll3A_1217 = tpu.dynamic_rotate %select_n3A_1201 by %roll3A_1216 dim 1 : vector<1x128xi32>, i32 -> vector<1x128xi32>
    %ge3A_1218 = arith.constant 96 : i32
    %ge3A_1219 = vector.broadcast %ge3A_1218 : i32 to vector<1x128xi32>
    %ge3A_1220 = arith.cmpi sge, %iota3A, %ge3A_1219 : vector<1x128xi32>
    %select_n3A_1221 = arith.select %ge3A_1220, %broadcast_in_dim3A_913, %roll3A_1217 : vector<1x128xi1>, vector<1x128xi32>
    %roll3A_1222 = arith.constant 96 : i32
    %roll3A_1223 = tpu.dynamic_rotate %select_n3A_1209 by %roll3A_1222 dim 1 : vector<1x128xi32>, i32 -> vector<1x128xi32>
    %ge3A_1224 = arith.constant 96 : i32
    %ge3A_1225 = vector.broadcast %ge3A_1224 : i32 to vector<1x128xi32>
    %ge3A_1226 = arith.cmpi sge, %iota3A, %ge3A_1225 : vector<1x128xi32>
    %select_n3A_1227 = arith.select %ge3A_1226, %broadcast_in_dim3A_915, %roll3A_1223 : vector<1x128xi1>, vector<1x128xi32>
    %eq3A_1228 = arith.constant 0 : i32
    %eq3A_1229 = vector.broadcast %eq3A_1228 : i32 to vector<1x128xi32>
    %eq3A_1230 = arith.cmpi eq, %select_n3A_1215, %eq3A_1229 : vector<1x128xi32>
    %eq3A_1231 = arith.constant 1 : i32
    %eq3A_1232 = vector.broadcast %eq3A_1231 : i32 to vector<1x128xi32>
    %eq3A_1233 = arith.cmpi eq, %select_n3A_1215, %eq3A_1232 : vector<1x128xi32>
    %select_n3A_1234 = arith.select %eq3A_1233, %select_n3A_1201, %select_n3A_1209 : vector<1x128xi1>, vector<1x128xi32>
    %select_n3A_1235 = arith.select %eq3A_1230, %select_n3A_1193, %select_n3A_1234 : vector<1x128xi1>, vector<1x128xi32>
    %eq3A_1236 = arith.constant 0 : i32
    %eq3A_1237 = vector.broadcast %eq3A_1236 : i32 to vector<1x128xi32>
    %eq3A_1238 = arith.cmpi eq, %select_n3A_1221, %eq3A_1237 : vector<1x128xi32>
    %eq3A_1239 = arith.constant 1 : i32
    %eq3A_1240 = vector.broadcast %eq3A_1239 : i32 to vector<1x128xi32>
    %eq3A_1241 = arith.cmpi eq, %select_n3A_1221, %eq3A_1240 : vector<1x128xi32>
    %select_n3A_1242 = arith.select %eq3A_1241, %select_n3A_1201, %select_n3A_1209 : vector<1x128xi1>, vector<1x128xi32>
    %select_n3A_1243 = arith.select %eq3A_1238, %select_n3A_1193, %select_n3A_1242 : vector<1x128xi1>, vector<1x128xi32>
    %eq3A_1244 = arith.constant 0 : i32
    %eq3A_1245 = vector.broadcast %eq3A_1244 : i32 to vector<1x128xi32>
    %eq3A_1246 = arith.cmpi eq, %select_n3A_1227, %eq3A_1245 : vector<1x128xi32>
    %eq3A_1247 = arith.constant 1 : i32
    %eq3A_1248 = vector.broadcast %eq3A_1247 : i32 to vector<1x128xi32>
    %eq3A_1249 = arith.cmpi eq, %select_n3A_1227, %eq3A_1248 : vector<1x128xi32>
    %select_n3A_1250 = arith.select %eq3A_1249, %select_n3A_1201, %select_n3A_1209 : vector<1x128xi1>, vector<1x128xi32>
    %select_n3A_1251 = arith.select %eq3A_1246, %select_n3A_1193, %select_n3A_1250 : vector<1x128xi1>, vector<1x128xi32>
    %roll3A_1252 = arith.constant 64 : i32
    %roll3A_1253 = tpu.dynamic_rotate %select_n3A_1235 by %roll3A_1252 dim 1 : vector<1x128xi32>, i32 -> vector<1x128xi32>
    %ge3A_1254 = arith.constant 64 : i32
    %ge3A_1255 = vector.broadcast %ge3A_1254 : i32 to vector<1x128xi32>
    %ge3A_1256 = arith.cmpi sge, %iota3A, %ge3A_1255 : vector<1x128xi32>
    %select_n3A_1257 = arith.select %ge3A_1256, %broadcast_in_dim3A_911, %roll3A_1253 : vector<1x128xi1>, vector<1x128xi32>
    %roll3A_1258 = arith.constant 64 : i32
    %roll3A_1259 = tpu.dynamic_rotate %select_n3A_1243 by %roll3A_1258 dim 1 : vector<1x128xi32>, i32 -> vector<1x128xi32>
    %ge3A_1260 = arith.constant 64 : i32
    %ge3A_1261 = vector.broadcast %ge3A_1260 : i32 to vector<1x128xi32>
    %ge3A_1262 = arith.cmpi sge, %iota3A, %ge3A_1261 : vector<1x128xi32>
    %select_n3A_1263 = arith.select %ge3A_1262, %broadcast_in_dim3A_913, %roll3A_1259 : vector<1x128xi1>, vector<1x128xi32>
    %roll3A_1264 = arith.constant 64 : i32
    %roll3A_1265 = tpu.dynamic_rotate %select_n3A_1251 by %roll3A_1264 dim 1 : vector<1x128xi32>, i32 -> vector<1x128xi32>
    %ge3A_1266 = arith.constant 64 : i32
    %ge3A_1267 = vector.broadcast %ge3A_1266 : i32 to vector<1x128xi32>
    %ge3A_1268 = arith.cmpi sge, %iota3A, %ge3A_1267 : vector<1x128xi32>
    %select_n3A_1269 = arith.select %ge3A_1268, %broadcast_in_dim3A_915, %roll3A_1265 : vector<1x128xi1>, vector<1x128xi32>
    %eq3A_1270 = arith.constant 0 : i32
    %eq3A_1271 = vector.broadcast %eq3A_1270 : i32 to vector<1x128xi32>
    %eq3A_1272 = arith.cmpi eq, %select_n3A_1257, %eq3A_1271 : vector<1x128xi32>
    %eq3A_1273 = arith.constant 1 : i32
    %eq3A_1274 = vector.broadcast %eq3A_1273 : i32 to vector<1x128xi32>
    %eq3A_1275 = arith.cmpi eq, %select_n3A_1257, %eq3A_1274 : vector<1x128xi32>
    %select_n3A_1276 = arith.select %eq3A_1275, %select_n3A_1243, %select_n3A_1251 : vector<1x128xi1>, vector<1x128xi32>
    %select_n3A_1277 = arith.select %eq3A_1272, %select_n3A_1235, %select_n3A_1276 : vector<1x128xi1>, vector<1x128xi32>
    %eq3A_1278 = arith.constant 0 : i32
    %eq3A_1279 = vector.broadcast %eq3A_1278 : i32 to vector<1x128xi32>
    %eq3A_1280 = arith.cmpi eq, %select_n3A_1263, %eq3A_1279 : vector<1x128xi32>
    %eq3A_1281 = arith.constant 1 : i32
    %eq3A_1282 = vector.broadcast %eq3A_1281 : i32 to vector<1x128xi32>
    %eq3A_1283 = arith.cmpi eq, %select_n3A_1263, %eq3A_1282 : vector<1x128xi32>
    %select_n3A_1284 = arith.select %eq3A_1283, %select_n3A_1243, %select_n3A_1251 : vector<1x128xi1>, vector<1x128xi32>
    %select_n3A_1285 = arith.select %eq3A_1280, %select_n3A_1235, %select_n3A_1284 : vector<1x128xi1>, vector<1x128xi32>
    %eq3A_1286 = arith.constant 0 : i32
    %eq3A_1287 = vector.broadcast %eq3A_1286 : i32 to vector<1x128xi32>
    %eq3A_1288 = arith.cmpi eq, %select_n3A_1269, %eq3A_1287 : vector<1x128xi32>
    %eq3A_1289 = arith.constant 1 : i32
    %eq3A_1290 = vector.broadcast %eq3A_1289 : i32 to vector<1x128xi32>
    %eq3A_1291 = arith.cmpi eq, %select_n3A_1269, %eq3A_1290 : vector<1x128xi32>
    %select_n3A_1292 = arith.select %eq3A_1291, %select_n3A_1243, %select_n3A_1251 : vector<1x128xi1>, vector<1x128xi32>
    %select_n3A_1293 = arith.select %eq3A_1288, %select_n3A_1235, %select_n3A_1292 : vector<1x128xi1>, vector<1x128xi32>
    %roll3A_1294 = arith.constant 127 : i32
    %roll3A_1295 = tpu.dynamic_rotate %select_n3A_1277 by %roll3A_1294 dim 1 : vector<1x128xi32>, i32 -> vector<1x128xi32>
    %eq3A_1296 = arith.constant 127 : i32
    %eq3A_1297 = vector.broadcast %eq3A_1296 : i32 to vector<1x128xi32>
    %eq3A_1298 = arith.cmpi eq, %iota3A, %eq3A_1297 : vector<1x128xi32>
    %select_n3A_1299 = arith.select %eq3A_1298, %broadcast_in_dim3A_911, %roll3A_1295 : vector<1x128xi1>, vector<1x128xi32>
    %roll3A_1300 = arith.constant 127 : i32
    %roll3A_1301 = tpu.dynamic_rotate %select_n3A_1285 by %roll3A_1300 dim 1 : vector<1x128xi32>, i32 -> vector<1x128xi32>
    %eq3A_1302 = arith.constant 127 : i32
    %eq3A_1303 = vector.broadcast %eq3A_1302 : i32 to vector<1x128xi32>
    %eq3A_1304 = arith.cmpi eq, %iota3A, %eq3A_1303 : vector<1x128xi32>
    %select_n3A_1305 = arith.select %eq3A_1304, %broadcast_in_dim3A_913, %roll3A_1301 : vector<1x128xi1>, vector<1x128xi32>
    %roll3A_1306 = arith.constant 127 : i32
    %roll3A_1307 = tpu.dynamic_rotate %select_n3A_1293 by %roll3A_1306 dim 1 : vector<1x128xi32>, i32 -> vector<1x128xi32>
    %eq3A_1308 = arith.constant 127 : i32
    %eq3A_1309 = vector.broadcast %eq3A_1308 : i32 to vector<1x128xi32>
    %eq3A_1310 = arith.cmpi eq, %iota3A, %eq3A_1309 : vector<1x128xi32>
    %select_n3A_1311 = arith.select %eq3A_1310, %broadcast_in_dim3A_915, %roll3A_1307 : vector<1x128xi1>, vector<1x128xi32>
    %broadcast_in_dim3A_1312 = arith.constant 1 : i32
    %broadcast_in_dim3A_1313 = vector.broadcast %broadcast_in_dim3A_1312 : i32 to vector<1x128xi32>
    %mul3A_1314 = vector.broadcast %reduce_sum3A_933 : i32 to vector<1x128xi32>
    %mul3A_1315 = arith.muli %broadcast_in_dim3A_1313, %mul3A_1314 : vector<1x128xi32>
    %eq3A_1316 = arith.constant 0 : i32
    %eq3A_1317 = vector.broadcast %eq3A_1316 : i32 to vector<1x128xi32>
    %eq3A_1318 = arith.cmpi eq, %mul3A_1315, %eq3A_1317 : vector<1x128xi32>
    %eq3A_1319 = arith.constant 1 : i32
    %eq3A_1320 = vector.broadcast %eq3A_1319 : i32 to vector<1x128xi32>
    %eq3A_1321 = arith.cmpi eq, %mul3A_1315, %eq3A_1320 : vector<1x128xi32>
    %select_n3A_1322 = arith.select %eq3A_1321, %select_n3A_1305, %select_n3A_1311 : vector<1x128xi1>, vector<1x128xi32>
    %select_n3A_1323 = arith.select %eq3A_1318, %select_n3A_1299, %select_n3A_1322 : vector<1x128xi1>, vector<1x128xi32>
    %eq3A_1324 = arith.constant 0 : i32
    %eq3A_1325 = vector.broadcast %eq3A_1324 : i32 to vector<1x128xi32>
    %eq3A_1326 = arith.cmpi eq, %select_n3A_1323, %eq3A_1325 : vector<1x128xi32>
    %get3A_1327 = arith.constant 0 : index
    %get3A_1328 = arith.constant 0 : index
    %get3A_1329 = vector.load %arg5[%get3A_1327, %get3A_1328] : memref<79x128xi32, #tpu.memory_space<vmem>>, vector<79x128xi32>
    %eq3A_1330 = arith.constant 1 : i32
    %eq3A_1331 = vector.broadcast %eq3A_1330 : i32 to vector<1x128xi32>
    %eq3A_1332 = arith.cmpi eq, %select_n3A_1323, %eq3A_1331 : vector<1x128xi32>
    %get3A_1333 = arith.constant 0 : index
    %get3A_1334 = arith.constant 0 : index
    %get3A_1335 = vector.load %arg6[%get3A_1333, %get3A_1334] : memref<79x128xi32, #tpu.memory_space<vmem>>, vector<79x128xi32>
    %get3A_1336 = arith.constant 0 : index
    %get3A_1337 = arith.constant 0 : index
    %get3A_1338 = vector.load %arg7[%get3A_1336, %get3A_1337] : memref<79x128xi32, #tpu.memory_space<vmem>>, vector<79x128xi32>
    %broadcast_in_dim3A_1339 = vector.shape_cast %eq3A_1332 : vector<1x128xi1> to vector<1x128xi1>
    %broadcast_in_dim3A_1340 = vector.broadcast %broadcast_in_dim3A_1339 : vector<1x128xi1> to vector<79x128xi1>
    %select_n3A_1341 = arith.select %broadcast_in_dim3A_1340, %get3A_1335, %get3A_1338 : vector<79x128xi1>, vector<79x128xi32>
    %broadcast_in_dim3A_1342 = vector.shape_cast %eq3A_1326 : vector<1x128xi1> to vector<1x128xi1>
    %broadcast_in_dim3A_1343 = vector.broadcast %broadcast_in_dim3A_1342 : vector<1x128xi1> to vector<79x128xi1>
    %select_n3A_1344 = arith.select %broadcast_in_dim3A_1343, %get3A_1329, %select_n3A_1341 : vector<79x128xi1>, vector<79x128xi32>
    %add3A_1345 = arith.constant 1 : i32
    %add3A_1346 = vector.broadcast %add3A_1345 : i32 to vector<79x128xi32>
    %add3A_1347 = arith.addi %select_n3A_1344, %add3A_1346 : vector<79x128xi32>
    %convert_element_type3A = arith.sitofp %add3A_1347 : vector<79x128xi32> to vector<79x128xf32>
    %swap3A_1348 = arith.constant 0 : index
    %swap3A_1349 = arith.constant 0 : index
    %swap3A_1350 = vector.load %arg1[%swap3A_1348, %swap3A_1349] : memref<79x128xf32, #tpu.memory_space<vmem>>, vector<79x128xf32>
    tpu.vector_store %arg1[%swap3A_1348, %swap3A_1349], %convert_element_type3A {strides = array<i32>} : memref<79x128xf32, #tpu.memory_space<vmem>>, vector<79x128xf32>,
    return
  }
}

module attributes {stable_mosaic.version = 14 : i64} {
  func.func @_tail_kernel(%arg0: memref<10000x128xf32, #tpu.memory_space<vmem>>, %arg1: memref<10000x128xf32, #tpu.memory_space<vmem>>, %arg2: memref<10000x1xf32, #tpu.memory_space<vmem>>, %arg3: memref<10000x128xf32, #tpu.memory_space<vmem>>, %arg4: memref<1x1xf32, #tpu.memory_space<vmem>>) attributes {dimension_semantics = [], scalar_prefetch = 0 : i64, scratch_operands = 0 : i64, tpu.core_type = #tpu.core_type<tc>} {
    %get3A = arith.constant 0 : index
    %get3A_0 = arith.constant 0 : index
    %get3A_1 = vector.load %arg0[%get3A, %get3A_0] : memref<10000x128xf32, #tpu.memory_space<vmem>>, vector<10000x128xf32>
    %get3A_2 = arith.constant 0 : index
    %get3A_3 = arith.constant 0 : index
    %get3A_4 = vector.load %arg2[%get3A_2, %get3A_3] : memref<10000x1xf32, #tpu.memory_space<vmem>>, vector<10000x1xf32>
    %reduce_sum3A = arith.constant dense<0.000000e+00> : vector<10000xf32>
    %reduce_sum3A_5 = vector.multi_reduction <add>, %get3A_1, %reduce_sum3A [1] : vector<10000x128xf32> to vector<10000xf32>
    %broadcast_in_dim3A = vector.shape_cast %reduce_sum3A_5 : vector<10000xf32> to vector<10000x1xf32>
    %get3A_6 = arith.constant 0 : index
    %get3A_7 = arith.constant 0 : index
    %get3A_8 = vector.load %arg1[%get3A_6, %get3A_7] : memref<10000x128xf32, #tpu.memory_space<vmem>>, vector<10000x128xf32>
    %reduce_sum3A_9 = arith.constant dense<0.000000e+00> : vector<10000xf32>
    %reduce_sum3A_10 = vector.multi_reduction <add>, %get3A_8, %reduce_sum3A_9 [1] : vector<10000x128xf32> to vector<10000xf32>
    %broadcast_in_dim3A_11 = vector.shape_cast %reduce_sum3A_10 : vector<10000xf32> to vector<10000x1xf32>
    %mul3A = arith.mulf %get3A_4, %broadcast_in_dim3A_11 : vector<10000x1xf32>
    %mul3A_12 = arith.mulf %get3A_4, %broadcast_in_dim3A : vector<10000x1xf32>
    %add3A = arith.constant 9.99999993E-9 : f32
    %add3A_13 = vector.broadcast %add3A : f32 to vector<10000x1xf32>
    %add3A_14 = arith.addf %mul3A_12, %add3A_13 : vector<10000x1xf32>
    %div3A = arith.divf %mul3A, %add3A_14 : vector<10000x1xf32>
    %reduce_min3A = arith.constant dense<0x7F800000> : vector<10000xf32>
    %reduce_min3A_15 = vector.multi_reduction <minimumf>, %get3A_1, %reduce_min3A [1] : vector<10000x128xf32> to vector<10000xf32>
    %broadcast_in_dim3A_16 = vector.shape_cast %reduce_min3A_15 : vector<10000xf32> to vector<10000x1xf32>
    %reduce_max3A = arith.constant dense<0xFF800000> : vector<10000xf32>
    %reduce_max3A_17 = vector.multi_reduction <maximumf>, %get3A_1, %reduce_max3A [1] : vector<10000x128xf32> to vector<10000xf32>
    %broadcast_in_dim3A_18 = vector.shape_cast %reduce_max3A_17 : vector<10000xf32> to vector<10000x1xf32>
    %mul3A_19 = arith.mulf %div3A, %broadcast_in_dim3A_16 : vector<10000x1xf32>
    %mul3A_20 = arith.mulf %div3A, %broadcast_in_dim3A_18 : vector<10000x1xf32>
    %min3A = arith.minimumf %mul3A_19, %mul3A_20 : vector<10000x1xf32>
    %reduce_min3A_21 = vector.shape_cast %min3A : vector<10000x1xf32> to vector<1x10000x1xf32>
    %reduce_min3A_22 = arith.constant dense<0x7F800000> : vector<1xf32>
    %reduce_min3A_23 = vector.multi_reduction <minimumf>, %reduce_min3A_21, %reduce_min3A_22 [1, 2] : vector<1x10000x1xf32> to vector<1xf32>
    %reduce_min3A_24 = vector.shape_cast %reduce_min3A_23 : vector<1xf32> to vector<1x1x1xf32>
    %reduce_min3A_25 = vector.extract %reduce_min3A_24[0, 0, 0] : f32 from vector<1x1x1xf32>
    %mul3A_26 = arith.mulf %div3A, %broadcast_in_dim3A_16 : vector<10000x1xf32>
    %mul3A_27 = arith.mulf %div3A, %broadcast_in_dim3A_18 : vector<10000x1xf32>
    %max3A = arith.maximumf %mul3A_26, %mul3A_27 : vector<10000x1xf32>
    %reduce_max3A_28 = vector.shape_cast %max3A : vector<10000x1xf32> to vector<1x10000x1xf32>
    %reduce_max3A_29 = arith.constant dense<0xFF800000> : vector<1xf32>
    %reduce_max3A_30 = vector.multi_reduction <maximumf>, %reduce_max3A_28, %reduce_max3A_29 [1, 2] : vector<1x10000x1xf32> to vector<1xf32>
    %reduce_max3A_31 = vector.shape_cast %reduce_max3A_30 : vector<1xf32> to vector<1x1x1xf32>
    %reduce_max3A_32 = vector.extract %reduce_max3A_31[0, 0, 0] : f32 from vector<1x1x1xf32>
    %mul3A_33 = arith.mulf %div3A, %broadcast_in_dim3A : vector<10000x1xf32>
    %reduce_sum3A_34 = vector.shape_cast %mul3A_33 : vector<10000x1xf32> to vector<1x10000x1xf32>
    %reduce_sum3A_35 = arith.constant dense<0.000000e+00> : vector<1xf32>
    %reduce_sum3A_36 = vector.multi_reduction <add>, %reduce_sum3A_34, %reduce_sum3A_35 [1, 2] : vector<1x10000x1xf32> to vector<1xf32>
    %reduce_sum3A_37 = vector.shape_cast %reduce_sum3A_36 : vector<1xf32> to vector<1x1x1xf32>
    %reduce_sum3A_38 = vector.extract %reduce_sum3A_37[0, 0, 0] : f32 from vector<1x1x1xf32>
    %div3A_39 = arith.constant 1.280000e+06 : f32
    %div3A_40 = arith.divf %reduce_sum3A_38, %div3A_39 : f32
    %mul3A_41 = arith.constant 8.000000e-01 : f32
    %mul3A_42 = arith.mulf %reduce_min3A_25, %mul3A_41 : f32
    %mul3A_43 = arith.constant 1.200000e+00 : f32
    %mul3A_44 = arith.mulf %reduce_max3A_32, %mul3A_43 : f32
    %sub3A = arith.subf %mul3A_44, %mul3A_42 : f32
    %sub3A_45 = arith.subf %reduce_max3A_32, %reduce_min3A_25 : f32
    %add3A_46 = arith.constant 9.99999993E-9 : f32
    %add3A_47 = arith.addf %sub3A_45, %add3A_46 : f32
    %div3A_48 = arith.divf %sub3A, %add3A_47 : f32
    %mul3A_49 = arith.mulf %reduce_min3A_25, %div3A_48 : f32
    %sub3A_50 = arith.subf %mul3A_42, %mul3A_49 : f32
    %mul3A_51 = arith.mulf %div3A_40, %div3A_48 : f32
    %add3A_52 = arith.addf %mul3A_51, %sub3A_50 : f32
    %div3A_53 = arith.divf %div3A_48, %add3A_52 : f32
    %mul3A_54 = vector.broadcast %div3A_53 : f32 to vector<10000x1xf32>
    %mul3A_55 = arith.mulf %div3A, %mul3A_54 : vector<10000x1xf32>
    %mul3A_56 = vector.broadcast %mul3A_55 : vector<10000x1xf32> to vector<10000x128xf32>
    %mul3A_57 = arith.mulf %get3A_1, %mul3A_56 : vector<10000x128xf32>
    %div3A_58 = arith.divf %sub3A_50, %add3A_52 : f32
    %add3A_59 = vector.broadcast %div3A_58 : f32 to vector<10000x128xf32>
    %add3A_60 = arith.addf %mul3A_57, %add3A_59 : vector<10000x128xf32>
    %swap3A = arith.constant 0 : index
    %swap3A_61 = arith.constant 0 : index
    %swap3A_62 = vector.load %arg3[%swap3A, %swap3A_61] : memref<10000x128xf32, #tpu.memory_space<vmem>>, vector<10000x128xf32>
    tpu.vector_store %arg3[%swap3A, %swap3A_61], %add3A_60 {strides = array<i32>} : memref<10000x128xf32, #tpu.memory_space<vmem>>, vector<10000x128xf32>,
    %mul3A_63 = arith.mulf %get3A_1, %get3A_1 : vector<10000x128xf32>
    %reduce_sum3A_64 = vector.shape_cast %mul3A_63 : vector<10000x128xf32> to vector<1x10000x128xf32>
    %reduce_sum3A_65 = arith.constant dense<0.000000e+00> : vector<1xf32>
    %reduce_sum3A_66 = vector.multi_reduction <add>, %reduce_sum3A_64, %reduce_sum3A_65 [1, 2] : vector<1x10000x128xf32> to vector<1xf32>
    %reduce_sum3A_67 = vector.shape_cast %reduce_sum3A_66 : vector<1xf32> to vector<1x1x1xf32>
    %reduce_sum3A_68 = vector.extract %reduce_sum3A_67[0, 0, 0] : f32 from vector<1x1x1xf32>
    %mul3A_69 = arith.constant 9.99999974E-5 : f32
    %mul3A_70 = arith.mulf %reduce_sum3A_68, %mul3A_69 : f32
    %reshape3A = vector.broadcast %mul3A_70 : f32 to vector<1x1xf32>
    %swap3A_71 = arith.constant 0 : index
    %swap3A_72 = arith.constant 0 : index
    %swap3A_73 = vector.load %arg4[%swap3A_71, %swap3A_72] : memref<1x1xf32, #tpu.memory_space<vmem>>, vector<1x1xf32>
    tpu.vector_store %arg4[%swap3A_71, %swap3A_72], %reshape3A {strides = array<i32>} : memref<1x1xf32, #tpu.memory_space<vmem>>, vector<1x1xf32>,
    return
  }
}

</mosaic_0001>

<sc_bundles>
// kernel: kernel.5.cloned.1.call-start
scs
__scs_entry_jumppad:
0x0: {  	(pc) =	sbr.rel $0x88, $3  }
0x1: {  	(tag) =	ssettag $0x0;
	lr =	simm.s32 $0x1  }
0x2: {  	[smem:$0x3F9E] =	sst lr;
	_ =	strace $0xD0000000  }
0x3: {  	_ = 	snop  }
0x4: {  	_ = 	snop  }
0x5: {  	_ = 	snop  }
0x6: {  	_ = 	snop  }
0x7: {  	_ = 	snop  }
__scs_overlays_trampoline_lowered:
0x8: {  	[smem:$0x3FAD] =	sst s0  }
0x9: {  	[smem:$0x3FAE] =	sst s1  }
0xa: {  	[smem:$0x3FAF] =	sst s2  }
0xb: {  	[smem:$0x3FB0] =	sst s3  }
0xc: {  	[smem:$0x3FB1] =	sst s4  }
0xd: {  	[smem:$0x3FB2] =	sst s5  }
0xe: {  	[smem:$0x3FB3] =	sst s6  }
0xf: {  	[smem:$0x3FB4] =	sst s7  }
0x10: {  	[smem:$0x3FB5] =	sst s8  }
0x11: {  	[smem:$0x3FB6] =	sst s9;
	s0 =	simm.s32 @!p0 $0x0  }
0x12: {  	s1 =	sld [smem:$0x3F9C];
	s0 =	simm.s32 @p0 $0x1  }
0x13: {  	[smem:$0x3FB7] =	sst s0;
	s0 =	simm.s32 @!p1 $0x0  }
0x14: {  	s2 =	sld [smem:$0x3F9B];
	s0 =	simm.s32 @p1 $0x1  }
0x15: {  	[smem:$0x3FB8] =	sst s0;
	s0 =	simm.s32 @!p2 $0x0  }
0x16: {  	s3 =	sld [smem:$0x3FDB];
	s0 =	simm.s32 @p2 $0x1  }
0x17: {  	s4 =	simm.s32 $0x1BF5;
	[smem:$0x3FBA] =	sst s0  }
0x18: {  	s0 =	sld [smem:$0x3F9D];
	_ =	swait.ge [sflag:s4], $0x0  }
0x19: {  	s7 =	sld [smem:$0x3F9E]  }
0x1a: {  	s8 =	sadd.s32 $0xFFFFE003, lr  }
0x1b: {  	s9 =	sadd.s32 $0xFFFFFEF7, lr;
	s5 =	simm.s32 $0xFFFFFFFF;
	p2 =	slt.u32 s8, $0xFFFFF086  }
0x1c: {  	p1 =	slt.u32 s9, $0xF7A;
	s5 =	simm.s32 @!p2 $0x0  }
0x1d: {  	s5 =	simm.s32 @p1 $0x1;
	p0 =	seq.s32 s7, s2  }
0x1e: {  	s7 =	smul.u32 @!p0 $0xF7A, s2;
	p2 =	seq.s32 @!p0 s5, $0x0  }
0x1f: {  	s9 =	smul.u32 $0xF7A, s1;
	s8 =	simm.s32 @!p0 $0x1BF5;
	p2 =	por !p2, p0  }
0x20: {  	[sflag:s8] =	ssyncset.s32 @!p0 $0xFFFFF086;
	s6 =	sadd.s32 @!p0 s3, s7;
	s7 =	simm.s32 @!p0 $0x108  }
0x21: {  	s3 =	sadd.s32 s3, s9;
	s6 =	sadd.s32 @!p0 $0x88, s6;
	s7 =	simm.s32 @p2 $0x1082  }
0x22: {  	[simem:s7], [sflag:s8] =	dma.local @!p0 [hbm:s6], $0xF7A  }
0x23: {  	s9 =	sor.u32 $0xD0000000, s2;
	s6 =	simm.s32 $0x108;
	_ =	swait.ge @!p0 [sflag:s8], $0x0  }
0x24: {  	s3 =	sadd.s32 $0x88, s3;
	s6 =	simm.s32 @!p1 $0x1082;
	[sflag:s4] =	ssyncset.s32 $0xFFFFF086  }
0x25: {  	[simem:s6], [sflag:s4] =	dma.local [hbm:s3], $0xF7A  }
0x26: {  	[smem:$0x3F9E] =	sst s1;
	(tag) =	ssettag s2;
	_ =	strace s9  }
0x27: {  	s1 =	sld [smem:$0x3FAE]  }
0x28: {  	s2 =	sld [smem:$0x3FAF]  }
0x29: {  	s4 =	sld [smem:$0x3FB1]  }
0x2a: {  	p0 =	seq.s32 s5, $0x0;
	s5 =	sld [smem:$0x3FB2]  }
0x2b: {  	s6 =	sld [smem:$0x3FB3]  }
0x2c: {  	s7 =	sld [smem:$0x3FB4]  }
0x2d: {  	s3 =	simm.s32 $0x108;
	s8 =	sld [smem:$0x3FB5]  }
0x2e: {  	s3 =	simm.s32 @!p0 $0x1082;
	s9 =	sld [smem:$0x3FB6]  }
0x2f: {  	lr =	sadd.s32 s0, s3;
	s0 =	sld [smem:$0x3FAD]  }
0x30: {  	s3 =	sld [smem:$0x3FB0]  }
0x31: {  	[smem:$0x3FB9] =	sst s10  }
0x32: {  	s10 =	sld [smem:$0x3FB7];
	_ =	sdelay $0x3  }
0x33: {  	p0 =	seq.s32 s10, $0x1;
	s10 =	sld [smem:$0x3FB9];
	_ =	sdelay $0x3  }
0x34: {  	[smem:$0x3FB9] =	sst s10  }
0x35: {  	s10 =	sld [smem:$0x3FB8];
	_ =	sdelay $0x3  }
0x36: {  	p1 =	seq.s32 s10, $0x1;
	s10 =	sld [smem:$0x3FB9];
	_ =	sdelay $0x3  }
0x37: {  	[smem:$0x3FB9] =	sst s10  }
0x38: {  	s10 =	sld [smem:$0x3FBA]  }
0x39: {  	_ = 	snop;
	(pc) =	sbr.ind lr, $3  }
0x3a: {  	_ = 	snop  }
0x3b: {  	_ = 	snop  }
0x3c: {  	p2 =	seq.s32 s10, $0x1;
	s10 =	sld [smem:$0x3FB9]  }
0x3d: {  	_ =	shalt  }
0x3e: {  	_ =	shalt  }
0x3f: {  	_ =	shalt  }
0x40: {  	_ =	shalt  }
0x41: {  	_ =	shalt  }
0x42: {  	_ =	shalt  }
0x43: {  	_ =	shalt  }
0x44: {  	_ =	shalt  }
0x45: {  	_ =	shalt  }
0x46: {  	_ =	shalt  }
0x47: {  	_ =	shalt  }
0x48: {  	_ =	shalt  }
0x49: {  	_ =	shalt  }
0x4a: {  	_ =	shalt  }
0x4b: {  	_ =	shalt  }
0x4c: {  	_ =	shalt  }
0x4d: {  	_ =	shalt  }
0x4e: {  	_ =	shalt  }
0x4f: {  	_ =	shalt  }
0x50: {  	_ =	shalt  }
0x51: {  	_ =	shalt  }
0x52: {  	_ =	shalt  }
0x53: {  	_ =	shalt  }
0x54: {  	_ =	shalt  }
0x55: {  	_ =	shalt  }
0x56: {  	_ =	shalt  }
0x57: {  	_ =	shalt  }
0x58: {  	_ =	shalt  }
0x59: {  	_ =	shalt  }
0x5a: {  	_ =	shalt  }
0x5b: {  	_ =	shalt  }
0x5c: {  	_ =	shalt  }
0x5d: {  	_ =	shalt  }
0x5e: {  	_ =	shalt  }
0x5f: {  	_ =	shalt  }
0x60: {  	_ =	shalt  }
0x61: {  	_ =	shalt  }
0x62: {  	_ =	shalt  }
0x63: {  	_ =	shalt  }
0x64: {  	_ =	shalt  }
0x65: {  	_ =	shalt  }
0x66: {  	_ =	shalt  }
0x67: {  	_ =	shalt  }
0x68: {  	_ =	shalt  }
0x69: {  	_ =	shalt  }
0x6a: {  	_ =	shalt  }
0x6b: {  	_ =	shalt  }
0x6c: {  	_ =	shalt  }
0x6d: {  	_ =	shalt  }
0x6e: {  	_ =	shalt  }
0x6f: {  	_ =	shalt  }
0x70: {  	_ =	shalt  }
0x71: {  	_ =	shalt  }
0x72: {  	_ =	shalt  }
0x73: {  	_ =	shalt  }
0x74: {  	_ =	shalt  }
0x75: {  	_ =	shalt  }
0x76: {  	_ =	shalt  }
0x77: {  	_ =	shalt  }
0x78: {  	_ =	shalt  }
0x79: {  	_ =	shalt  }
0x7a: {  	_ =	shalt  }
0x7b: {  	_ =	shalt  }
0x7c: {  	_ =	shalt  }
0x7d: {  	_ =	shalt  }
0x7e: {  	_ =	shalt  }
0x7f: {  	_ =	shalt  }
0x80: {  	_ =	shalt  }
0x81: {  	_ =	shalt  }
0x82: {  	_ =	shalt  }
0x83: {  	_ =	shalt  }
0x84: {  	_ =	shalt  }
0x85: {  	_ =	shalt  }
0x86: {  	_ =	shalt  }
0x87: {  	_ =	shalt  }
.Lfunc_end0:
.L_simem_size_0:
called_computation_lowered:
.L_overlay_start_0:
0x88: {  	s2 =	sld [smem:$0x3FD9]  }
0x89: {  	s3 =	sld [smem:$0x3FFE];
	_ =	sdelay $0x1  }
0x8a: {  	s1 =	srdreg.scid  }
0x8b: {  	s0 =	sand.u32 $0x1, s1  }
0x8c: {  	s14 =	sshll.u32 s0, $0xA;
	s2 =	sadd.s32 s3, s2  }
0x8d: {  	s2 =	sadd.s32 s2, s14  }
0x8e: {  	[smem:$0x3FC5] =	sst s2  }
0x8f: {  	_ = 	snop  }
0x90: {  	s2 =	sld [smem:$0x3FD0];
	_ =	sdelay $0x2  }
0x91: {  	s15 =	simm.s32 $0xA;
	s4 =	simm.s32 $0x10  }
0x92: {  	[smem:s4], [sflag:s15] =	dma.local [hbm:s2], $0x1  }
0x93: {  	_ =	swait.eq [sflag:s15], $0x1  }
0x94: {  	[sflag:s15] =	ssyncset.done $0x0  }
0x95: {  	[sflag:s15] =	ssyncadd.s32 $0xFFFFFFFF  }
0x96: {  	s16 =	sld [smem:$0x10];
	(tm) =	ssettm $0x1  }
0x97: {  	s17 =	sld [smem:$0x3FFB];
	_ =	sdelay $0x3  }
0x98: {  	_ =	strace s17  }
0x99: {  	s3 =	sld [smem:$0x3FFC];
	_ =	sdelay $0x3  }
0x9a: {  	_ =	strace s3  }
0x9b: {  	s3 =	sld [smem:$0x3FFD];
	_ =	sdelay $0x3  }
0x9c: {  	_ =	strace s3  }
0x9d: {  	_ =	strace $0x8FFFFFFF  }
0x9e: {  	s18 =	sld [smem:$0x3FDB];
	_ =	sdelay $0x1  }
0x9f: {  	s19 =	simm.s32 $_scs_section_size  }
0xa0: {  	s5 =	simm.s32 $_size__tile_overlayer_lowered;
	s6 =	simm.s32 $_tile_overlayer_lowered  }
0xa1: {  	s22 =	simm.s32 $0x1BFF;
	s21 =	sshll.u32 s6, $0x1;
	s3 =	sadd.s32 s19, s18  }
0xa2: {  	s7 =	simm.s32 $0x0;
	s20 =	sshll.u32 s5, $0x1;
	s5 =	sadd.s32 s21, s3  }
0xa3: {  	[timem:s7], [sflag:s22] =	dma.local [hbm:s5], s20  }
0xa4: {  	_ =	swait.ge [sflag:s22], s20  }
0xa5: {  	s4 =	ssub.s32 $0x0, s20;
	[sflag:s22] =	ssyncset.done $0x0  }
0xa6: {  	[sflag:s22] =	ssyncadd.s32 s4;
	_ =	sdelay $0x1  }
0xa7: {  	s23 =	simm.s32 $0x1B8B  }
0xa8: {  	_ =	swait.ge [sflag:s23], $0x1  }
0xa9: {  	[sflag:s23] =	ssyncset.done $0x0  }
0xaa: {  	s25 =	simm.s32 $0x1B8E;
	s24 =	sld [smem:$0x3FFE];
	[sflag:s23] =	ssyncadd.s32 $0xFFFFFFFF  }
0xab: {  	s26 =	simm.s32 $execute0_lowered;
	[smem:$0x3FD2] =	sst s25  }
0xac: {  	s5 =	sshll.u32 s26, $0x1;
	_ =	strace $0x80000046;
	[dreg:$0x1] =	wrdreg $0xFFFFFFFF  }
0xad: {  	s28 =	simm.s32 $_size_execute0_lowered;
	s3 =	sadd.s32 s3, s5;
	[dreg:$0x0] =	wrdreg $0x0  }
0xae: {  	s5 =	sshll.u32 s28, $0x1;
	[dreg:$0x2] =	wrdreg s3  }
0xaf: {  	[dreg:$0x3] =	wrdreg s5  }
0xb0: {  	[dreg:$0x4] =	wrdreg $0xC0  }
0xb1: {  	_ =	task [dreg:s7], $0x5FFFF  }
0xb2: {  	[dreg:$0x1] =	wrdreg $0xFFFFFFFF  }
0xb3: {  	[dreg:$0x0] =	wrdreg $0x60  }
0xb4: {  	[dreg:$0x2] =	wrdreg s24  }
0xb5: {  	[dreg:$0x3] =	wrdreg s16  }
0xb6: {  	[dreg:$0x4] =	wrdreg $0xC7000  }
0xb7: {  	[dreg:$0x5] =	wrdreg $0xC9800  }
0xb8: {  	[dreg:$0x6] =	wrdreg $0x9  }
0xb9: {  	_ =	task.clear_ibuf [dreg:s7], $0x7FFFF;
	_ =	strace $0x90000046  }
0xba: {  	s29 =	simm.s32 $0x9;
	_ =	strace $0x80000048  }
0xbb: {  	_ =	swait.ge [sflag:s29], $0x1  }
0xbc: {  	[sflag:s29] =	ssyncadd.s32 $0xFFFFFFFF  }
0xbd: {  	_ =	strace $0x90000048  }
0xbe: {  	_ =	sfence  }
0xbf: {  	s30 =	sld [smem:$0x0];
	_ =	sdelay $0x2  }
0xc0: {  	s31 =	sshll.u32 s1, $0xD;
	s1 =	sshrl.u32 s1, $0x2  }
0xc1: {  	s3 =	sand.u32 $0x4000, s31;
	s1 =	sadd.s32 s1, s30  }
0xc2: {  	s0 =	sor.u32 s3, s0;
	s1 =	sshll.u32 s1, $0x11  }
0xc3: {  	s0 =	sor.u32 s1, s0  }
0xc4: {  	s0 =	sadd.s32 $0x8F2B, s0  }
0xc5: {  	[sflag:s0] =	ssyncadd.remote.s32 $0x1  }
0xc6: {  	_ =	sfence.sel $0xFFFF  }
0xc7: {  	[dreg:$0x0] =	wrdreg $0xFFFFFFFF;
	(pc) =	sbr.abs _section_cstart, $3  }
0xc8: {  	[dreg:$0x1] =	wrdreg $0xFFFFFFFF  }
0xc9: {  	_ =	task.clear_ibuf [dreg:s7], $0x2FFFF;
	_ =	strace $0x9FFFFFFF  }
0xca: {  	(tm) =	ssettm $0x7FFFFFFF  }
0xcb: {  	_ =	shalt  }
tec
execute0_lowered:
.L_overlay_start_1:
0x0: {  	(tag) =	ssettag $0x1  }
0x1: {  	s6 =	rddreg [dreg:$0x0]  }
0x2: {  	s7 =	rddreg [dreg:$0x1]  }
0x3: {  	s1 =	rddreg [dreg:$0x2]  }
0x4: {  	s2 =	rddreg [dreg:$0x3]  }
0x5: {  	s0 =	rddreg [dreg:$0x4]  }
0x6: {  	s5 =	srdreg.scid;
	s3 =	stileid.u32  }
0x7: {  	s4 =	simm.s32 $0x0;
	s13 =	simm.s32 $0x4F00;
	s14 =	simm.s32 $0x7680  }
0x8: {  	s15 =	simm.s32 $0x9E80;
	s16 =	simm.s32 $0x50;
	s17 =	simm.s32 $0xC680  }
0x9: {  	s20 =	simm.s32 $0x0;
	s8 =	sand.u32 $0x1, s5;
	s31 =	sshll.u32 s3, $0x1  }
0xa: {  	[smem:$0x7FF] =	sst s4;
	s10 =	sshll.u32 s3, $0xA;
	p0 =	sne.s32 s3, $0x0  }
0xb: {  	p1 =	sgt.u32 s3, $0x9;
	s9 =	smul.u32 $0x2800, s8;
	s5 =	sor.u32 s8, s31  }
0xc: {  	_ =	strace $0x80000047;
	s8 =	ssub.s32 $0x2, s8;
	s18 =	sadd.s32 s10, s1  }
0xd: {  	s19 =	sadd.s32 s10, s2;
	s11 =	smul.u32 $0x2710, s5;
	s5 =	sadd.s32 $0x1E00, s6  }
0xe: {  	s12 =	sshrl.u32 s8, $0x1;
	s18 =	sshrl.u32 @!p1 s18, $0x3;
	s9 =	sadd.s32 s9, s10  }
0xf: {  	s19 =	sshrl.u32 @!p1 s19, $0x3;
	s12 =	ssub.s32 s8, s12;
	s9 =	sshrl.u32 s9, $0x3  }
0x10: {  	v0 =	vlaneseq.u32;
	s11 =	sshrl.u32 s11, $0x3;
	s10 =	smax.u32 s12, $0x1;
	s12 =	simm.s32 $0x2780  }
0x11: {  	v5 =	vimm.f32 $0.0e+00;
	v6 =	vimm.f32 $1.000000000e+00;
	v1 =	vor.u32 $0x10, v0;
	s9 =	sadd.s32 s9, s6;
	s6 =	sadd.s32 s7, s11;
	s11 =	simm.s32 $0x1  }
0x12: {  	v2 =	vor.u32 $0x20, v0;
	v3 =	vor.u32 $0x30, v0;
	v4 =	vor.u32 $0x40, v0;
	s7 =	sadd.s32 $0x9C40, s6;
	s8 =	sadd.s32 $0x2400, s9;
	s9 =	sadd.s32 $0x2E00, s9  }
.LBB2_1:
0x13: {  	[tilespmem:$0xC680] =	vst v0  }
0x14: {  	[tilespmem:$0xC690] =	vst v1  }
0x15: {  	[tilespmem:$0xC6A0] =	vst v2  }
0x16: {  	[tilespmem:$0xC6B0] =	vst v3  }
0x17: {  	[tilespmem:$0xC6C0] =	vst v4;
	s21 =	simm.s32 $0x0;
	s22 =	simm.s32 $0x200  }
.LBB2_2:
0x18: {  	p2 =	sne.s32 s22, $0x9E00;
	[tilespmem:s21+$0x9EF0] =	vst v5  }
0x19: {  	[tilespmem:s21+$0x7680] =	vst v5  }
0x1a: {  	[tilespmem:s21+$0x9E80] =	vst v5  }
0x1b: {  	[tilespmem:s21+$0x7690] =	vst v5  }
0x1c: {  	[tilespmem:s21+$0x9E90] =	vst v5  }
0x1d: {  	[tilespmem:s21+$0x76A0] =	vst v5  }
0x1e: {  	[tilespmem:s21+$0x9EA0] =	vst v5  }
0x1f: {  	[tilespmem:s21+$0x76B0] =	vst v5  }
0x20: {  	[tilespmem:s21+$0x9EB0] =	vst v5  }
0x21: {  	[tilespmem:s21+$0x76C0] =	vst v5  }
0x22: {  	[tilespmem:s21+$0x9EC0] =	vst v5  }
.Ltmp0:
0x23: {  	[tilespmem:s21+$0x76D0] =	vst v5;
	(pc) =	sbr.rel @p2 .LBB2_2-.Ltmp0, $4  }
0x24: {  	[tilespmem:s21+$0x9ED0] =	vst v5  }
0x25: {  	[tilespmem:s21+$0x76E0] =	vst v5  }
0x26: {  	[tilespmem:s21+$0x9EE0] =	vst v5  }
0x27: {  	[tilespmem:s21+$0x76F0] =	vst v5;
	s21 =	sshra.s32 s22, $0x2;
	s22 =	sadd.s32 $0x200, s22  }
0x28: {  	[tilespmem:s21+$0x9EF0] =	vst v5  }
0x29: {  	[tilespmem:s21+$0x7680] =	vst v5  }
0x2a: {  	[tilespmem:s21+$0x9E80] =	vst v5  }
0x2b: {  	[tilespmem:s21+$0x7690] =	vst v5  }
0x2c: {  	[tilespmem:s21+$0x9E90] =	vst v5  }
0x2d: {  	[tilespmem:s21+$0x76A0] =	vst v5  }
0x2e: {  	[tilespmem:s21+$0x9EA0] =	vst v5  }
0x2f: {  	[tilespmem:s21+$0x76B0] =	vst v5  }
0x30: {  	[tilespmem:s21+$0x9EB0] =	vst v5  }
0x31: {  	[tilespmem:s21+$0x76C0] =	vst v5  }
0x32: {  	[tilespmem:s21+$0x9EC0] =	vst v5  }
0x33: {  	[tilespmem:s21+$0x76D0] =	vst v5  }
0x34: {  	[tilespmem:s21+$0x9ED0] =	vst v5  }
0x35: {  	[tilespmem:s21+$0x76E0] =	vst v5  }
0x36: {  	[tilespmem:s21+$0x9EE0] =	vst v5  }
0x37: {  	[tilespmem:s21+$0x76F0] =	vst v5  }
0x38: {  	[tilespmem:s4], [sflag:$0x1] =	stream.linear.gather [hbm4b:s6+s4], $0x2710, $0x38;
	[tilespmem:$0xCC00] =	vst v63  }
0x39: {  	_ =	swait.ge [sflag:s11], $0x2710  }
0x3a: {  	[sflag:s11] =	ssyncset.done $0x0  }
0x3b: {  	[sflag:s11] =	ssyncadd.s32 $0xFFFFD8F0  }
0x3c: {  	[tilespmem:s12], [sflag:$0x1] =	stream.linear.gather [hbm4b:s7+s4], $0x2710, $0x38;
	[tilespmem:$0xCC00] =	vst v63  }
0x3d: {  	_ =	swait.ge [sflag:s11], $0x2710  }
0x3e: {  	[sflag:s11] =	ssyncset.done $0x0  }
0x3f: {  	[sflag:s11] =	ssyncadd.s32 $0xFFFFD8F0  }
0x40: {  	[tilespmem:s13], [sflag:$0x1] =	stream.linear.gather [hbm4b:s5+s4], $0x2780, $0x38;
	[tilespmem:$0xCC00] =	vst v63  }
0x41: {  	_ =	swait.ge [sflag:s11], $0x2780  }
0x42: {  	[sflag:s11] =	ssyncset.done $0x0  }
0x43: {  	s21 =	simm.s32 @!p0 $0x7680;
	[sflag:s11] =	ssyncadd.s32 $0xFFFFD880  }
0x44: {  	[spmem:s1] =	stream.linear.scatter @!p0 [tilespmem:s21], [sflag:$0x1], $0x2800, $0x38;
	[tilespmem:$0xCC00] =	vst v63  }
0x45: {  	s21 =	simm.s32 @!p0 $0x1  }
0x46: {  	_ =	swait.ge @!p0 [sflag:s21], $0x2800  }
0x47: {  	[sflag:s21] =	ssyncset.done @!p0 $0x0  }
0x48: {  	s22 =	simm.s32 @!p0 $0x9E80;
	[sflag:s21] =	ssyncadd.s32 @!p0 $0xFFFFD800  }
0x49: {  	[spmem:s2] =	stream.linear.scatter @!p0 [tilespmem:s22], [sflag:$0x1], $0x2800, $0x38;
	[tilespmem:$0xCC00] =	vst v63  }
0x4a: {  	_ =	swait.ge @!p0 [sflag:s21], $0x2800  }
0x4b: {  	[sflag:s21] =	ssyncset.done @!p0 $0x0  }
0x4c: {  	[sflag:s21] =	ssyncadd.s32 @!p0 $0xFFFFD800  }
0x4d: {  	s31 =	simm.s32 $0x0;
	[bflag:$0x0] =	sbarrier.arrive $0xFFFF  }
0x4e: {  	v7 =	vld [tilespmem:s31+$0x0]  }
0x4f: {  	v8 =	vld [tilespmem:s31+$0x10];
	_ =	sdelay $0x1  }
0x50: {  	v9 =	vld [tilespmem:s31+$0x20]  }
0x51: {  	v10 =	vld [tilespmem:s31+$0x30]  }
0x52: {  	v11 =	vmul.u32 $0xCF65, v7  }
0x53: {  	v12 =	vmul.u32 $0xCF65, v8  }
0x54: {  	v11 =	vshrl.u32 v11, $0x16  }
0x55: {  	v13 =	vmul.u32 $0xCF65, v9;
	v12 =	vshrl.u32 v12, $0x16;
	v11 =	vmul.u32 $0xFFFFD881, v11  }
0x56: {  	v7 =	vshll.u32 v7, $0x7;
	v59 =	vmul.u32 $0xCF65, v10;
	v58 =	vmul.u32 $0xFFFFD881, v12  }
0x57: {  	v8 =	vshll.u32 v8, $0x7;
	v13 =	vshrl.u32 v13, $0x16;
	v7 =	vadd.s32 v7, v11  }
0x58: {  	v60 =	vmul.u32 $0xFFFFD881, v13;
	v12 =	vshrl.u32 v59, $0x16;
	v8 =	vadd.s32 v8, v58  }
0x59: {  	v61 =	vld [tilespmem:s31+$0x2780];
	v9 =	vshll.u32 v9, $0x7;
	v12 =	vmul.u32 $0xFFFFD881, v12  }
0x5a: {  	v14 =	vld [tilespmem:s31+$0x2790];
	v10 =	vshll.u32 v10, $0x7;
	v9 =	vadd.s32 v9, v60  }
0x5b: {  	v63 =	vld [tilespmem:s31+$0x27A0];
	v10 =	vadd.s32 v10, v12  }
0x5c: {  	v62 =	vld.idx.msk [tilespmem:v7+s13+$0x0], $0xffff  }
0x5d: {  	v8 =	vld.idx.msk [tilespmem:v8+s13+$0x0], $0xffff  }
0x5e: {  	v7 =	vld [tilespmem:s31+$0x27B0]  }
0x5f: {  	v9 =	vld.idx.msk [tilespmem:v9+s13+$0x0], $0xffff  }
0x60: {  	v10 =	vld.idx.msk [tilespmem:v10+s13+$0x0], $0xffff  }
0x61: {  	[tilespmem:v61+s14+$0x0] =	vst.idx.add.f32.msk $0xffff, v62  }
0x62: {  	[tilespmem:v61+s15+$0x0] =	vst.idx.add.f32.msk $0xffff, v6  }
0x63: {  	[tilespmem:v14+s14+$0x0] =	vst.idx.add.f32.msk $0xffff, v8  }
0x64: {  	[tilespmem:v14+s15+$0x0] =	vst.idx.add.f32.msk $0xffff, v6  }
0x65: {  	[tilespmem:v63+s14+$0x0] =	vst.idx.add.f32.msk $0xffff, v9  }
0x66: {  	[tilespmem:v63+s15+$0x0] =	vst.idx.add.f32.msk $0xffff, v6  }
0x67: {  	s22 =	simm.s32 $0x200;
	s21 =	simm.s32 $0x100;
	[tilespmem:v7+s14+$0x0] =	vst.idx.add.f32.msk $0xffff, v10  }
.LBB2_4:
0x68: {  	p2 =	sne.s32 s22, $0x9B00  }
0x69: {  	s23 =	sshra.s32 s21, $0x2;
	[tilespmem:v7+s15+$0x0] =	vst.idx.add.f32.msk $0xffff, v6;
	s21 =	smov.u32 s22;
	s22 =	sadd.s32 $0x100, s22  }
0x6a: {  	v7 =	vld [tilespmem:s23+$0x0];
	_ =	sdelay $0x1  }
0x6b: {  	v8 =	vld [tilespmem:s23+$0x10];
	_ =	sdelay $0x1  }
0x6c: {  	v9 =	vld [tilespmem:s23+$0x20]  }
0x6d: {  	v10 =	vld [tilespmem:s23+$0x30];
	v11 =	vmul.u32 $0xCF65, v7;
	_ =	sdelay $0x1  }
0x6e: {  	v11 =	vshrl.u32 v11, $0x16;
	v12 =	vmul.u32 $0xCF65, v8  }
0x6f: {  	v11 =	vmul.u32 $0xFFFFD881, v11  }
0x70: {  	v7 =	vshll.u32 v7, $0x7;
	v12 =	vshrl.u32 v12, $0x16;
	v13 =	vmul.u32 $0xCF65, v9  }
0x71: {  	v7 =	vadd.s32 v7, v11;
	v11 =	vmul.u32 $0xFFFFD881, v12;
	v12 =	vmul.u32 $0xCF65, v10  }
0x72: {  	v8 =	vshll.u32 v8, $0x7;
	v13 =	vshrl.u32 v13, $0x16  }
0x73: {  	v8 =	vadd.s32 v8, v11;
	v11 =	vmul.u32 $0xFFFFD881, v13;
	v12 =	vshrl.u32 v12, $0x16  }
0x74: {  	v9 =	vshll.u32 v9, $0x7;
	v13 =	vld [tilespmem:s23+$0x2780];
	v12 =	vmul.u32 $0xFFFFD881, v12  }
0x75: {  	v10 =	vshll.u32 v10, $0x7;
	v14 =	vld [tilespmem:s23+$0x2790];
	v9 =	vadd.s32 v9, v11  }
0x76: {  	v11 =	vld.idx.msk [tilespmem:v7+s13+$0x0], $0xffff;
	v10 =	vadd.s32 v10, v12  }
0x77: {  	v12 =	vld [tilespmem:s23+$0x27A0]  }
0x78: {  	v8 =	vld.idx.msk [tilespmem:v8+s13+$0x0], $0xffff  }
0x79: {  	v7 =	vld [tilespmem:s23+$0x27B0]  }
0x7a: {  	v9 =	vld.idx.msk [tilespmem:v9+s13+$0x0], $0xffff  }
0x7b: {  	v10 =	vld.idx.msk [tilespmem:v10+s13+$0x0], $0xffff  }
0x7c: {  	[tilespmem:v13+s14+$0x0] =	vst.idx.add.f32.msk $0xffff, v11  }
0x7d: {  	[tilespmem:v13+s15+$0x0] =	vst.idx.add.f32.msk $0xffff, v6  }
.Ltmp1:
0x7e: {  	[tilespmem:v14+s14+$0x0] =	vst.idx.add.f32.msk $0xffff, v8;
	(pc) =	sbr.rel @p2 .LBB2_4-.Ltmp1, $4  }
0x7f: {  	[tilespmem:v14+s15+$0x0] =	vst.idx.add.f32.msk $0xffff, v6  }
0x80: {  	[tilespmem:v12+s14+$0x0] =	vst.idx.add.f32.msk $0xffff, v9  }
0x81: {  	[tilespmem:v12+s15+$0x0] =	vst.idx.add.f32.msk $0xffff, v6  }
0x82: {  	[tilespmem:v7+s14+$0x0] =	vst.idx.add.f32.msk $0xffff, v10  }
0x83: {  	_ =	sdelay $0x3  }
0x84: {  	s21 =	sshra.s32 s21, $0x2;
	[tilespmem:v7+s15+$0x0] =	vst.idx.add.f32.msk $0xffff, v6  }
0x85: {  	v7 =	vld [tilespmem:s21+$0x0];
	_ =	sdelay $0x1  }
0x86: {  	v8 =	vld [tilespmem:s21+$0x10]  }
0x87: {  	v9 =	vld [tilespmem:s21+$0x20]  }
0x88: {  	v10 =	vld [tilespmem:s21+$0x30]  }
0x89: {  	v11 =	vmul.u32 $0xCF65, v7;
	_ =	sdelay $0x1  }
0x8a: {  	v12 =	vmul.u32 $0xCF65, v8;
	v11 =	vshrl.u32 v11, $0x16  }
0x8b: {  	v13 =	vmul.u32 $0xCF65, v9;
	v11 =	vmul.u32 $0xFFFFD881, v11  }
0x8c: {  	v7 =	vshll.u32 v7, $0x7;
	v59 =	vmul.u32 $0xCF65, v10;
	v12 =	vshrl.u32 v12, $0x16  }
0x8d: {  	v13 =	vshrl.u32 v13, $0x16;
	v58 =	vmul.u32 $0xFFFFD881, v12;
	v7 =	vadd.s32 v7, v11  }
0x8e: {  	v8 =	vshll.u32 v8, $0x7;
	v60 =	vmul.u32 $0xFFFFD881, v13;
	v12 =	vshrl.u32 v59, $0x16  }
0x8f: {  	v61 =	vld [tilespmem:s21+$0x2780];
	v9 =	vshll.u32 v9, $0x7;
	v12 =	vmul.u32 $0xFFFFD881, v12;
	v8 =	vadd.s32 v8, v58  }
0x90: {  	v14 =	vld [tilespmem:s21+$0x2790];
	v10 =	vshll.u32 v10, $0x7;
	v9 =	vadd.s32 v9, v60  }
0x91: {  	v62 =	vld [tilespmem:s21+$0x27A0];
	v10 =	vadd.s32 v10, v12  }
0x92: {  	v7 =	vld.idx.msk [tilespmem:v7+s13+$0x0], $0xffff  }
0x93: {  	v63 =	vld [tilespmem:s21+$0x27B0]  }
0x94: {  	v8 =	vld.idx.msk [tilespmem:v8+s13+$0x0], $0xffff  }
0x95: {  	v9 =	vld.idx.msk [tilespmem:v9+s13+$0x0], $0xffff  }
0x96: {  	v10 =	vld.idx.msk [tilespmem:v10+s13+$0x0], $0xffff  }
0x97: {  	[tilespmem:v61+s14+$0x0] =	vst.idx.add.f32.msk $0xffff, v7  }
0x98: {  	[tilespmem:v61+s15+$0x0] =	vst.idx.add.f32.msk $0xffff, v6  }
0x99: {  	[tilespmem:v14+s14+$0x0] =	vst.idx.add.f32.msk $0xffff, v8  }
0x9a: {  	[tilespmem:v14+s15+$0x0] =	vst.idx.add.f32.msk $0xffff, v6  }
0x9b: {  	[tilespmem:v62+s14+$0x0] =	vst.idx.add.f32.msk $0xffff, v9  }
0x9c: {  	[tilespmem:v62+s15+$0x0] =	vst.idx.add.f32.msk $0xffff, v6  }
0x9d: {  	[tilespmem:v63+s14+$0x0] =	vst.idx.add.f32.msk $0xffff, v10  }
0x9e: {  	[tilespmem:v63+s15+$0x0] =	vst.idx.add.f32.msk $0xffff, v6  }
0x9f: {  	[spmem:s1] =	stream.indirect.scatter.add.f32 [tilespmem:s14], [sflag:$0x1], $0x80, s17, s16, $0xb8;
	[tilespmem:$0xCC00] =	vst v63  }
0xa0: {  	_ =	swait.ge [sflag:s11], $0x2800  }
0xa1: {  	[sflag:s11] =	ssyncset.done $0x0  }
0xa2: {  	[sflag:s11] =	ssyncadd.s32 $0xFFFFD800  }
0xa3: {  	[spmem:s2] =	stream.indirect.scatter.add.f32 [tilespmem:s15], [sflag:$0x1], $0x80, s17, s16, $0xb8;
	[tilespmem:$0xCC00] =	vst v63  }
0xa4: {  	_ =	swait.ge [sflag:s11], $0x2800  }
0xa5: {  	[sflag:s11] =	ssyncset.done $0x0  }
0xa6: {  	s21 =	sshll.u32 @!p1 s3, $0x6;
	[sflag:s11] =	ssyncadd.s32 $0xFFFFD800  }
0xa7: {  	s22 =	simm.s32 @!p1 $0x1;
	s21 =	sor.u32 @!p1 $0x1C01, s21;
	[bflag:$0x0] =	sbarrier.arrive $0xFFFF  }
0xa8: {  	[hbm:s8], [sflag:s21] =	dma.local @!p1 [spmem:s18], $0x80  }
0xa9: {  	s20 =	sadd.s32 $0x1, s20;
	_ =	swait.ge @!p1 [sflag:s22], $0x80  }
0xaa: {  	p2 =	sne.s32 s20, s10;
	[sflag:s22] =	ssyncset.done @!p1 $0x0  }
.Ltmp2:
0xab: {  	[sflag:s22] =	ssyncadd.s32 @!p1 $0xFFFFFF80;
	(pc) =	sbr.rel @p2 .LBB2_1-.Ltmp2, $4  }
0xac: {  	[hbm:s9], [sflag:s21] =	dma.local @!p1 [spmem:s19], $0x80  }
0xad: {  	_ =	swait.ge @!p1 [sflag:s22], $0x80  }
0xae: {  	[sflag:s22] =	ssyncset.done @!p1 $0x0  }
0xaf: {  	[sflag:s22] =	ssyncadd.s32 @!p1 $0xFFFFFF80  }
0xb0: {  	_ =	sfence.sel $0x180000  }
0xb1: {  	[bflag:$0x0] =	sbarrier.arrive $0xFFFF  }
0xb2: {  	_ =	strace $0x90000047  }
0xb3: {  	s0 =	sadd.s32 @!p0 $0x100000, s0;
	[bflag:$0x2] =	sbarrier.arrive $0xFFFF  }
0xb4: {  	[sflag:s0] =	ssyncadd.tile.s32 @!p0 $0x1;
	_ =	shalt  }
.Lfunc_end2:
_tile_overlayer_lowered:
.L_overlay_start_2:
0xb5: {  	(tag) =	ssettag $0x2  }
0xb6: {  	s0 =	rddreg [dreg:$0x0];
	s2 =	stileid.u32  }
0xb7: {  	s1 =	rddreg [dreg:$0x1];
	p0 =	sne.s32 s2, $0x0  }
0xb8: {  	s3 =	rddreg [dreg:$0x2];
	[bflag:$0x3] =	sbarrier.arrive $0xFFFF;
	s2 =	simm.s32 @!p0 $0x1C01  }
0xb9: {  	[timem:s3], [sflag:s2] =	dma.local @!p0 [hbm:s0], s1  }
0xba: {  	s0 =	simm.s32 @!p0 $0x1  }
0xbb: {  	_ =	swait.ge @!p0 [sflag:s0], s1  }
0xbc: {  	s1 =	ssub.s32 @!p0 $0x0, s1;
	[sflag:s0] =	ssyncset.done @!p0 $0x0  }
0xbd: {  	[sflag:s0] =	ssyncadd.s32 @!p0 s1  }
0xbe: {  	[bflag:$0x3] =	sbarrier.arrive $0xFFFF  }
0xbf: {  	_ =	shalt  }

</sc_bundles>
